<compile_context>
chip_gen: v7x
topology: tpu7x:2x2x1
jax: 0.10.2.dev20260603
libtpu: 0.0.44.dev20260713+nightly
codegen_flags: <defaults>
</compile_context>

<pallas_src>
import functools

import numpy as np

import jax
import jax.numpy as jnp
from jax import lax
from jax.experimental import pallas as pl
from jax.experimental.pallas import tpu as pltpu
from jax.experimental.pallas import tpu_sc as plsc

B = 4096
L = 200
D = 16
V = 10000

NC, NS = 2, 16
NW = NC * NS
NHIST = 9
NSING = 15
SHARDS = 4
BPS = B // SHARDS
BPW = B // NW
CB = 64
NJOB_H = BPS // CB
NJOB_T = BPW // CB
NJOB = NJOB_H + NJOB_T
TROWS = V * 8

_SINGLE_POS = [0, 2, 4, 6, 8, 10, 12, 13, 14, 16, 17, 18, 19, 20, 22]
_HIST_POS = [1, 3, 5, 7, 9, 11, 15, 21, 23]
_MY_ORDER = _SINGLE_POS + _HIST_POS
_ROW_PERM = np.concatenate([np.arange(p * D, (p + 1) * D) for p in _MY_ORDER])

_SINGLE_OFF = np.array([0, 1, 2, 3, 4, 5, 6, 6, 7, 8, 8, 9, 10, 11, 13],
                       dtype=np.int32) * V


def _gather_step(tbl_v, idx, accs):
    idx8 = idx << 3
    new = list(accs)
    for p in range(8):
        w = plsc.load_gather(tbl_v, [idx8 + p])
        bf = plsc.bitcast(w, jnp.bfloat16)
        e, o = plsc.unpack(bf, format=plsc.PackFormat.INTERLEAVED,
                           preferred_element_type=jnp.float32)
        new[2 * p] = new[2 * p] + e
        new[2 * p + 1] = new[2 * p + 1] + o
    return tuple(new)


def _accum_192(tbl_v, idx_ref, start, accs_init):
    def body(v, accs):
        return _gather_step(tbl_v, idx_ref[pl.ds(start + v * 16, 16)], accs)
    return lax.fori_loop(0, 12, body, accs_init)


def _accum_half(tbl_v, idx_ref, off, lo, accs):
    iota = lax.iota(jnp.int32, 16)
    keep = (iota < 8) if lo else (iota >= 8)
    idx = jnp.where(keep, idx_ref[pl.ds(off, 16)], 0)
    return _gather_step(tbl_v, idx, accs)


def _finalize(accs, stage_v):
    for dd in range(16):
        stage_v[pl.ds(dd * 16, 16)] = plsc.cumsum(accs[dd])
    lane15 = lax.iota(jnp.int32, 16) * 16 + 15
    return plsc.load_gather(stage_v, [lane15])


def _sc_body(table_hbm, tblp_hbm, hidx_hbm, sidx_hbm, out_hbm,
             tbl_v, cidx_v, outv_v, stage_v, sidx_v, srow_v, sem_s):
    wid = lax.axis_index("s") * NC + lax.axis_index("c")
    base_b = wid * BPW

    for s in range(NSING):
        pltpu.sync_copy(sidx_hbm.at[pl.ds(s * B + base_b, BPW)], sidx_v)
        pltpu.async_copy(table_hbm.at[sidx_v], srow_v, sem_s).wait()
        pltpu.sync_copy(srow_v,
                        out_hbm.at[pl.ds(base_b, BPW), pl.ds(s * D, D)])

    col = wid // SHARDS
    shard = lax.rem(wid, SHARDS)
    pltpu.sync_copy(tblp_hbm.at[pl.ds(col * TROWS, TROWS)],
                    tbl_v.at[pl.ds(0, TROWS)])
    pltpu.sync_copy(tblp_hbm.at[pl.ds(8 * TROWS, 48)],
                    tbl_v.at[pl.ds(TROWS, 48)])

    def job_body(k, carry):
        heavy = k < NJOB_H
        b0 = jnp.where(heavy, shard * BPS + k * CB,
                       base_b + (k - NJOB_H) * CB)
        src_col = jnp.where(heavy, col, 8)
        src = src_col * (B * L) + b0 * L
        pltpu.sync_copy(hidx_hbm.at[pl.ds(src, CB * L)], cidx_v)
        dstc = jnp.where(heavy, (NSING + col) * D, 23 * D)

        def pair_body(pr, carry2):
            base = pr * (2 * L)
            z16 = tuple(jnp.zeros((16,), jnp.float32) for _ in range(16))
            accs = _accum_192(tbl_v, cidx_v, base, z16)
            accs = _accum_half(tbl_v, cidx_v, base + 192, True, accs)
            outv_v[2 * pr] = _finalize(accs, stage_v) * (1.0 / L)
            accs = _accum_half(tbl_v, cidx_v, base + 192, False, z16)
            accs = _accum_192(tbl_v, cidx_v, base + 208, accs)
            outv_v[2 * pr + 1] = _finalize(accs, stage_v) * (1.0 / L)
            return carry2

        lax.fori_loop(0, CB // 2, pair_body, 0)
        pltpu.sync_copy(outv_v, out_hbm.at[pl.ds(b0, CB), pl.ds(dstc, D)])
        return carry

    lax.fori_loop(0, NJOB, job_body, 0)


@functools.cache
def _sc_embed():
    return pl.kernel(
        _sc_body,
        out_type=jax.ShapeDtypeStruct((B, 24 * D), jnp.float32),
        mesh=plsc.VectorSubcoreMesh(core_axis_name="c",
                                    subcore_axis_name="s"),
        compiler_params=pltpu.CompilerParams(use_tc_tiling_on_sc=False,
                                             needs_layout_passes=False),
        scratch_types=[
            pltpu.VMEM((TROWS + 48,), jnp.int32),
            pltpu.VMEM((CB * L,), jnp.int32),
            pltpu.VMEM((CB, D), jnp.float32),
            pltpu.VMEM((256,), jnp.float32),
            pltpu.VMEM((BPW,), jnp.int32),
            pltpu.VMEM((BPW, D), jnp.float32),
            pltpu.SemaphoreType.DMA,
        ],
    )


def _bn(x, g, b):
    mu = jnp.mean(x, axis=0, keepdims=True)
    var = jnp.mean((x - mu) ** 2, axis=0, keepdims=True)
    return (x - mu) / jnp.sqrt(var + 1e-5) * g + b


def _dense_body(emb_ref, dense_ref,
                w0a, w0b, b0, g0, be0, w1, b1, g1, be1, w2, b2, g2, be2,
                fw0a, fw0b, fw0c, fb0, fg0, fbe0, fw1, fb1, fg1, fbe1,
                fw2t, fb2, out_ref):
    emb = emb_ref[...]
    dense = dense_ref[...]

    x = (jnp.dot(emb, w0a[...], preferred_element_type=jnp.float32)
         + jnp.dot(dense, w0b[...], preferred_element_type=jnp.float32)
         + b0[...])
    x = _bn(jax.nn.relu(x), g0[...], be0[...])
    x = jnp.dot(x, w1[...], preferred_element_type=jnp.float32) + b1[...]
    x = _bn(jax.nn.relu(x), g1[...], be1[...])
    x = jnp.dot(x, w2[...], preferred_element_type=jnp.float32) + b2[...]
    dnn_out = _bn(jax.nn.relu(x), g2[...], be2[...])

    linear = jnp.sum(emb, axis=1, keepdims=True)
    s = emb[:, 0:D]
    ssq = s * s
    for c in range(1, 24):
        e = emb[:, c * D:(c + 1) * D]
        s = s + e
        ssq = ssq + e * e
    cross = 0.5 * (s * s - ssq)

    y = (jnp.dot(dnn_out, fw0a[...], preferred_element_type=jnp.float32)
         + linear * fw0b[...]
         + jnp.dot(cross, fw0c[...], preferred_element_type=jnp.float32)
         + fb0[...])
    y = _bn(jax.nn.relu(y), fg0[...], fbe0[...])
    y = jnp.dot(y, fw1[...], preferred_element_type=jnp.float32) + fb1[...]
    y = _bn(jax.nn.relu(y), fg1[...], fbe1[...])
    logit = jnp.sum(y * fw2t[...], axis=1, keepdims=True) + fb2[...]
    out_ref[...] = 1.0 / (1.0 + jnp.exp(-logit))


def kernel(shop_id, shop_id_list, item_id, item_id_list, category_1_id,
           category_1_id_list, merge_standard_food_id,
           merge_standard_food_id_list, brand_id, brand_id_list,
           shop_aoi_id, shop_aoi_id_list, shop_geohash_12, geohash12,
           shop_geohash_6, shop_geohash6_list, visit_city, city_id,
           user_id, district_id, times, timediff_list, time_type,
           time_type_list, table_share_0, table_share_1, table_share_2,
           table_share_3, table_share_4, table_share_5, table_share_6,
           table_share_7, table_share_8, table_user_id, table_district_id,
           table_times, table_timediff_list, table_type, dense,
           dnn_W0, dnn_b0, dnn_g0, dnn_beta0,
           dnn_W1, dnn_b1, dnn_g1, dnn_beta1,
           dnn_W2, dnn_b2, dnn_g2, dnn_beta2,
           fdnn_W0, fdnn_b0, fdnn_g0, fdnn_beta0,
           fdnn_W1, fdnn_b1, fdnn_g1, fdnn_beta1,
           fdnn_W2, fdnn_b2):
    tables = jnp.concatenate(
        [table_share_0, table_share_1, table_share_2, table_share_3,
         table_share_4, table_share_5, table_share_6, table_share_7,
         table_share_8, table_user_id, table_district_id, table_times,
         table_timediff_list, table_type], axis=0)

    heavy = jnp.concatenate(
        [table_share_0, table_share_1, table_share_2, table_share_3,
         table_share_4, table_share_5, table_share_7,
         table_timediff_list], axis=0)
    type_pad = jnp.concatenate(
        [table_type, jnp.zeros((2, D), jnp.float32)], axis=0)
    packed = jnp.concatenate([heavy, type_pad], axis=0)
    packed = lax.bitcast_convert_type(
        packed.astype(jnp.bfloat16).reshape(-1, 2), jnp.int32).reshape(-1)

    hist = jnp.stack(
        [shop_id_list, item_id_list, category_1_id_list,
         merge_standard_food_id_list, brand_id_list, shop_aoi_id_list,
         shop_geohash6_list, timediff_list,
         time_type_list + V])
    hidx = hist.astype(jnp.int32).reshape(-1)
    sing = jnp.stack(
        [shop_id, item_id, category_1_id, merge_standard_food_id, brand_id,
         shop_aoi_id, shop_geohash_12, geohash12, shop_geohash_6,
         visit_city, city_id, user_id, district_id, times, time_type])
    sidx = (sing.astype(jnp.int32)
            + jnp.asarray(_SINGLE_OFF).reshape(NSING, 1)).reshape(-1)

    emb = _sc_embed()(tables, packed, hidx, sidx)

    w0p = dnn_W0[jnp.asarray(_ROW_PERM)]
    row = lambda v: v.reshape(1, -1)
    out = pl.pallas_call(
        _dense_body,
        out_shape=jax.ShapeDtypeStruct((B, 1), jnp.float32),
    )(emb, dense,
      w0p, dnn_W0[24 * D:], row(dnn_b0), row(dnn_g0), row(dnn_beta0),
      dnn_W1, row(dnn_b1), row(dnn_g1), row(dnn_beta1),
      dnn_W2, row(dnn_b2), row(dnn_g2), row(dnn_beta2),
      fdnn_W0[0:32], fdnn_W0[32:33], fdnn_W0[33:49],
      row(fdnn_b0), row(fdnn_g0), row(fdnn_beta0),
      fdnn_W1, row(fdnn_b1), row(fdnn_g1), row(fdnn_beta1),
      fdnn_W2.reshape(1, -1), row(fdnn_b2))
    return out.reshape(-1)

# --- scband reference (transcript-rebuilt; emitter-appended) ---
"""Pipeline reference for scband-deep-fm-38646115729844 (READ-ONLY COPY).

The authoritative reference and input builder live on the scoring server;
editing this copy changes nothing except your own understanding.
"""

import jax, jax.numpy as jnp
import numpy as np

SHARE = [("shop_id","shop_id_list"),("item_id","item_id_list"),("category_1_id","category_1_id_list"),("merge_standard_food_id","merge_standard_food_id_list"),("brand_id","brand_id_list"),("shop_aoi_id","shop_aoi_id_list"),("shop_geohash_12","geohash12"),("shop_geohash_6","shop_geohash6_list"),("visit_city","city_id")]
EMB_COLS = ["user_id","district_id","times","timediff_list"]
TYPE_COLS = ["time_type","time_type_list"]
HISTORY = {"shop_id_list","item_id_list","category_1_id_list","merge_standard_food_id_list","brand_id_list","price_list","shop_aoi_id_list","shop_geohash6_list","timediff_list","hours_list","time_type_list","weekdays_list"}
ALL_COLS = [c for pair in SHARE for c in pair] + EMB_COLS + TYPE_COLS
COL2TBL = {}
for _i, (_a, _b) in enumerate(SHARE):
    COL2TBL[_a] = COL2TBL[_b] = "table_share_%d" % _i
for _c in EMB_COLS:
    COL2TBL[_c] = "table_" + _c
for _c in TYPE_COLS:
    COL2TBL[_c] = "table_type"
B = 4096; L = 200; D = 16; V = 10000; TV = 6
DNN_UNITS = [396, 512, 128, 32]
FDNN_UNITS = [49, 128, 64, 1]


def _dnn_params(key, units, prefix):
    p = {}
    ks = jax.random.split(key, len(units))
    for i in range(len(units) - 1):
        k1, k2 = jax.random.split(ks[i])
        p[prefix + "_W%d" % i] = jax.random.normal(k1, (units[i], units[i + 1]), jnp.float32) / np.sqrt(units[i])
        p[prefix + "_b%d" % i] = jnp.zeros((units[i + 1],), jnp.float32)
        if units[i + 1] != 1:
            p[prefix + "_g%d" % i] = jnp.ones((units[i + 1],), jnp.float32)
            p[prefix + "_beta%d" % i] = jnp.zeros((units[i + 1],), jnp.float32)
    return p


def setup_inputs(seed: int = 0) -> dict:
    key = jax.random.key(seed)
    kc = [0]
    def nk():
        kc[0] += 1
        return jax.random.fold_in(key, kc[0])
    inp = {}
    for c in ALL_COLS:
        vmax = TV if c in TYPE_COLS else V
        shape = (B, L) if c in HISTORY else (B,)
        inp[c] = jax.random.randint(nk(), shape, 0, vmax)
    def mk_table(n):
        t = jax.random.normal(nk(), (n, D), jnp.float32) * 0.05
        return t.at[0].set(0.0)  # padding_idx=0
    for i in range(len(SHARE)):
        inp["table_share_%d" % i] = mk_table(V)
    for c in EMB_COLS:
        inp["table_" + c] = mk_table(V)
    inp["table_type"] = mk_table(TV)
    inp["dense"] = jax.random.normal(nk(), (B, 12), jnp.float32)
    inp.update(_dnn_params(nk(), DNN_UNITS, "dnn"))
    inp.update(_dnn_params(nk(), FDNN_UNITS, "fdnn"))
    return inp


def _bn(x, g, b):
    mu = jnp.mean(x, axis=0)
    var = jnp.mean((x - mu) ** 2, axis=0)
    return (x - mu) / jnp.sqrt(var + 1e-5) * g + b


def _run_dnn(x, p, prefix, units):
    for i in range(len(units) - 1):
        x = x @ p[prefix + "_W%d" % i] + p[prefix + "_b%d" % i]
        if units[i + 1] != 1:
            x = jax.nn.relu(x)
            x = _bn(x, p[prefix + "_g%d" % i], p[prefix + "_beta%d" % i])
    return x


def _forward(floats, ints):
    emb = {}
    for c in ALL_COLS:
        e = jnp.take(floats[COL2TBL[c]], ints[c], axis=0)
        if c in HISTORY:
            e = jnp.mean(e, axis=1)
        emb[c] = e
    dnn_in = jnp.concatenate([emb[c] for c in ALL_COLS] + [floats["dense"]], axis=1)
    wide_in = jnp.concatenate([emb[c] for c in ALL_COLS], axis=1)
    fm_in = jnp.stack([emb[c] for c in ALL_COLS], axis=1)
    dnn_out = _run_dnn(dnn_in, floats, "dnn", DNN_UNITS)
    linear_out = jnp.sum(wide_in, axis=1, keepdims=True)
    square_of_sum = jnp.sum(fm_in, axis=1) ** 2
    sum_of_square = jnp.sum(fm_in * fm_in, axis=1)
    cross = 0.5 * (square_of_sum - sum_of_square)
    all_in = jnp.concatenate([dnn_out, linear_out, cross], axis=1)
    logit = _run_dnn(all_in, floats, "fdnn", FDNN_UNITS)
    return jax.nn.sigmoid(logit).reshape(-1)


def reference(shop_id, shop_id_list, item_id, item_id_list, category_1_id,
              category_1_id_list, merge_standard_food_id,
              merge_standard_food_id_list, brand_id, brand_id_list,
              shop_aoi_id, shop_aoi_id_list, shop_geohash_12, geohash12,
              shop_geohash_6, shop_geohash6_list, visit_city, city_id,
              user_id, district_id, times, timediff_list, time_type,
              time_type_list, table_share_0, table_share_1, table_share_2,
              table_share_3, table_share_4, table_share_5, table_share_6,
              table_share_7, table_share_8, table_user_id, table_district_id,
              table_times, table_timediff_list, table_type, dense,
              dnn_W0, dnn_b0, dnn_g0, dnn_beta0,
              dnn_W1, dnn_b1, dnn_g1, dnn_beta1,
              dnn_W2, dnn_b2, dnn_g2, dnn_beta2,
              fdnn_W0, fdnn_b0, fdnn_g0, fdnn_beta0,
              fdnn_W1, fdnn_b1, fdnn_g1, fdnn_beta1,
              fdnn_W2, fdnn_b2):
    inputs = dict(locals())
    ints = {c: inputs[c] for c in ALL_COLS}
    floats = {k: v for k, v in inputs.items() if k not in ints}
    return _forward(floats, ints)

if __name__ == "__main__":
    import jax
    _d = setup_inputs()
    print(jax.jit(kernel)(*tuple(_d.values())))

</pallas_src>

<mosaic_0001>
#map = affine_map<(d0, d1) -> (0, 0)>
#map1 = affine_map<(d0, d1) -> (0)>
module attributes {stable_mosaic.version = 14 : i64} {
  func.func @_sc_body(%arg0: i32, %arg1: i32, %arg2: memref<130006x16xf32, #tpu.memory_space<hbm>>, %arg3: memref<640064xi32, #tpu.memory_space<hbm>>, %arg4: memref<7372800xi32, #tpu.memory_space<hbm>>, %arg5: memref<61440xi32, #tpu.memory_space<hbm>>, %arg6: memref<4096x384xf32, #tpu.memory_space<hbm>>, %arg7: memref<80048xi32, #tpu.memory_space<vmem>>, %arg8: memref<12800xi32, #tpu.memory_space<vmem>>, %arg9: memref<64x16xf32, #tpu.memory_space<vmem>>, %arg10: memref<256xf32, #tpu.memory_space<vmem>>, %arg11: memref<128xi32, #tpu.memory_space<vmem>>, %arg12: memref<128x16xf32, #tpu.memory_space<vmem>>, %arg13: memref<!tpu.dma_semaphore, #tpu.memory_space<semaphore_mem>>) attributes {dimension_semantics = [#tpu.dimension_semantics<core_parallel>, #tpu.dimension_semantics<subcore_parallel>], iteration_bounds = array<i64: 2, 16>, scalar_prefetch = 0 : i64, scratch_operands = 7 : i64, tpu.core_type = #tpu.core_type<sc_vector_subcore>, window_params = [{transform_indices = #map}, {transform_indices = #map1}, {transform_indices = #map1}, {transform_indices = #map1}, {transform_indices = #map}]} {
    %mul3A = arith.constant 2 : i32
    %mul3A_0 = arith.muli %arg1, %mul3A : i32
    %add3A = arith.addi %mul3A_0, %arg0 : i32
    %mul3A_1 = arith.constant 128 : i32
    %mul3A_2 = arith.muli %add3A, %mul3A_1 : i32
    %add3A_3 = arith.constant 0 : i32
    %add3A_4 = arith.addi %add3A_3, %mul3A_2 : i32
    "tpu.region"() ({
      %run_scoped3A = tpu.sem_alloc : memref<!tpu.dma_semaphore, #tpu.memory_space<semaphore_mem>>
      %dma_start3A_146 = tpu.memref_slice %arg5[%add3A_4] : memref<61440xi32, #tpu.memory_space<hbm>> -> memref<128xi32, #tpu.memory_space<hbm>>
      %dma_start3A_147 = tpu.memref_slice %arg5[%add3A_4] : memref<61440xi32, #tpu.memory_space<hbm>> -> memref<128xi32, #tpu.memory_space<hbm>>
      tpu.enqueue_dma source(%dma_start3A_147 : memref<128xi32, #tpu.memory_space<hbm>>) target(%arg11 : memref<128xi32, #tpu.memory_space<vmem>>) target_semaphore(%run_scoped3A : memref<!tpu.dma_semaphore, #tpu.memory_space<semaphore_mem>>)
      %dma_wait3A_148 = tpu.memref_slice %arg5[%add3A_4] : memref<61440xi32, #tpu.memory_space<hbm>> -> memref<128xi32, #tpu.memory_space<hbm>>
      %dma_wait3A_149 = tpu.memref_slice %arg5[%add3A_4] : memref<61440xi32, #tpu.memory_space<hbm>> -> memref<128xi32, #tpu.memory_space<hbm>>
      tpu.wait_dma2 semaphore(%run_scoped3A : memref<!tpu.dma_semaphore, #tpu.memory_space<semaphore_mem>>) src(%dma_wait3A_149 : memref<128xi32, #tpu.memory_space<hbm>>) dst(%arg11 : memref<128xi32, #tpu.memory_space<vmem>>)
      tpu.yield
    }) : () -> ()
    %dma_start3A = arith.constant 0 : i32
    %dma_start3A_5 = arith.constant 0 : i32
    %dma_start3A_6 = tpu.memref_slice %arg2[%dma_start3A, %dma_start3A_5] : memref<130006x16xf32, #tpu.memory_space<hbm>> -> memref<130006x16xf32, #tpu.memory_space<hbm>>
    tpu.enqueue_indirect_dma source(%dma_start3A_6 : memref<130006x16xf32, #tpu.memory_space<hbm>>) target(%arg12 : memref<128x16xf32, #tpu.memory_space<vmem>>) offsets(%arg11 : memref<128xi32, #tpu.memory_space<vmem>>) semaphore(%arg13 : memref<!tpu.dma_semaphore, #tpu.memory_space<semaphore_mem>>)
    %dma_wait3A = arith.constant 0 : i32
    %dma_wait3A_7 = arith.constant 0 : i32
    %dma_wait3A_8 = tpu.memref_slice %arg2[%dma_wait3A, %dma_wait3A_7] : memref<130006x16xf32, #tpu.memory_space<hbm>> -> memref<130006x16xf32, #tpu.memory_space<hbm>>
    tpu.wait_indirect_dma semaphore(%arg13 : memref<!tpu.dma_semaphore, #tpu.memory_space<semaphore_mem>>) src(%dma_wait3A_8 : memref<130006x16xf32, #tpu.memory_space<hbm>>) dst(%arg12 : memref<128x16xf32, #tpu.memory_space<vmem>>)
    "tpu.region"() ({
      %run_scoped3A = tpu.sem_alloc : memref<!tpu.dma_semaphore, #tpu.memory_space<semaphore_mem>>
      %dma_start3A_146 = arith.constant 0 : i32
      %dma_start3A_147 = tpu.memref_slice %arg6[%mul3A_2, %dma_start3A_146] : memref<4096x384xf32, #tpu.memory_space<hbm>> -> memref<128x16xf32, #tpu.memory_space<hbm>>
      %dma_start3A_148 = arith.constant 0 : i32
      %dma_start3A_149 = tpu.memref_slice %arg6[%mul3A_2, %dma_start3A_148] : memref<4096x384xf32, #tpu.memory_space<hbm>> -> memref<128x16xf32, #tpu.memory_space<hbm>>
      tpu.enqueue_dma source(%arg12 : memref<128x16xf32, #tpu.memory_space<vmem>>) target(%dma_start3A_149 : memref<128x16xf32, #tpu.memory_space<hbm>>) target_semaphore(%run_scoped3A : memref<!tpu.dma_semaphore, #tpu.memory_space<semaphore_mem>>)
      %dma_wait3A_150 = arith.constant 0 : i32
      %dma_wait3A_151 = tpu.memref_slice %arg6[%mul3A_2, %dma_wait3A_150] : memref<4096x384xf32, #tpu.memory_space<hbm>> -> memref<128x16xf32, #tpu.memory_space<hbm>>
      %dma_wait3A_152 = arith.constant 0 : i32
      %dma_wait3A_153 = tpu.memref_slice %arg6[%mul3A_2, %dma_wait3A_152] : memref<4096x384xf32, #tpu.memory_space<hbm>> -> memref<128x16xf32, #tpu.memory_space<hbm>>
      tpu.wait_dma2 semaphore(%run_scoped3A : memref<!tpu.dma_semaphore, #tpu.memory_space<semaphore_mem>>) src(%arg12 : memref<128x16xf32, #tpu.memory_space<vmem>>) dst(%dma_wait3A_153 : memref<128x16xf32, #tpu.memory_space<hbm>>)
      tpu.yield
    }) : () -> ()
    %add3A_9 = arith.constant 4096 : i32
    %add3A_10 = arith.addi %add3A_9, %mul3A_2 : i32
    "tpu.region"() ({
      %run_scoped3A = tpu.sem_alloc : memref<!tpu.dma_semaphore, #tpu.memory_space<semaphore_mem>>
      %dma_start3A_146 = tpu.memref_slice %arg5[%add3A_10] : memref<61440xi32, #tpu.memory_space<hbm>> -> memref<128xi32, #tpu.memory_space<hbm>>
      %dma_start3A_147 = tpu.memref_slice %arg5[%add3A_10] : memref<61440xi32, #tpu.memory_space<hbm>> -> memref<128xi32, #tpu.memory_space<hbm>>
      tpu.enqueue_dma source(%dma_start3A_147 : memref<128xi32, #tpu.memory_space<hbm>>) target(%arg11 : memref<128xi32, #tpu.memory_space<vmem>>) target_semaphore(%run_scoped3A : memref<!tpu.dma_semaphore, #tpu.memory_space<semaphore_mem>>)
      %dma_wait3A_148 = tpu.memref_slice %arg5[%add3A_10] : memref<61440xi32, #tpu.memory_space<hbm>> -> memref<128xi32, #tpu.memory_space<hbm>>
      %dma_wait3A_149 = tpu.memref_slice %arg5[%add3A_10] : memref<61440xi32, #tpu.memory_space<hbm>> -> memref<128xi32, #tpu.memory_space<hbm>>
      tpu.wait_dma2 semaphore(%run_scoped3A : memref<!tpu.dma_semaphore, #tpu.memory_space<semaphore_mem>>) src(%dma_wait3A_149 : memref<128xi32, #tpu.memory_space<hbm>>) dst(%arg11 : memref<128xi32, #tpu.memory_space<vmem>>)
      tpu.yield
    }) : () -> ()
    %dma_start3A_11 = arith.constant 0 : i32
    %dma_start3A_12 = arith.constant 0 : i32
    %dma_start3A_13 = tpu.memref_slice %arg2[%dma_start3A_11, %dma_start3A_12] : memref<130006x16xf32, #tpu.memory_space<hbm>> -> memref<130006x16xf32, #tpu.memory_space<hbm>>
    tpu.enqueue_indirect_dma source(%dma_start3A_13 : memref<130006x16xf32, #tpu.memory_space<hbm>>) target(%arg12 : memref<128x16xf32, #tpu.memory_space<vmem>>) offsets(%arg11 : memref<128xi32, #tpu.memory_space<vmem>>) semaphore(%arg13 : memref<!tpu.dma_semaphore, #tpu.memory_space<semaphore_mem>>)
    %dma_wait3A_14 = arith.constant 0 : i32
    %dma_wait3A_15 = arith.constant 0 : i32
    %dma_wait3A_16 = tpu.memref_slice %arg2[%dma_wait3A_14, %dma_wait3A_15] : memref<130006x16xf32, #tpu.memory_space<hbm>> -> memref<130006x16xf32, #tpu.memory_space<hbm>>
    tpu.wait_indirect_dma semaphore(%arg13 : memref<!tpu.dma_semaphore, #tpu.memory_space<semaphore_mem>>) src(%dma_wait3A_16 : memref<130006x16xf32, #tpu.memory_space<hbm>>) dst(%arg12 : memref<128x16xf32, #tpu.memory_space<vmem>>)
    "tpu.region"() ({
      %run_scoped3A = tpu.sem_alloc : memref<!tpu.dma_semaphore, #tpu.memory_space<semaphore_mem>>
      %dma_start3A_146 = arith.constant 16 : i32
      %dma_start3A_147 = tpu.memref_slice %arg6[%mul3A_2, %dma_start3A_146] : memref<4096x384xf32, #tpu.memory_space<hbm>> -> memref<128x16xf32, #tpu.memory_space<hbm>>
      %dma_start3A_148 = arith.constant 16 : i32
      %dma_start3A_149 = tpu.memref_slice %arg6[%mul3A_2, %dma_start3A_148] : memref<4096x384xf32, #tpu.memory_space<hbm>> -> memref<128x16xf32, #tpu.memory_space<hbm>>
      tpu.enqueue_dma source(%arg12 : memref<128x16xf32, #tpu.memory_space<vmem>>) target(%dma_start3A_149 : memref<128x16xf32, #tpu.memory_space<hbm>>) target_semaphore(%run_scoped3A : memref<!tpu.dma_semaphore, #tpu.memory_space<semaphore_mem>>)
      %dma_wait3A_150 = arith.constant 16 : i32
      %dma_wait3A_151 = tpu.memref_slice %arg6[%mul3A_2, %dma_wait3A_150] : memref<4096x384xf32, #tpu.memory_space<hbm>> -> memref<128x16xf32, #tpu.memory_space<hbm>>
      %dma_wait3A_152 = arith.constant 16 : i32
      %dma_wait3A_153 = tpu.memref_slice %arg6[%mul3A_2, %dma_wait3A_152] : memref<4096x384xf32, #tpu.memory_space<hbm>> -> memref<128x16xf32, #tpu.memory_space<hbm>>
      tpu.wait_dma2 semaphore(%run_scoped3A : memref<!tpu.dma_semaphore, #tpu.memory_space<semaphore_mem>>) src(%arg12 : memref<128x16xf32, #tpu.memory_space<vmem>>) dst(%dma_wait3A_153 : memref<128x16xf32, #tpu.memory_space<hbm>>)
      tpu.yield
    }) : () -> ()
    %add3A_17 = arith.constant 8192 : i32
    %add3A_18 = arith.addi %add3A_17, %mul3A_2 : i32
    "tpu.region"() ({
      %run_scoped3A = tpu.sem_alloc : memref<!tpu.dma_semaphore, #tpu.memory_space<semaphore_mem>>
      %dma_start3A_146 = tpu.memref_slice %arg5[%add3A_18] : memref<61440xi32, #tpu.memory_space<hbm>> -> memref<128xi32, #tpu.memory_space<hbm>>
      %dma_start3A_147 = tpu.memref_slice %arg5[%add3A_18] : memref<61440xi32, #tpu.memory_space<hbm>> -> memref<128xi32, #tpu.memory_space<hbm>>
      tpu.enqueue_dma source(%dma_start3A_147 : memref<128xi32, #tpu.memory_space<hbm>>) target(%arg11 : memref<128xi32, #tpu.memory_space<vmem>>) target_semaphore(%run_scoped3A : memref<!tpu.dma_semaphore, #tpu.memory_space<semaphore_mem>>)
      %dma_wait3A_148 = tpu.memref_slice %arg5[%add3A_18] : memref<61440xi32, #tpu.memory_space<hbm>> -> memref<128xi32, #tpu.memory_space<hbm>>
      %dma_wait3A_149 = tpu.memref_slice %arg5[%add3A_18] : memref<61440xi32, #tpu.memory_space<hbm>> -> memref<128xi32, #tpu.memory_space<hbm>>
      tpu.wait_dma2 semaphore(%run_scoped3A : memref<!tpu.dma_semaphore, #tpu.memory_space<semaphore_mem>>) src(%dma_wait3A_149 : memref<128xi32, #tpu.memory_space<hbm>>) dst(%arg11 : memref<128xi32, #tpu.memory_space<vmem>>)
      tpu.yield
    }) : () -> ()
    %dma_start3A_19 = arith.constant 0 : i32
    %dma_start3A_20 = arith.constant 0 : i32
    %dma_start3A_21 = tpu.memref_slice %arg2[%dma_start3A_19, %dma_start3A_20] : memref<130006x16xf32, #tpu.memory_space<hbm>> -> memref<130006x16xf32, #tpu.memory_space<hbm>>
    tpu.enqueue_indirect_dma source(%dma_start3A_21 : memref<130006x16xf32, #tpu.memory_space<hbm>>) target(%arg12 : memref<128x16xf32, #tpu.memory_space<vmem>>) offsets(%arg11 : memref<128xi32, #tpu.memory_space<vmem>>) semaphore(%arg13 : memref<!tpu.dma_semaphore, #tpu.memory_space<semaphore_mem>>)
    %dma_wait3A_22 = arith.constant 0 : i32
    %dma_wait3A_23 = arith.constant 0 : i32
    %dma_wait3A_24 = tpu.memref_slice %arg2[%dma_wait3A_22, %dma_wait3A_23] : memref<130006x16xf32, #tpu.memory_space<hbm>> -> memref<130006x16xf32, #tpu.memory_space<hbm>>
    tpu.wait_indirect_dma semaphore(%arg13 : memref<!tpu.dma_semaphore, #tpu.memory_space<semaphore_mem>>) src(%dma_wait3A_24 : memref<130006x16xf32, #tpu.memory_space<hbm>>) dst(%arg12 : memref<128x16xf32, #tpu.memory_space<vmem>>)
    "tpu.region"() ({
      %run_scoped3A = tpu.sem_alloc : memref<!tpu.dma_semaphore, #tpu.memory_space<semaphore_mem>>
      %dma_start3A_146 = arith.constant 32 : i32
      %dma_start3A_147 = tpu.memref_slice %arg6[%mul3A_2, %dma_start3A_146] : memref<4096x384xf32, #tpu.memory_space<hbm>> -> memref<128x16xf32, #tpu.memory_space<hbm>>
      %dma_start3A_148 = arith.constant 32 : i32
      %dma_start3A_149 = tpu.memref_slice %arg6[%mul3A_2, %dma_start3A_148] : memref<4096x384xf32, #tpu.memory_space<hbm>> -> memref<128x16xf32, #tpu.memory_space<hbm>>
      tpu.enqueue_dma source(%arg12 : memref<128x16xf32, #tpu.memory_space<vmem>>) target(%dma_start3A_149 : memref<128x16xf32, #tpu.memory_space<hbm>>) target_semaphore(%run_scoped3A : memref<!tpu.dma_semaphore, #tpu.memory_space<semaphore_mem>>)
      %dma_wait3A_150 = arith.constant 32 : i32
      %dma_wait3A_151 = tpu.memref_slice %arg6[%mul3A_2, %dma_wait3A_150] : memref<4096x384xf32, #tpu.memory_space<hbm>> -> memref<128x16xf32, #tpu.memory_space<hbm>>
      %dma_wait3A_152 = arith.constant 32 : i32
      %dma_wait3A_153 = tpu.memref_slice %arg6[%mul3A_2, %dma_wait3A_152] : memref<4096x384xf32, #tpu.memory_space<hbm>> -> memref<128x16xf32, #tpu.memory_space<hbm>>
      tpu.wait_dma2 semaphore(%run_scoped3A : memref<!tpu.dma_semaphore, #tpu.memory_space<semaphore_mem>>) src(%arg12 : memref<128x16xf32, #tpu.memory_space<vmem>>) dst(%dma_wait3A_153 : memref<128x16xf32, #tpu.memory_space<hbm>>)
      tpu.yield
    }) : () -> ()
    %add3A_25 = arith.constant 12288 : i32
    %add3A_26 = arith.addi %add3A_25, %mul3A_2 : i32
    "tpu.region"() ({
      %run_scoped3A = tpu.sem_alloc : memref<!tpu.dma_semaphore, #tpu.memory_space<semaphore_mem>>
      %dma_start3A_146 = tpu.memref_slice %arg5[%add3A_26] : memref<61440xi32, #tpu.memory_space<hbm>> -> memref<128xi32, #tpu.memory_space<hbm>>
      %dma_start3A_147 = tpu.memref_slice %arg5[%add3A_26] : memref<61440xi32, #tpu.memory_space<hbm>> -> memref<128xi32, #tpu.memory_space<hbm>>
      tpu.enqueue_dma source(%dma_start3A_147 : memref<128xi32, #tpu.memory_space<hbm>>) target(%arg11 : memref<128xi32, #tpu.memory_space<vmem>>) target_semaphore(%run_scoped3A : memref<!tpu.dma_semaphore, #tpu.memory_space<semaphore_mem>>)
      %dma_wait3A_148 = tpu.memref_slice %arg5[%add3A_26] : memref<61440xi32, #tpu.memory_space<hbm>> -> memref<128xi32, #tpu.memory_space<hbm>>
      %dma_wait3A_149 = tpu.memref_slice %arg5[%add3A_26] : memref<61440xi32, #tpu.memory_space<hbm>> -> memref<128xi32, #tpu.memory_space<hbm>>
      tpu.wait_dma2 semaphore(%run_scoped3A : memref<!tpu.dma_semaphore, #tpu.memory_space<semaphore_mem>>) src(%dma_wait3A_149 : memref<128xi32, #tpu.memory_space<hbm>>) dst(%arg11 : memref<128xi32, #tpu.memory_space<vmem>>)
      tpu.yield
    }) : () -> ()
    %dma_start3A_27 = arith.constant 0 : i32
    %dma_start3A_28 = arith.constant 0 : i32
    %dma_start3A_29 = tpu.memref_slice %arg2[%dma_start3A_27, %dma_start3A_28] : memref<130006x16xf32, #tpu.memory_space<hbm>> -> memref<130006x16xf32, #tpu.memory_space<hbm>>
    tpu.enqueue_indirect_dma source(%dma_start3A_29 : memref<130006x16xf32, #tpu.memory_space<hbm>>) target(%arg12 : memref<128x16xf32, #tpu.memory_space<vmem>>) offsets(%arg11 : memref<128xi32, #tpu.memory_space<vmem>>) semaphore(%arg13 : memref<!tpu.dma_semaphore, #tpu.memory_space<semaphore_mem>>)
    %dma_wait3A_30 = arith.constant 0 : i32
    %dma_wait3A_31 = arith.constant 0 : i32
    %dma_wait3A_32 = tpu.memref_slice %arg2[%dma_wait3A_30, %dma_wait3A_31] : memref<130006x16xf32, #tpu.memory_space<hbm>> -> memref<130006x16xf32, #tpu.memory_space<hbm>>
    tpu.wait_indirect_dma semaphore(%arg13 : memref<!tpu.dma_semaphore, #tpu.memory_space<semaphore_mem>>) src(%dma_wait3A_32 : memref<130006x16xf32, #tpu.memory_space<hbm>>) dst(%arg12 : memref<128x16xf32, #tpu.memory_space<vmem>>)
    "tpu.region"() ({
      %run_scoped3A = tpu.sem_alloc : memref<!tpu.dma_semaphore, #tpu.memory_space<semaphore_mem>>
      %dma_start3A_146 = arith.constant 48 : i32
      %dma_start3A_147 = tpu.memref_slice %arg6[%mul3A_2, %dma_start3A_146] : memref<4096x384xf32, #tpu.memory_space<hbm>> -> memref<128x16xf32, #tpu.memory_space<hbm>>
      %dma_start3A_148 = arith.constant 48 : i32
      %dma_start3A_149 = tpu.memref_slice %arg6[%mul3A_2, %dma_start3A_148] : memref<4096x384xf32, #tpu.memory_space<hbm>> -> memref<128x16xf32, #tpu.memory_space<hbm>>
      tpu.enqueue_dma source(%arg12 : memref<128x16xf32, #tpu.memory_space<vmem>>) target(%dma_start3A_149 : memref<128x16xf32, #tpu.memory_space<hbm>>) target_semaphore(%run_scoped3A : memref<!tpu.dma_semaphore, #tpu.memory_space<semaphore_mem>>)
      %dma_wait3A_150 = arith.constant 48 : i32
      %dma_wait3A_151 = tpu.memref_slice %arg6[%mul3A_2, %dma_wait3A_150] : memref<4096x384xf32, #tpu.memory_space<hbm>> -> memref<128x16xf32, #tpu.memory_space<hbm>>
      %dma_wait3A_152 = arith.constant 48 : i32
      %dma_wait3A_153 = tpu.memref_slice %arg6[%mul3A_2, %dma_wait3A_152] : memref<4096x384xf32, #tpu.memory_space<hbm>> -> memref<128x16xf32, #tpu.memory_space<hbm>>
      tpu.wait_dma2 semaphore(%run_scoped3A : memref<!tpu.dma_semaphore, #tpu.memory_space<semaphore_mem>>) src(%arg12 : memref<128x16xf32, #tpu.memory_space<vmem>>) dst(%dma_wait3A_153 : memref<128x16xf32, #tpu.memory_space<hbm>>)
      tpu.yield
    }) : () -> ()
    %add3A_33 = arith.constant 16384 : i32
    %add3A_34 = arith.addi %add3A_33, %mul3A_2 : i32
    "tpu.region"() ({
      %run_scoped3A = tpu.sem_alloc : memref<!tpu.dma_semaphore, #tpu.memory_space<semaphore_mem>>
      %dma_start3A_146 = tpu.memref_slice %arg5[%add3A_34] : memref<61440xi32, #tpu.memory_space<hbm>> -> memref<128xi32, #tpu.memory_space<hbm>>
      %dma_start3A_147 = tpu.memref_slice %arg5[%add3A_34] : memref<61440xi32, #tpu.memory_space<hbm>> -> memref<128xi32, #tpu.memory_space<hbm>>
      tpu.enqueue_dma source(%dma_start3A_147 : memref<128xi32, #tpu.memory_space<hbm>>) target(%arg11 : memref<128xi32, #tpu.memory_space<vmem>>) target_semaphore(%run_scoped3A : memref<!tpu.dma_semaphore, #tpu.memory_space<semaphore_mem>>)
      %dma_wait3A_148 = tpu.memref_slice %arg5[%add3A_34] : memref<61440xi32, #tpu.memory_space<hbm>> -> memref<128xi32, #tpu.memory_space<hbm>>
      %dma_wait3A_149 = tpu.memref_slice %arg5[%add3A_34] : memref<61440xi32, #tpu.memory_space<hbm>> -> memref<128xi32, #tpu.memory_space<hbm>>
      tpu.wait_dma2 semaphore(%run_scoped3A : memref<!tpu.dma_semaphore, #tpu.memory_space<semaphore_mem>>) src(%dma_wait3A_149 : memref<128xi32, #tpu.memory_space<hbm>>) dst(%arg11 : memref<128xi32, #tpu.memory_space<vmem>>)
      tpu.yield
    }) : () -> ()
    %dma_start3A_35 = arith.constant 0 : i32
    %dma_start3A_36 = arith.constant 0 : i32
    %dma_start3A_37 = tpu.memref_slice %arg2[%dma_start3A_35, %dma_start3A_36] : memref<130006x16xf32, #tpu.memory_space<hbm>> -> memref<130006x16xf32, #tpu.memory_space<hbm>>
    tpu.enqueue_indirect_dma source(%dma_start3A_37 : memref<130006x16xf32, #tpu.memory_space<hbm>>) target(%arg12 : memref<128x16xf32, #tpu.memory_space<vmem>>) offsets(%arg11 : memref<128xi32, #tpu.memory_space<vmem>>) semaphore(%arg13 : memref<!tpu.dma_semaphore, #tpu.memory_space<semaphore_mem>>)
    %dma_wait3A_38 = arith.constant 0 : i32
    %dma_wait3A_39 = arith.constant 0 : i32
    %dma_wait3A_40 = tpu.memref_slice %arg2[%dma_wait3A_38, %dma_wait3A_39] : memref<130006x16xf32, #tpu.memory_space<hbm>> -> memref<130006x16xf32, #tpu.memory_space<hbm>>
    tpu.wait_indirect_dma semaphore(%arg13 : memref<!tpu.dma_semaphore, #tpu.memory_space<semaphore_mem>>) src(%dma_wait3A_40 : memref<130006x16xf32, #tpu.memory_space<hbm>>) dst(%arg12 : memref<128x16xf32, #tpu.memory_space<vmem>>)
    "tpu.region"() ({
      %run_scoped3A = tpu.sem_alloc : memref<!tpu.dma_semaphore, #tpu.memory_space<semaphore_mem>>
      %dma_start3A_146 = arith.constant 64 : i32
      %dma_start3A_147 = tpu.memref_slice %arg6[%mul3A_2, %dma_start3A_146] : memref<4096x384xf32, #tpu.memory_space<hbm>> -> memref<128x16xf32, #tpu.memory_space<hbm>>
      %dma_start3A_148 = arith.constant 64 : i32
      %dma_start3A_149 = tpu.memref_slice %arg6[%mul3A_2, %dma_start3A_148] : memref<4096x384xf32, #tpu.memory_space<hbm>> -> memref<128x16xf32, #tpu.memory_space<hbm>>
      tpu.enqueue_dma source(%arg12 : memref<128x16xf32, #tpu.memory_space<vmem>>) target(%dma_start3A_149 : memref<128x16xf32, #tpu.memory_space<hbm>>) target_semaphore(%run_scoped3A : memref<!tpu.dma_semaphore, #tpu.memory_space<semaphore_mem>>)
      %dma_wait3A_150 = arith.constant 64 : i32
      %dma_wait3A_151 = tpu.memref_slice %arg6[%mul3A_2, %dma_wait3A_150] : memref<4096x384xf32, #tpu.memory_space<hbm>> -> memref<128x16xf32, #tpu.memory_space<hbm>>
      %dma_wait3A_152 = arith.constant 64 : i32
      %dma_wait3A_153 = tpu.memref_slice %arg6[%mul3A_2, %dma_wait3A_152] : memref<4096x384xf32, #tpu.memory_space<hbm>> -> memref<128x16xf32, #tpu.memory_space<hbm>>
      tpu.wait_dma2 semaphore(%run_scoped3A : memref<!tpu.dma_semaphore, #tpu.memory_space<semaphore_mem>>) src(%arg12 : memref<128x16xf32, #tpu.memory_space<vmem>>) dst(%dma_wait3A_153 : memref<128x16xf32, #tpu.memory_space<hbm>>)
      tpu.yield
    }) : () -> ()
    %add3A_41 = arith.constant 20480 : i32
    %add3A_42 = arith.addi %add3A_41, %mul3A_2 : i32
    "tpu.region"() ({
      %run_scoped3A = tpu.sem_alloc : memref<!tpu.dma_semaphore, #tpu.memory_space<semaphore_mem>>
      %dma_start3A_146 = tpu.memref_slice %arg5[%add3A_42] : memref<61440xi32, #tpu.memory_space<hbm>> -> memref<128xi32, #tpu.memory_space<hbm>>
      %dma_start3A_147 = tpu.memref_slice %arg5[%add3A_42] : memref<61440xi32, #tpu.memory_space<hbm>> -> memref<128xi32, #tpu.memory_space<hbm>>
      tpu.enqueue_dma source(%dma_start3A_147 : memref<128xi32, #tpu.memory_space<hbm>>) target(%arg11 : memref<128xi32, #tpu.memory_space<vmem>>) target_semaphore(%run_scoped3A : memref<!tpu.dma_semaphore, #tpu.memory_space<semaphore_mem>>)
      %dma_wait3A_148 = tpu.memref_slice %arg5[%add3A_42] : memref<61440xi32, #tpu.memory_space<hbm>> -> memref<128xi32, #tpu.memory_space<hbm>>
      %dma_wait3A_149 = tpu.memref_slice %arg5[%add3A_42] : memref<61440xi32, #tpu.memory_space<hbm>> -> memref<128xi32, #tpu.memory_space<hbm>>
      tpu.wait_dma2 semaphore(%run_scoped3A : memref<!tpu.dma_semaphore, #tpu.memory_space<semaphore_mem>>) src(%dma_wait3A_149 : memref<128xi32, #tpu.memory_space<hbm>>) dst(%arg11 : memref<128xi32, #tpu.memory_space<vmem>>)
      tpu.yield
    }) : () -> ()
    %dma_start3A_43 = arith.constant 0 : i32
    %dma_start3A_44 = arith.constant 0 : i32
    %dma_start3A_45 = tpu.memref_slice %arg2[%dma_start3A_43, %dma_start3A_44] : memref<130006x16xf32, #tpu.memory_space<hbm>> -> memref<130006x16xf32, #tpu.memory_space<hbm>>
    tpu.enqueue_indirect_dma source(%dma_start3A_45 : memref<130006x16xf32, #tpu.memory_space<hbm>>) target(%arg12 : memref<128x16xf32, #tpu.memory_space<vmem>>) offsets(%arg11 : memref<128xi32, #tpu.memory_space<vmem>>) semaphore(%arg13 : memref<!tpu.dma_semaphore, #tpu.memory_space<semaphore_mem>>)
    %dma_wait3A_46 = arith.constant 0 : i32
    %dma_wait3A_47 = arith.constant 0 : i32
    %dma_wait3A_48 = tpu.memref_slice %arg2[%dma_wait3A_46, %dma_wait3A_47] : memref<130006x16xf32, #tpu.memory_space<hbm>> -> memref<130006x16xf32, #tpu.memory_space<hbm>>
    tpu.wait_indirect_dma semaphore(%arg13 : memref<!tpu.dma_semaphore, #tpu.memory_space<semaphore_mem>>) src(%dma_wait3A_48 : memref<130006x16xf32, #tpu.memory_space<hbm>>) dst(%arg12 : memref<128x16xf32, #tpu.memory_space<vmem>>)
    "tpu.region"() ({
      %run_scoped3A = tpu.sem_alloc : memref<!tpu.dma_semaphore, #tpu.memory_space<semaphore_mem>>
      %dma_start3A_146 = arith.constant 80 : i32
      %dma_start3A_147 = tpu.memref_slice %arg6[%mul3A_2, %dma_start3A_146] : memref<4096x384xf32, #tpu.memory_space<hbm>> -> memref<128x16xf32, #tpu.memory_space<hbm>>
      %dma_start3A_148 = arith.constant 80 : i32
      %dma_start3A_149 = tpu.memref_slice %arg6[%mul3A_2, %dma_start3A_148] : memref<4096x384xf32, #tpu.memory_space<hbm>> -> memref<128x16xf32, #tpu.memory_space<hbm>>
      tpu.enqueue_dma source(%arg12 : memref<128x16xf32, #tpu.memory_space<vmem>>) target(%dma_start3A_149 : memref<128x16xf32, #tpu.memory_space<hbm>>) target_semaphore(%run_scoped3A : memref<!tpu.dma_semaphore, #tpu.memory_space<semaphore_mem>>)
      %dma_wait3A_150 = arith.constant 80 : i32
      %dma_wait3A_151 = tpu.memref_slice %arg6[%mul3A_2, %dma_wait3A_150] : memref<4096x384xf32, #tpu.memory_space<hbm>> -> memref<128x16xf32, #tpu.memory_space<hbm>>
      %dma_wait3A_152 = arith.constant 80 : i32
      %dma_wait3A_153 = tpu.memref_slice %arg6[%mul3A_2, %dma_wait3A_152] : memref<4096x384xf32, #tpu.memory_space<hbm>> -> memref<128x16xf32, #tpu.memory_space<hbm>>
      tpu.wait_dma2 semaphore(%run_scoped3A : memref<!tpu.dma_semaphore, #tpu.memory_space<semaphore_mem>>) src(%arg12 : memref<128x16xf32, #tpu.memory_space<vmem>>) dst(%dma_wait3A_153 : memref<128x16xf32, #tpu.memory_space<hbm>>)
      tpu.yield
    }) : () -> ()
    %add3A_49 = arith.constant 24576 : i32
    %add3A_50 = arith.addi %add3A_49, %mul3A_2 : i32
    "tpu.region"() ({
      %run_scoped3A = tpu.sem_alloc : memref<!tpu.dma_semaphore, #tpu.memory_space<semaphore_mem>>
      %dma_start3A_146 = tpu.memref_slice %arg5[%add3A_50] : memref<61440xi32, #tpu.memory_space<hbm>> -> memref<128xi32, #tpu.memory_space<hbm>>
      %dma_start3A_147 = tpu.memref_slice %arg5[%add3A_50] : memref<61440xi32, #tpu.memory_space<hbm>> -> memref<128xi32, #tpu.memory_space<hbm>>
      tpu.enqueue_dma source(%dma_start3A_147 : memref<128xi32, #tpu.memory_space<hbm>>) target(%arg11 : memref<128xi32, #tpu.memory_space<vmem>>) target_semaphore(%run_scoped3A : memref<!tpu.dma_semaphore, #tpu.memory_space<semaphore_mem>>)
      %dma_wait3A_148 = tpu.memref_slice %arg5[%add3A_50] : memref<61440xi32, #tpu.memory_space<hbm>> -> memref<128xi32, #tpu.memory_space<hbm>>
      %dma_wait3A_149 = tpu.memref_slice %arg5[%add3A_50] : memref<61440xi32, #tpu.memory_space<hbm>> -> memref<128xi32, #tpu.memory_space<hbm>>
      tpu.wait_dma2 semaphore(%run_scoped3A : memref<!tpu.dma_semaphore, #tpu.memory_space<semaphore_mem>>) src(%dma_wait3A_149 : memref<128xi32, #tpu.memory_space<hbm>>) dst(%arg11 : memref<128xi32, #tpu.memory_space<vmem>>)
      tpu.yield
    }) : () -> ()
    %dma_start3A_51 = arith.constant 0 : i32
    %dma_start3A_52 = arith.constant 0 : i32
    %dma_start3A_53 = tpu.memref_slice %arg2[%dma_start3A_51, %dma_start3A_52] : memref<130006x16xf32, #tpu.memory_space<hbm>> -> memref<130006x16xf32, #tpu.memory_space<hbm>>
    tpu.enqueue_indirect_dma source(%dma_start3A_53 : memref<130006x16xf32, #tpu.memory_space<hbm>>) target(%arg12 : memref<128x16xf32, #tpu.memory_space<vmem>>) offsets(%arg11 : memref<128xi32, #tpu.memory_space<vmem>>) semaphore(%arg13 : memref<!tpu.dma_semaphore, #tpu.memory_space<semaphore_mem>>)
    %dma_wait3A_54 = arith.constant 0 : i32
    %dma_wait3A_55 = arith.constant 0 : i32
    %dma_wait3A_56 = tpu.memref_slice %arg2[%dma_wait3A_54, %dma_wait3A_55] : memref<130006x16xf32, #tpu.memory_space<hbm>> -> memref<130006x16xf32, #tpu.memory_space<hbm>>
    tpu.wait_indirect_dma semaphore(%arg13 : memref<!tpu.dma_semaphore, #tpu.memory_space<semaphore_mem>>) src(%dma_wait3A_56 : memref<130006x16xf32, #tpu.memory_space<hbm>>) dst(%arg12 : memref<128x16xf32, #tpu.memory_space<vmem>>)
    "tpu.region"() ({
      %run_scoped3A = tpu.sem_alloc : memref<!tpu.dma_semaphore, #tpu.memory_space<semaphore_mem>>
      %dma_start3A_146 = arith.constant 96 : i32
      %dma_start3A_147 = tpu.memref_slice %arg6[%mul3A_2, %dma_start3A_146] : memref<4096x384xf32, #tpu.memory_space<hbm>> -> memref<128x16xf32, #tpu.memory_space<hbm>>
      %dma_start3A_148 = arith.constant 96 : i32
      %dma_start3A_149 = tpu.memref_slice %arg6[%mul3A_2, %dma_start3A_148] : memref<4096x384xf32, #tpu.memory_space<hbm>> -> memref<128x16xf32, #tpu.memory_space<hbm>>
      tpu.enqueue_dma source(%arg12 : memref<128x16xf32, #tpu.memory_space<vmem>>) target(%dma_start3A_149 : memref<128x16xf32, #tpu.memory_space<hbm>>) target_semaphore(%run_scoped3A : memref<!tpu.dma_semaphore, #tpu.memory_space<semaphore_mem>>)
      %dma_wait3A_150 = arith.constant 96 : i32
      %dma_wait3A_151 = tpu.memref_slice %arg6[%mul3A_2, %dma_wait3A_150] : memref<4096x384xf32, #tpu.memory_space<hbm>> -> memref<128x16xf32, #tpu.memory_space<hbm>>
      %dma_wait3A_152 = arith.constant 96 : i32
      %dma_wait3A_153 = tpu.memref_slice %arg6[%mul3A_2, %dma_wait3A_152] : memref<4096x384xf32, #tpu.memory_space<hbm>> -> memref<128x16xf32, #tpu.memory_space<hbm>>
      tpu.wait_dma2 semaphore(%run_scoped3A : memref<!tpu.dma_semaphore, #tpu.memory_space<semaphore_mem>>) src(%arg12 : memref<128x16xf32, #tpu.memory_space<vmem>>) dst(%dma_wait3A_153 : memref<128x16xf32, #tpu.memory_space<hbm>>)
      tpu.yield
    }) : () -> ()
    %add3A_57 = arith.constant 28672 : i32
    %add3A_58 = arith.addi %add3A_57, %mul3A_2 : i32
    "tpu.region"() ({
      %run_scoped3A = tpu.sem_alloc : memref<!tpu.dma_semaphore, #tpu.memory_space<semaphore_mem>>
      %dma_start3A_146 = tpu.memref_slice %arg5[%add3A_58] : memref<61440xi32, #tpu.memory_space<hbm>> -> memref<128xi32, #tpu.memory_space<hbm>>
      %dma_start3A_147 = tpu.memref_slice %arg5[%add3A_58] : memref<61440xi32, #tpu.memory_space<hbm>> -> memref<128xi32, #tpu.memory_space<hbm>>
      tpu.enqueue_dma source(%dma_start3A_147 : memref<128xi32, #tpu.memory_space<hbm>>) target(%arg11 : memref<128xi32, #tpu.memory_space<vmem>>) target_semaphore(%run_scoped3A : memref<!tpu.dma_semaphore, #tpu.memory_space<semaphore_mem>>)
      %dma_wait3A_148 = tpu.memref_slice %arg5[%add3A_58] : memref<61440xi32, #tpu.memory_space<hbm>> -> memref<128xi32, #tpu.memory_space<hbm>>
      %dma_wait3A_149 = tpu.memref_slice %arg5[%add3A_58] : memref<61440xi32, #tpu.memory_space<hbm>> -> memref<128xi32, #tpu.memory_space<hbm>>
      tpu.wait_dma2 semaphore(%run_scoped3A : memref<!tpu.dma_semaphore, #tpu.memory_space<semaphore_mem>>) src(%dma_wait3A_149 : memref<128xi32, #tpu.memory_space<hbm>>) dst(%arg11 : memref<128xi32, #tpu.memory_space<vmem>>)
      tpu.yield
    }) : () -> ()
    %dma_start3A_59 = arith.constant 0 : i32
    %dma_start3A_60 = arith.constant 0 : i32
    %dma_start3A_61 = tpu.memref_slice %arg2[%dma_start3A_59, %dma_start3A_60] : memref<130006x16xf32, #tpu.memory_space<hbm>> -> memref<130006x16xf32, #tpu.memory_space<hbm>>
    tpu.enqueue_indirect_dma source(%dma_start3A_61 : memref<130006x16xf32, #tpu.memory_space<hbm>>) target(%arg12 : memref<128x16xf32, #tpu.memory_space<vmem>>) offsets(%arg11 : memref<128xi32, #tpu.memory_space<vmem>>) semaphore(%arg13 : memref<!tpu.dma_semaphore, #tpu.memory_space<semaphore_mem>>)
    %dma_wait3A_62 = arith.constant 0 : i32
    %dma_wait3A_63 = arith.constant 0 : i32
    %dma_wait3A_64 = tpu.memref_slice %arg2[%dma_wait3A_62, %dma_wait3A_63] : memref<130006x16xf32, #tpu.memory_space<hbm>> -> memref<130006x16xf32, #tpu.memory_space<hbm>>
    tpu.wait_indirect_dma semaphore(%arg13 : memref<!tpu.dma_semaphore, #tpu.memory_space<semaphore_mem>>) src(%dma_wait3A_64 : memref<130006x16xf32, #tpu.memory_space<hbm>>) dst(%arg12 : memref<128x16xf32, #tpu.memory_space<vmem>>)
    "tpu.region"() ({
      %run_scoped3A = tpu.sem_alloc : memref<!tpu.dma_semaphore, #tpu.memory_space<semaphore_mem>>
      %dma_start3A_146 = arith.constant 112 : i32
      %dma_start3A_147 = tpu.memref_slice %arg6[%mul3A_2, %dma_start3A_146] : memref<4096x384xf32, #tpu.memory_space<hbm>> -> memref<128x16xf32, #tpu.memory_space<hbm>>
      %dma_start3A_148 = arith.constant 112 : i32
      %dma_start3A_149 = tpu.memref_slice %arg6[%mul3A_2, %dma_start3A_148] : memref<4096x384xf32, #tpu.memory_space<hbm>> -> memref<128x16xf32, #tpu.memory_space<hbm>>
      tpu.enqueue_dma source(%arg12 : memref<128x16xf32, #tpu.memory_space<vmem>>) target(%dma_start3A_149 : memref<128x16xf32, #tpu.memory_space<hbm>>) target_semaphore(%run_scoped3A : memref<!tpu.dma_semaphore, #tpu.memory_space<semaphore_mem>>)
      %dma_wait3A_150 = arith.constant 112 : i32
      %dma_wait3A_151 = tpu.memref_slice %arg6[%mul3A_2, %dma_wait3A_150] : memref<4096x384xf32, #tpu.memory_space<hbm>> -> memref<128x16xf32, #tpu.memory_space<hbm>>
      %dma_wait3A_152 = arith.constant 112 : i32
      %dma_wait3A_153 = tpu.memref_slice %arg6[%mul3A_2, %dma_wait3A_152] : memref<4096x384xf32, #tpu.memory_space<hbm>> -> memref<128x16xf32, #tpu.memory_space<hbm>>
      tpu.wait_dma2 semaphore(%run_scoped3A : memref<!tpu.dma_semaphore, #tpu.memory_space<semaphore_mem>>) src(%arg12 : memref<128x16xf32, #tpu.memory_space<vmem>>) dst(%dma_wait3A_153 : memref<128x16xf32, #tpu.memory_space<hbm>>)
      tpu.yield
    }) : () -> ()
    %add3A_65 = arith.constant 32768 : i32
    %add3A_66 = arith.addi %add3A_65, %mul3A_2 : i32
    "tpu.region"() ({
      %run_scoped3A = tpu.sem_alloc : memref<!tpu.dma_semaphore, #tpu.memory_space<semaphore_mem>>
      %dma_start3A_146 = tpu.memref_slice %arg5[%add3A_66] : memref<61440xi32, #tpu.memory_space<hbm>> -> memref<128xi32, #tpu.memory_space<hbm>>
      %dma_start3A_147 = tpu.memref_slice %arg5[%add3A_66] : memref<61440xi32, #tpu.memory_space<hbm>> -> memref<128xi32, #tpu.memory_space<hbm>>
      tpu.enqueue_dma source(%dma_start3A_147 : memref<128xi32, #tpu.memory_space<hbm>>) target(%arg11 : memref<128xi32, #tpu.memory_space<vmem>>) target_semaphore(%run_scoped3A : memref<!tpu.dma_semaphore, #tpu.memory_space<semaphore_mem>>)
      %dma_wait3A_148 = tpu.memref_slice %arg5[%add3A_66] : memref<61440xi32, #tpu.memory_space<hbm>> -> memref<128xi32, #tpu.memory_space<hbm>>
      %dma_wait3A_149 = tpu.memref_slice %arg5[%add3A_66] : memref<61440xi32, #tpu.memory_space<hbm>> -> memref<128xi32, #tpu.memory_space<hbm>>
      tpu.wait_dma2 semaphore(%run_scoped3A : memref<!tpu.dma_semaphore, #tpu.memory_space<semaphore_mem>>) src(%dma_wait3A_149 : memref<128xi32, #tpu.memory_space<hbm>>) dst(%arg11 : memref<128xi32, #tpu.memory_space<vmem>>)
      tpu.yield
    }) : () -> ()
    %dma_start3A_67 = arith.constant 0 : i32
    %dma_start3A_68 = arith.constant 0 : i32
    %dma_start3A_69 = tpu.memref_slice %arg2[%dma_start3A_67, %dma_start3A_68] : memref<130006x16xf32, #tpu.memory_space<hbm>> -> memref<130006x16xf32, #tpu.memory_space<hbm>>
    tpu.enqueue_indirect_dma source(%dma_start3A_69 : memref<130006x16xf32, #tpu.memory_space<hbm>>) target(%arg12 : memref<128x16xf32, #tpu.memory_space<vmem>>) offsets(%arg11 : memref<128xi32, #tpu.memory_space<vmem>>) semaphore(%arg13 : memref<!tpu.dma_semaphore, #tpu.memory_space<semaphore_mem>>)
    %dma_wait3A_70 = arith.constant 0 : i32
    %dma_wait3A_71 = arith.constant 0 : i32
    %dma_wait3A_72 = tpu.memref_slice %arg2[%dma_wait3A_70, %dma_wait3A_71] : memref<130006x16xf32, #tpu.memory_space<hbm>> -> memref<130006x16xf32, #tpu.memory_space<hbm>>
    tpu.wait_indirect_dma semaphore(%arg13 : memref<!tpu.dma_semaphore, #tpu.memory_space<semaphore_mem>>) src(%dma_wait3A_72 : memref<130006x16xf32, #tpu.memory_space<hbm>>) dst(%arg12 : memref<128x16xf32, #tpu.memory_space<vmem>>)
    "tpu.region"() ({
      %run_scoped3A = tpu.sem_alloc : memref<!tpu.dma_semaphore, #tpu.memory_space<semaphore_mem>>
      %dma_start3A_146 = arith.constant 128 : i32
      %dma_start3A_147 = tpu.memref_slice %arg6[%mul3A_2, %dma_start3A_146] : memref<4096x384xf32, #tpu.memory_space<hbm>> -> memref<128x16xf32, #tpu.memory_space<hbm>>
      %dma_start3A_148 = arith.constant 128 : i32
      %dma_start3A_149 = tpu.memref_slice %arg6[%mul3A_2, %dma_start3A_148] : memref<4096x384xf32, #tpu.memory_space<hbm>> -> memref<128x16xf32, #tpu.memory_space<hbm>>
      tpu.enqueue_dma source(%arg12 : memref<128x16xf32, #tpu.memory_space<vmem>>) target(%dma_start3A_149 : memref<128x16xf32, #tpu.memory_space<hbm>>) target_semaphore(%run_scoped3A : memref<!tpu.dma_semaphore, #tpu.memory_space<semaphore_mem>>)
      %dma_wait3A_150 = arith.constant 128 : i32
      %dma_wait3A_151 = tpu.memref_slice %arg6[%mul3A_2, %dma_wait3A_150] : memref<4096x384xf32, #tpu.memory_space<hbm>> -> memref<128x16xf32, #tpu.memory_space<hbm>>
      %dma_wait3A_152 = arith.constant 128 : i32
      %dma_wait3A_153 = tpu.memref_slice %arg6[%mul3A_2, %dma_wait3A_152] : memref<4096x384xf32, #tpu.memory_space<hbm>> -> memref<128x16xf32, #tpu.memory_space<hbm>>
      tpu.wait_dma2 semaphore(%run_scoped3A : memref<!tpu.dma_semaphore, #tpu.memory_space<semaphore_mem>>) src(%arg12 : memref<128x16xf32, #tpu.memory_space<vmem>>) dst(%dma_wait3A_153 : memref<128x16xf32, #tpu.memory_space<hbm>>)
      tpu.yield
    }) : () -> ()
    %add3A_73 = arith.constant 36864 : i32
    %add3A_74 = arith.addi %add3A_73, %mul3A_2 : i32
    "tpu.region"() ({
      %run_scoped3A = tpu.sem_alloc : memref<!tpu.dma_semaphore, #tpu.memory_space<semaphore_mem>>
      %dma_start3A_146 = tpu.memref_slice %arg5[%add3A_74] : memref<61440xi32, #tpu.memory_space<hbm>> -> memref<128xi32, #tpu.memory_space<hbm>>
      %dma_start3A_147 = tpu.memref_slice %arg5[%add3A_74] : memref<61440xi32, #tpu.memory_space<hbm>> -> memref<128xi32, #tpu.memory_space<hbm>>
      tpu.enqueue_dma source(%dma_start3A_147 : memref<128xi32, #tpu.memory_space<hbm>>) target(%arg11 : memref<128xi32, #tpu.memory_space<vmem>>) target_semaphore(%run_scoped3A : memref<!tpu.dma_semaphore, #tpu.memory_space<semaphore_mem>>)
      %dma_wait3A_148 = tpu.memref_slice %arg5[%add3A_74] : memref<61440xi32, #tpu.memory_space<hbm>> -> memref<128xi32, #tpu.memory_space<hbm>>
      %dma_wait3A_149 = tpu.memref_slice %arg5[%add3A_74] : memref<61440xi32, #tpu.memory_space<hbm>> -> memref<128xi32, #tpu.memory_space<hbm>>
      tpu.wait_dma2 semaphore(%run_scoped3A : memref<!tpu.dma_semaphore, #tpu.memory_space<semaphore_mem>>) src(%dma_wait3A_149 : memref<128xi32, #tpu.memory_space<hbm>>) dst(%arg11 : memref<128xi32, #tpu.memory_space<vmem>>)
      tpu.yield
    }) : () -> ()
    %dma_start3A_75 = arith.constant 0 : i32
    %dma_start3A_76 = arith.constant 0 : i32
    %dma_start3A_77 = tpu.memref_slice %arg2[%dma_start3A_75, %dma_start3A_76] : memref<130006x16xf32, #tpu.memory_space<hbm>> -> memref<130006x16xf32, #tpu.memory_space<hbm>>
    tpu.enqueue_indirect_dma source(%dma_start3A_77 : memref<130006x16xf32, #tpu.memory_space<hbm>>) target(%arg12 : memref<128x16xf32, #tpu.memory_space<vmem>>) offsets(%arg11 : memref<128xi32, #tpu.memory_space<vmem>>) semaphore(%arg13 : memref<!tpu.dma_semaphore, #tpu.memory_space<semaphore_mem>>)
    %dma_wait3A_78 = arith.constant 0 : i32
    %dma_wait3A_79 = arith.constant 0 : i32
    %dma_wait3A_80 = tpu.memref_slice %arg2[%dma_wait3A_78, %dma_wait3A_79] : memref<130006x16xf32, #tpu.memory_space<hbm>> -> memref<130006x16xf32, #tpu.memory_space<hbm>>
    tpu.wait_indirect_dma semaphore(%arg13 : memref<!tpu.dma_semaphore, #tpu.memory_space<semaphore_mem>>) src(%dma_wait3A_80 : memref<130006x16xf32, #tpu.memory_space<hbm>>) dst(%arg12 : memref<128x16xf32, #tpu.memory_space<vmem>>)
    "tpu.region"() ({
      %run_scoped3A = tpu.sem_alloc : memref<!tpu.dma_semaphore, #tpu.memory_space<semaphore_mem>>
      %dma_start3A_146 = arith.constant 144 : i32
      %dma_start3A_147 = tpu.memref_slice %arg6[%mul3A_2, %dma_start3A_146] : memref<4096x384xf32, #tpu.memory_space<hbm>> -> memref<128x16xf32, #tpu.memory_space<hbm>>
      %dma_start3A_148 = arith.constant 144 : i32
      %dma_start3A_149 = tpu.memref_slice %arg6[%mul3A_2, %dma_start3A_148] : memref<4096x384xf32, #tpu.memory_space<hbm>> -> memref<128x16xf32, #tpu.memory_space<hbm>>
      tpu.enqueue_dma source(%arg12 : memref<128x16xf32, #tpu.memory_space<vmem>>) target(%dma_start3A_149 : memref<128x16xf32, #tpu.memory_space<hbm>>) target_semaphore(%run_scoped3A : memref<!tpu.dma_semaphore, #tpu.memory_space<semaphore_mem>>)
      %dma_wait3A_150 = arith.constant 144 : i32
      %dma_wait3A_151 = tpu.memref_slice %arg6[%mul3A_2, %dma_wait3A_150] : memref<4096x384xf32, #tpu.memory_space<hbm>> -> memref<128x16xf32, #tpu.memory_space<hbm>>
      %dma_wait3A_152 = arith.constant 144 : i32
      %dma_wait3A_153 = tpu.memref_slice %arg6[%mul3A_2, %dma_wait3A_152] : memref<4096x384xf32, #tpu.memory_space<hbm>> -> memref<128x16xf32, #tpu.memory_space<hbm>>
      tpu.wait_dma2 semaphore(%run_scoped3A : memref<!tpu.dma_semaphore, #tpu.memory_space<semaphore_mem>>) src(%arg12 : memref<128x16xf32, #tpu.memory_space<vmem>>) dst(%dma_wait3A_153 : memref<128x16xf32, #tpu.memory_space<hbm>>)
      tpu.yield
    }) : () -> ()
    %add3A_81 = arith.constant 40960 : i32
    %add3A_82 = arith.addi %add3A_81, %mul3A_2 : i32
    "tpu.region"() ({
      %run_scoped3A = tpu.sem_alloc : memref<!tpu.dma_semaphore, #tpu.memory_space<semaphore_mem>>
      %dma_start3A_146 = tpu.memref_slice %arg5[%add3A_82] : memref<61440xi32, #tpu.memory_space<hbm>> -> memref<128xi32, #tpu.memory_space<hbm>>
      %dma_start3A_147 = tpu.memref_slice %arg5[%add3A_82] : memref<61440xi32, #tpu.memory_space<hbm>> -> memref<128xi32, #tpu.memory_space<hbm>>
      tpu.enqueue_dma source(%dma_start3A_147 : memref<128xi32, #tpu.memory_space<hbm>>) target(%arg11 : memref<128xi32, #tpu.memory_space<vmem>>) target_semaphore(%run_scoped3A : memref<!tpu.dma_semaphore, #tpu.memory_space<semaphore_mem>>)
      %dma_wait3A_148 = tpu.memref_slice %arg5[%add3A_82] : memref<61440xi32, #tpu.memory_space<hbm>> -> memref<128xi32, #tpu.memory_space<hbm>>
      %dma_wait3A_149 = tpu.memref_slice %arg5[%add3A_82] : memref<61440xi32, #tpu.memory_space<hbm>> -> memref<128xi32, #tpu.memory_space<hbm>>
      tpu.wait_dma2 semaphore(%run_scoped3A : memref<!tpu.dma_semaphore, #tpu.memory_space<semaphore_mem>>) src(%dma_wait3A_149 : memref<128xi32, #tpu.memory_space<hbm>>) dst(%arg11 : memref<128xi32, #tpu.memory_space<vmem>>)
      tpu.yield
    }) : () -> ()
    %dma_start3A_83 = arith.constant 0 : i32
    %dma_start3A_84 = arith.constant 0 : i32
    %dma_start3A_85 = tpu.memref_slice %arg2[%dma_start3A_83, %dma_start3A_84] : memref<130006x16xf32, #tpu.memory_space<hbm>> -> memref<130006x16xf32, #tpu.memory_space<hbm>>
    tpu.enqueue_indirect_dma source(%dma_start3A_85 : memref<130006x16xf32, #tpu.memory_space<hbm>>) target(%arg12 : memref<128x16xf32, #tpu.memory_space<vmem>>) offsets(%arg11 : memref<128xi32, #tpu.memory_space<vmem>>) semaphore(%arg13 : memref<!tpu.dma_semaphore, #tpu.memory_space<semaphore_mem>>)
    %dma_wait3A_86 = arith.constant 0 : i32
    %dma_wait3A_87 = arith.constant 0 : i32
    %dma_wait3A_88 = tpu.memref_slice %arg2[%dma_wait3A_86, %dma_wait3A_87] : memref<130006x16xf32, #tpu.memory_space<hbm>> -> memref<130006x16xf32, #tpu.memory_space<hbm>>
    tpu.wait_indirect_dma semaphore(%arg13 : memref<!tpu.dma_semaphore, #tpu.memory_space<semaphore_mem>>) src(%dma_wait3A_88 : memref<130006x16xf32, #tpu.memory_space<hbm>>) dst(%arg12 : memref<128x16xf32, #tpu.memory_space<vmem>>)
    "tpu.region"() ({
      %run_scoped3A = tpu.sem_alloc : memref<!tpu.dma_semaphore, #tpu.memory_space<semaphore_mem>>
      %dma_start3A_146 = arith.constant 160 : i32
      %dma_start3A_147 = tpu.memref_slice %arg6[%mul3A_2, %dma_start3A_146] : memref<4096x384xf32, #tpu.memory_space<hbm>> -> memref<128x16xf32, #tpu.memory_space<hbm>>
      %dma_start3A_148 = arith.constant 160 : i32
      %dma_start3A_149 = tpu.memref_slice %arg6[%mul3A_2, %dma_start3A_148] : memref<4096x384xf32, #tpu.memory_space<hbm>> -> memref<128x16xf32, #tpu.memory_space<hbm>>
      tpu.enqueue_dma source(%arg12 : memref<128x16xf32, #tpu.memory_space<vmem>>) target(%dma_start3A_149 : memref<128x16xf32, #tpu.memory_space<hbm>>) target_semaphore(%run_scoped3A : memref<!tpu.dma_semaphore, #tpu.memory_space<semaphore_mem>>)
      %dma_wait3A_150 = arith.constant 160 : i32
      %dma_wait3A_151 = tpu.memref_slice %arg6[%mul3A_2, %dma_wait3A_150] : memref<4096x384xf32, #tpu.memory_space<hbm>> -> memref<128x16xf32, #tpu.memory_space<hbm>>
      %dma_wait3A_152 = arith.constant 160 : i32
      %dma_wait3A_153 = tpu.memref_slice %arg6[%mul3A_2, %dma_wait3A_152] : memref<4096x384xf32, #tpu.memory_space<hbm>> -> memref<128x16xf32, #tpu.memory_space<hbm>>
      tpu.wait_dma2 semaphore(%run_scoped3A : memref<!tpu.dma_semaphore, #tpu.memory_space<semaphore_mem>>) src(%arg12 : memref<128x16xf32, #tpu.memory_space<vmem>>) dst(%dma_wait3A_153 : memref<128x16xf32, #tpu.memory_space<hbm>>)
      tpu.yield
    }) : () -> ()
    %add3A_89 = arith.constant 45056 : i32
    %add3A_90 = arith.addi %add3A_89, %mul3A_2 : i32
    "tpu.region"() ({
      %run_scoped3A = tpu.sem_alloc : memref<!tpu.dma_semaphore, #tpu.memory_space<semaphore_mem>>
      %dma_start3A_146 = tpu.memref_slice %arg5[%add3A_90] : memref<61440xi32, #tpu.memory_space<hbm>> -> memref<128xi32, #tpu.memory_space<hbm>>
      %dma_start3A_147 = tpu.memref_slice %arg5[%add3A_90] : memref<61440xi32, #tpu.memory_space<hbm>> -> memref<128xi32, #tpu.memory_space<hbm>>
      tpu.enqueue_dma source(%dma_start3A_147 : memref<128xi32, #tpu.memory_space<hbm>>) target(%arg11 : memref<128xi32, #tpu.memory_space<vmem>>) target_semaphore(%run_scoped3A : memref<!tpu.dma_semaphore, #tpu.memory_space<semaphore_mem>>)
      %dma_wait3A_148 = tpu.memref_slice %arg5[%add3A_90] : memref<61440xi32, #tpu.memory_space<hbm>> -> memref<128xi32, #tpu.memory_space<hbm>>
      %dma_wait3A_149 = tpu.memref_slice %arg5[%add3A_90] : memref<61440xi32, #tpu.memory_space<hbm>> -> memref<128xi32, #tpu.memory_space<hbm>>
      tpu.wait_dma2 semaphore(%run_scoped3A : memref<!tpu.dma_semaphore, #tpu.memory_space<semaphore_mem>>) src(%dma_wait3A_149 : memref<128xi32, #tpu.memory_space<hbm>>) dst(%arg11 : memref<128xi32, #tpu.memory_space<vmem>>)
      tpu.yield
    }) : () -> ()
    %dma_start3A_91 = arith.constant 0 : i32
    %dma_start3A_92 = arith.constant 0 : i32
    %dma_start3A_93 = tpu.memref_slice %arg2[%dma_start3A_91, %dma_start3A_92] : memref<130006x16xf32, #tpu.memory_space<hbm>> -> memref<130006x16xf32, #tpu.memory_space<hbm>>
    tpu.enqueue_indirect_dma source(%dma_start3A_93 : memref<130006x16xf32, #tpu.memory_space<hbm>>) target(%arg12 : memref<128x16xf32, #tpu.memory_space<vmem>>) offsets(%arg11 : memref<128xi32, #tpu.memory_space<vmem>>) semaphore(%arg13 : memref<!tpu.dma_semaphore, #tpu.memory_space<semaphore_mem>>)
    %dma_wait3A_94 = arith.constant 0 : i32
    %dma_wait3A_95 = arith.constant 0 : i32
    %dma_wait3A_96 = tpu.memref_slice %arg2[%dma_wait3A_94, %dma_wait3A_95] : memref<130006x16xf32, #tpu.memory_space<hbm>> -> memref<130006x16xf32, #tpu.memory_space<hbm>>
    tpu.wait_indirect_dma semaphore(%arg13 : memref<!tpu.dma_semaphore, #tpu.memory_space<semaphore_mem>>) src(%dma_wait3A_96 : memref<130006x16xf32, #tpu.memory_space<hbm>>) dst(%arg12 : memref<128x16xf32, #tpu.memory_space<vmem>>)
    "tpu.region"() ({
      %run_scoped3A = tpu.sem_alloc : memref<!tpu.dma_semaphore, #tpu.memory_space<semaphore_mem>>
      %dma_start3A_146 = arith.constant 176 : i32
      %dma_start3A_147 = tpu.memref_slice %arg6[%mul3A_2, %dma_start3A_146] : memref<4096x384xf32, #tpu.memory_space<hbm>> -> memref<128x16xf32, #tpu.memory_space<hbm>>
      %dma_start3A_148 = arith.constant 176 : i32
      %dma_start3A_149 = tpu.memref_slice %arg6[%mul3A_2, %dma_start3A_148] : memref<4096x384xf32, #tpu.memory_space<hbm>> -> memref<128x16xf32, #tpu.memory_space<hbm>>
      tpu.enqueue_dma source(%arg12 : memref<128x16xf32, #tpu.memory_space<vmem>>) target(%dma_start3A_149 : memref<128x16xf32, #tpu.memory_space<hbm>>) target_semaphore(%run_scoped3A : memref<!tpu.dma_semaphore, #tpu.memory_space<semaphore_mem>>)
      %dma_wait3A_150 = arith.constant 176 : i32
      %dma_wait3A_151 = tpu.memref_slice %arg6[%mul3A_2, %dma_wait3A_150] : memref<4096x384xf32, #tpu.memory_space<hbm>> -> memref<128x16xf32, #tpu.memory_space<hbm>>
      %dma_wait3A_152 = arith.constant 176 : i32
      %dma_wait3A_153 = tpu.memref_slice %arg6[%mul3A_2, %dma_wait3A_152] : memref<4096x384xf32, #tpu.memory_space<hbm>> -> memref<128x16xf32, #tpu.memory_space<hbm>>
      tpu.wait_dma2 semaphore(%run_scoped3A : memref<!tpu.dma_semaphore, #tpu.memory_space<semaphore_mem>>) src(%arg12 : memref<128x16xf32, #tpu.memory_space<vmem>>) dst(%dma_wait3A_153 : memref<128x16xf32, #tpu.memory_space<hbm>>)
      tpu.yield
    }) : () -> ()
    %add3A_97 = arith.constant 49152 : i32
    %add3A_98 = arith.addi %add3A_97, %mul3A_2 : i32
    "tpu.region"() ({
      %run_scoped3A = tpu.sem_alloc : memref<!tpu.dma_semaphore, #tpu.memory_space<semaphore_mem>>
      %dma_start3A_146 = tpu.memref_slice %arg5[%add3A_98] : memref<61440xi32, #tpu.memory_space<hbm>> -> memref<128xi32, #tpu.memory_space<hbm>>
      %dma_start3A_147 = tpu.memref_slice %arg5[%add3A_98] : memref<61440xi32, #tpu.memory_space<hbm>> -> memref<128xi32, #tpu.memory_space<hbm>>
      tpu.enqueue_dma source(%dma_start3A_147 : memref<128xi32, #tpu.memory_space<hbm>>) target(%arg11 : memref<128xi32, #tpu.memory_space<vmem>>) target_semaphore(%run_scoped3A : memref<!tpu.dma_semaphore, #tpu.memory_space<semaphore_mem>>)
      %dma_wait3A_148 = tpu.memref_slice %arg5[%add3A_98] : memref<61440xi32, #tpu.memory_space<hbm>> -> memref<128xi32, #tpu.memory_space<hbm>>
      %dma_wait3A_149 = tpu.memref_slice %arg5[%add3A_98] : memref<61440xi32, #tpu.memory_space<hbm>> -> memref<128xi32, #tpu.memory_space<hbm>>
      tpu.wait_dma2 semaphore(%run_scoped3A : memref<!tpu.dma_semaphore, #tpu.memory_space<semaphore_mem>>) src(%dma_wait3A_149 : memref<128xi32, #tpu.memory_space<hbm>>) dst(%arg11 : memref<128xi32, #tpu.memory_space<vmem>>)
      tpu.yield
    }) : () -> ()
    %dma_start3A_99 = arith.constant 0 : i32
    %dma_start3A_100 = arith.constant 0 : i32
    %dma_start3A_101 = tpu.memref_slice %arg2[%dma_start3A_99, %dma_start3A_100] : memref<130006x16xf32, #tpu.memory_space<hbm>> -> memref<130006x16xf32, #tpu.memory_space<hbm>>
    tpu.enqueue_indirect_dma source(%dma_start3A_101 : memref<130006x16xf32, #tpu.memory_space<hbm>>) target(%arg12 : memref<128x16xf32, #tpu.memory_space<vmem>>) offsets(%arg11 : memref<128xi32, #tpu.memory_space<vmem>>) semaphore(%arg13 : memref<!tpu.dma_semaphore, #tpu.memory_space<semaphore_mem>>)
    %dma_wait3A_102 = arith.constant 0 : i32
    %dma_wait3A_103 = arith.constant 0 : i32
    %dma_wait3A_104 = tpu.memref_slice %arg2[%dma_wait3A_102, %dma_wait3A_103] : memref<130006x16xf32, #tpu.memory_space<hbm>> -> memref<130006x16xf32, #tpu.memory_space<hbm>>
    tpu.wait_indirect_dma semaphore(%arg13 : memref<!tpu.dma_semaphore, #tpu.memory_space<semaphore_mem>>) src(%dma_wait3A_104 : memref<130006x16xf32, #tpu.memory_space<hbm>>) dst(%arg12 : memref<128x16xf32, #tpu.memory_space<vmem>>)
    "tpu.region"() ({
      %run_scoped3A = tpu.sem_alloc : memref<!tpu.dma_semaphore, #tpu.memory_space<semaphore_mem>>
      %dma_start3A_146 = arith.constant 192 : i32
      %dma_start3A_147 = tpu.memref_slice %arg6[%mul3A_2, %dma_start3A_146] : memref<4096x384xf32, #tpu.memory_space<hbm>> -> memref<128x16xf32, #tpu.memory_space<hbm>>
      %dma_start3A_148 = arith.constant 192 : i32
      %dma_start3A_149 = tpu.memref_slice %arg6[%mul3A_2, %dma_start3A_148] : memref<4096x384xf32, #tpu.memory_space<hbm>> -> memref<128x16xf32, #tpu.memory_space<hbm>>
      tpu.enqueue_dma source(%arg12 : memref<128x16xf32, #tpu.memory_space<vmem>>) target(%dma_start3A_149 : memref<128x16xf32, #tpu.memory_space<hbm>>) target_semaphore(%run_scoped3A : memref<!tpu.dma_semaphore, #tpu.memory_space<semaphore_mem>>)
      %dma_wait3A_150 = arith.constant 192 : i32
      %dma_wait3A_151 = tpu.memref_slice %arg6[%mul3A_2, %dma_wait3A_150] : memref<4096x384xf32, #tpu.memory_space<hbm>> -> memref<128x16xf32, #tpu.memory_space<hbm>>
      %dma_wait3A_152 = arith.constant 192 : i32
      %dma_wait3A_153 = tpu.memref_slice %arg6[%mul3A_2, %dma_wait3A_152] : memref<4096x384xf32, #tpu.memory_space<hbm>> -> memref<128x16xf32, #tpu.memory_space<hbm>>
      tpu.wait_dma2 semaphore(%run_scoped3A : memref<!tpu.dma_semaphore, #tpu.memory_space<semaphore_mem>>) src(%arg12 : memref<128x16xf32, #tpu.memory_space<vmem>>) dst(%dma_wait3A_153 : memref<128x16xf32, #tpu.memory_space<hbm>>)
      tpu.yield
    }) : () -> ()
    %add3A_105 = arith.constant 53248 : i32
    %add3A_106 = arith.addi %add3A_105, %mul3A_2 : i32
    "tpu.region"() ({
      %run_scoped3A = tpu.sem_alloc : memref<!tpu.dma_semaphore, #tpu.memory_space<semaphore_mem>>
      %dma_start3A_146 = tpu.memref_slice %arg5[%add3A_106] : memref<61440xi32, #tpu.memory_space<hbm>> -> memref<128xi32, #tpu.memory_space<hbm>>
      %dma_start3A_147 = tpu.memref_slice %arg5[%add3A_106] : memref<61440xi32, #tpu.memory_space<hbm>> -> memref<128xi32, #tpu.memory_space<hbm>>
      tpu.enqueue_dma source(%dma_start3A_147 : memref<128xi32, #tpu.memory_space<hbm>>) target(%arg11 : memref<128xi32, #tpu.memory_space<vmem>>) target_semaphore(%run_scoped3A : memref<!tpu.dma_semaphore, #tpu.memory_space<semaphore_mem>>)
      %dma_wait3A_148 = tpu.memref_slice %arg5[%add3A_106] : memref<61440xi32, #tpu.memory_space<hbm>> -> memref<128xi32, #tpu.memory_space<hbm>>
      %dma_wait3A_149 = tpu.memref_slice %arg5[%add3A_106] : memref<61440xi32, #tpu.memory_space<hbm>> -> memref<128xi32, #tpu.memory_space<hbm>>
      tpu.wait_dma2 semaphore(%run_scoped3A : memref<!tpu.dma_semaphore, #tpu.memory_space<semaphore_mem>>) src(%dma_wait3A_149 : memref<128xi32, #tpu.memory_space<hbm>>) dst(%arg11 : memref<128xi32, #tpu.memory_space<vmem>>)
      tpu.yield
    }) : () -> ()
    %dma_start3A_107 = arith.constant 0 : i32
    %dma_start3A_108 = arith.constant 0 : i32
    %dma_start3A_109 = tpu.memref_slice %arg2[%dma_start3A_107, %dma_start3A_108] : memref<130006x16xf32, #tpu.memory_space<hbm>> -> memref<130006x16xf32, #tpu.memory_space<hbm>>
    tpu.enqueue_indirect_dma source(%dma_start3A_109 : memref<130006x16xf32, #tpu.memory_space<hbm>>) target(%arg12 : memref<128x16xf32, #tpu.memory_space<vmem>>) offsets(%arg11 : memref<128xi32, #tpu.memory_space<vmem>>) semaphore(%arg13 : memref<!tpu.dma_semaphore, #tpu.memory_space<semaphore_mem>>)
    %dma_wait3A_110 = arith.constant 0 : i32
    %dma_wait3A_111 = arith.constant 0 : i32
    %dma_wait3A_112 = tpu.memref_slice %arg2[%dma_wait3A_110, %dma_wait3A_111] : memref<130006x16xf32, #tpu.memory_space<hbm>> -> memref<130006x16xf32, #tpu.memory_space<hbm>>
    tpu.wait_indirect_dma semaphore(%arg13 : memref<!tpu.dma_semaphore, #tpu.memory_space<semaphore_mem>>) src(%dma_wait3A_112 : memref<130006x16xf32, #tpu.memory_space<hbm>>) dst(%arg12 : memref<128x16xf32, #tpu.memory_space<vmem>>)
    "tpu.region"() ({
      %run_scoped3A = tpu.sem_alloc : memref<!tpu.dma_semaphore, #tpu.memory_space<semaphore_mem>>
      %dma_start3A_146 = arith.constant 208 : i32
      %dma_start3A_147 = tpu.memref_slice %arg6[%mul3A_2, %dma_start3A_146] : memref<4096x384xf32, #tpu.memory_space<hbm>> -> memref<128x16xf32, #tpu.memory_space<hbm>>
      %dma_start3A_148 = arith.constant 208 : i32
      %dma_start3A_149 = tpu.memref_slice %arg6[%mul3A_2, %dma_start3A_148] : memref<4096x384xf32, #tpu.memory_space<hbm>> -> memref<128x16xf32, #tpu.memory_space<hbm>>
      tpu.enqueue_dma source(%arg12 : memref<128x16xf32, #tpu.memory_space<vmem>>) target(%dma_start3A_149 : memref<128x16xf32, #tpu.memory_space<hbm>>) target_semaphore(%run_scoped3A : memref<!tpu.dma_semaphore, #tpu.memory_space<semaphore_mem>>)
      %dma_wait3A_150 = arith.constant 208 : i32
      %dma_wait3A_151 = tpu.memref_slice %arg6[%mul3A_2, %dma_wait3A_150] : memref<4096x384xf32, #tpu.memory_space<hbm>> -> memref<128x16xf32, #tpu.memory_space<hbm>>
      %dma_wait3A_152 = arith.constant 208 : i32
      %dma_wait3A_153 = tpu.memref_slice %arg6[%mul3A_2, %dma_wait3A_152] : memref<4096x384xf32, #tpu.memory_space<hbm>> -> memref<128x16xf32, #tpu.memory_space<hbm>>
      tpu.wait_dma2 semaphore(%run_scoped3A : memref<!tpu.dma_semaphore, #tpu.memory_space<semaphore_mem>>) src(%arg12 : memref<128x16xf32, #tpu.memory_space<vmem>>) dst(%dma_wait3A_153 : memref<128x16xf32, #tpu.memory_space<hbm>>)
      tpu.yield
    }) : () -> ()
    %add3A_113 = arith.constant 57344 : i32
    %add3A_114 = arith.addi %add3A_113, %mul3A_2 : i32
    "tpu.region"() ({
      %run_scoped3A = tpu.sem_alloc : memref<!tpu.dma_semaphore, #tpu.memory_space<semaphore_mem>>
      %dma_start3A_146 = tpu.memref_slice %arg5[%add3A_114] : memref<61440xi32, #tpu.memory_space<hbm>> -> memref<128xi32, #tpu.memory_space<hbm>>
      %dma_start3A_147 = tpu.memref_slice %arg5[%add3A_114] : memref<61440xi32, #tpu.memory_space<hbm>> -> memref<128xi32, #tpu.memory_space<hbm>>
      tpu.enqueue_dma source(%dma_start3A_147 : memref<128xi32, #tpu.memory_space<hbm>>) target(%arg11 : memref<128xi32, #tpu.memory_space<vmem>>) target_semaphore(%run_scoped3A : memref<!tpu.dma_semaphore, #tpu.memory_space<semaphore_mem>>)
      %dma_wait3A_148 = tpu.memref_slice %arg5[%add3A_114] : memref<61440xi32, #tpu.memory_space<hbm>> -> memref<128xi32, #tpu.memory_space<hbm>>
      %dma_wait3A_149 = tpu.memref_slice %arg5[%add3A_114] : memref<61440xi32, #tpu.memory_space<hbm>> -> memref<128xi32, #tpu.memory_space<hbm>>
      tpu.wait_dma2 semaphore(%run_scoped3A : memref<!tpu.dma_semaphore, #tpu.memory_space<semaphore_mem>>) src(%dma_wait3A_149 : memref<128xi32, #tpu.memory_space<hbm>>) dst(%arg11 : memref<128xi32, #tpu.memory_space<vmem>>)
      tpu.yield
    }) : () -> ()
    %dma_start3A_115 = arith.constant 0 : i32
    %dma_start3A_116 = arith.constant 0 : i32
    %dma_start3A_117 = tpu.memref_slice %arg2[%dma_start3A_115, %dma_start3A_116] : memref<130006x16xf32, #tpu.memory_space<hbm>> -> memref<130006x16xf32, #tpu.memory_space<hbm>>
    tpu.enqueue_indirect_dma source(%dma_start3A_117 : memref<130006x16xf32, #tpu.memory_space<hbm>>) target(%arg12 : memref<128x16xf32, #tpu.memory_space<vmem>>) offsets(%arg11 : memref<128xi32, #tpu.memory_space<vmem>>) semaphore(%arg13 : memref<!tpu.dma_semaphore, #tpu.memory_space<semaphore_mem>>)
    %dma_wait3A_118 = arith.constant 0 : i32
    %dma_wait3A_119 = arith.constant 0 : i32
    %dma_wait3A_120 = tpu.memref_slice %arg2[%dma_wait3A_118, %dma_wait3A_119] : memref<130006x16xf32, #tpu.memory_space<hbm>> -> memref<130006x16xf32, #tpu.memory_space<hbm>>
    tpu.wait_indirect_dma semaphore(%arg13 : memref<!tpu.dma_semaphore, #tpu.memory_space<semaphore_mem>>) src(%dma_wait3A_120 : memref<130006x16xf32, #tpu.memory_space<hbm>>) dst(%arg12 : memref<128x16xf32, #tpu.memory_space<vmem>>)
    "tpu.region"() ({
      %run_scoped3A = tpu.sem_alloc : memref<!tpu.dma_semaphore, #tpu.memory_space<semaphore_mem>>
      %dma_start3A_146 = arith.constant 224 : i32
      %dma_start3A_147 = tpu.memref_slice %arg6[%mul3A_2, %dma_start3A_146] : memref<4096x384xf32, #tpu.memory_space<hbm>> -> memref<128x16xf32, #tpu.memory_space<hbm>>
      %dma_start3A_148 = arith.constant 224 : i32
      %dma_start3A_149 = tpu.memref_slice %arg6[%mul3A_2, %dma_start3A_148] : memref<4096x384xf32, #tpu.memory_space<hbm>> -> memref<128x16xf32, #tpu.memory_space<hbm>>
      tpu.enqueue_dma source(%arg12 : memref<128x16xf32, #tpu.memory_space<vmem>>) target(%dma_start3A_149 : memref<128x16xf32, #tpu.memory_space<hbm>>) target_semaphore(%run_scoped3A : memref<!tpu.dma_semaphore, #tpu.memory_space<semaphore_mem>>)
      %dma_wait3A_150 = arith.constant 224 : i32
      %dma_wait3A_151 = tpu.memref_slice %arg6[%mul3A_2, %dma_wait3A_150] : memref<4096x384xf32, #tpu.memory_space<hbm>> -> memref<128x16xf32, #tpu.memory_space<hbm>>
      %dma_wait3A_152 = arith.constant 224 : i32
      %dma_wait3A_153 = tpu.memref_slice %arg6[%mul3A_2, %dma_wait3A_152] : memref<4096x384xf32, #tpu.memory_space<hbm>> -> memref<128x16xf32, #tpu.memory_space<hbm>>
      tpu.wait_dma2 semaphore(%run_scoped3A : memref<!tpu.dma_semaphore, #tpu.memory_space<semaphore_mem>>) src(%arg12 : memref<128x16xf32, #tpu.memory_space<vmem>>) dst(%dma_wait3A_153 : memref<128x16xf32, #tpu.memory_space<hbm>>)
      tpu.yield
    }) : () -> ()
    %jit3A = arith.constant 4 : i32
    %div3A = arith.divsi %add3A, %jit3A : i32
    %sign3A = arith.constant 0 : i32
    %sign3A_121 = arith.cmpi sgt, %add3A, %sign3A : i32
    %sign3A_122 = arith.extui %sign3A_121 : i1 to i32
    %sign3A_123 = arith.constant 0 : i32
    %sign3A_124 = arith.cmpi slt, %add3A, %sign3A_123 : i32
    %sign3A_125 = arith.extui %sign3A_124 : i1 to i32
    %sign3A_126 = arith.subi %sign3A_122, %sign3A_125 : i32
    %sign3A_127 = arith.constant 0 : i32
    %sign3A_128 = arith.cmpi sgt, %jit3A, %sign3A_127 : i32
    %sign3A_129 = arith.extui %sign3A_128 : i1 to i32
    %sign3A_130 = arith.constant 0 : i32
    %sign3A_131 = arith.cmpi slt, %jit3A, %sign3A_130 : i32
    %sign3A_132 = arith.extui %sign3A_131 : i1 to i32
    %sign3A_133 = arith.subi %sign3A_129, %sign3A_132 : i32
    %ne3A = arith.cmpi ne, %sign3A_126, %sign3A_133 : i32
    %rem3A = arith.remsi %add3A, %jit3A : i32
    %ne3A_134 = arith.constant 0 : i32
    %ne3A_135 = arith.cmpi ne, %rem3A, %ne3A_134 : i32
    %and3A = arith.andi %ne3A, %ne3A_135 : i1
    %sub3A = arith.constant 1 : i32
    %sub3A_136 = arith.subi %div3A, %sub3A : i32
    %select_n3A = arith.select %and3A, %sub3A_136, %div3A : i32
    %rem3A_137 = arith.constant 4 : i32
    %rem3A_138 = arith.remsi %add3A, %rem3A_137 : i32
    %mul3A_139 = arith.constant 80000 : i32
    %mul3A_140 = arith.muli %select_n3A, %mul3A_139 : i32
    "tpu.region"() ({
      %run_scoped3A = tpu.sem_alloc : memref<!tpu.dma_semaphore, #tpu.memory_space<semaphore_mem>>
      %dma_start3A_146 = arith.constant 0 : i32
      %dma_start3A_147 = tpu.memref_slice %arg7[%dma_start3A_146] : memref<80048xi32, #tpu.memory_space<vmem>> -> memref<80000xi32, #tpu.memory_space<vmem>>
      %dma_start3A_148 = tpu.memref_slice %arg3[%mul3A_140] : memref<640064xi32, #tpu.memory_space<hbm>> -> memref<80000xi32, #tpu.memory_space<hbm>>
      %dma_start3A_149 = arith.constant 0 : i32
      %dma_start3A_150 = tpu.memref_slice %arg7[%dma_start3A_149] : memref<80048xi32, #tpu.memory_space<vmem>> -> memref<80000xi32, #tpu.memory_space<vmem>>
      %dma_start3A_151 = tpu.memref_slice %arg3[%mul3A_140] : memref<640064xi32, #tpu.memory_space<hbm>> -> memref<80000xi32, #tpu.memory_space<hbm>>
      tpu.enqueue_dma source(%dma_start3A_151 : memref<80000xi32, #tpu.memory_space<hbm>>) target(%dma_start3A_150 : memref<80000xi32, #tpu.memory_space<vmem>>) target_semaphore(%run_scoped3A : memref<!tpu.dma_semaphore, #tpu.memory_space<semaphore_mem>>)
      %dma_wait3A_152 = arith.constant 0 : i32
      %dma_wait3A_153 = tpu.memref_slice %arg7[%dma_wait3A_152] : memref<80048xi32, #tpu.memory_space<vmem>> -> memref<80000xi32, #tpu.memory_space<vmem>>
      %dma_wait3A_154 = tpu.memref_slice %arg3[%mul3A_140] : memref<640064xi32, #tpu.memory_space<hbm>> -> memref<80000xi32, #tpu.memory_space<hbm>>
      %dma_wait3A_155 = arith.constant 0 : i32
      %dma_wait3A_156 = tpu.memref_slice %arg7[%dma_wait3A_155] : memref<80048xi32, #tpu.memory_space<vmem>> -> memref<80000xi32, #tpu.memory_space<vmem>>
      %dma_wait3A_157 = tpu.memref_slice %arg3[%mul3A_140] : memref<640064xi32, #tpu.memory_space<hbm>> -> memref<80000xi32, #tpu.memory_space<hbm>>
      tpu.wait_dma2 semaphore(%run_scoped3A : memref<!tpu.dma_semaphore, #tpu.memory_space<semaphore_mem>>) src(%dma_wait3A_157 : memref<80000xi32, #tpu.memory_space<hbm>>) dst(%dma_wait3A_156 : memref<80000xi32, #tpu.memory_space<vmem>>)
      tpu.yield
    }) : () -> ()
    "tpu.region"() ({
      %run_scoped3A = tpu.sem_alloc : memref<!tpu.dma_semaphore, #tpu.memory_space<semaphore_mem>>
      %dma_start3A_146 = arith.constant 80000 : i32
      %dma_start3A_147 = tpu.memref_slice %arg7[%dma_start3A_146] : memref<80048xi32, #tpu.memory_space<vmem>> -> memref<48xi32, #tpu.memory_space<vmem>>
      %dma_start3A_148 = arith.constant 640000 : i32
      %dma_start3A_149 = tpu.memref_slice %arg3[%dma_start3A_148] : memref<640064xi32, #tpu.memory_space<hbm>> -> memref<48xi32, #tpu.memory_space<hbm>>
      %dma_start3A_150 = arith.constant 80000 : i32
      %dma_start3A_151 = tpu.memref_slice %arg7[%dma_start3A_150] : memref<80048xi32, #tpu.memory_space<vmem>> -> memref<48xi32, #tpu.memory_space<vmem>>
      %dma_start3A_152 = arith.constant 640000 : i32
      %dma_start3A_153 = tpu.memref_slice %arg3[%dma_start3A_152] : memref<640064xi32, #tpu.memory_space<hbm>> -> memref<48xi32, #tpu.memory_space<hbm>>
      tpu.enqueue_dma source(%dma_start3A_153 : memref<48xi32, #tpu.memory_space<hbm>>) target(%dma_start3A_151 : memref<48xi32, #tpu.memory_space<vmem>>) target_semaphore(%run_scoped3A : memref<!tpu.dma_semaphore, #tpu.memory_space<semaphore_mem>>)
      %dma_wait3A_154 = arith.constant 80000 : i32
      %dma_wait3A_155 = tpu.memref_slice %arg7[%dma_wait3A_154] : memref<80048xi32, #tpu.memory_space<vmem>> -> memref<48xi32, #tpu.memory_space<vmem>>
      %dma_wait3A_156 = arith.constant 640000 : i32
      %dma_wait3A_157 = tpu.memref_slice %arg3[%dma_wait3A_156] : memref<640064xi32, #tpu.memory_space<hbm>> -> memref<48xi32, #tpu.memory_space<hbm>>
      %dma_wait3A_158 = arith.constant 80000 : i32
      %dma_wait3A_159 = tpu.memref_slice %arg7[%dma_wait3A_158] : memref<80048xi32, #tpu.memory_space<vmem>> -> memref<48xi32, #tpu.memory_space<vmem>>
      %dma_wait3A_160 = arith.constant 640000 : i32
      %dma_wait3A_161 = tpu.memref_slice %arg3[%dma_wait3A_160] : memref<640064xi32, #tpu.memory_space<hbm>> -> memref<48xi32, #tpu.memory_space<hbm>>
      tpu.wait_dma2 semaphore(%run_scoped3A : memref<!tpu.dma_semaphore, #tpu.memory_space<semaphore_mem>>) src(%dma_wait3A_161 : memref<48xi32, #tpu.memory_space<hbm>>) dst(%dma_wait3A_159 : memref<48xi32, #tpu.memory_space<vmem>>)
      tpu.yield
    }) : () -> ()
    %scan3A = arith.constant 0 : i32
    %scan3A_141 = arith.constant 0 : i32
    %scan3A_142 = arith.constant 18 : i32
    %scan3A_143 = arith.addi %scan3A_141, %scan3A_142 : i32
    %scan3A_144 = arith.constant 1 : i32
    scf.for %scan3A_146 = %scan3A_141 to %scan3A_143 step %scan3A_144  : i32 {
      %lt3A = arith.constant 16 : i32
      %lt3A_147 = arith.cmpi slt, %scan3A_146, %lt3A : i32
      %mul3A_148 = arith.constant 1024 : i32
      %mul3A_149 = arith.muli %rem3A_138, %mul3A_148 : i32
      %mul3A_150 = arith.constant 64 : i32
      %mul3A_151 = arith.muli %scan3A_146, %mul3A_150 : i32
      %add3A_152 = arith.addi %mul3A_149, %mul3A_151 : i32
      %sub3A_153 = arith.constant 16 : i32
      %sub3A_154 = arith.subi %scan3A_146, %sub3A_153 : i32
      %mul3A_155 = arith.constant 64 : i32
      %mul3A_156 = arith.muli %sub3A_154, %mul3A_155 : i32
      %add3A_157 = arith.addi %mul3A_2, %mul3A_156 : i32
      %select_n3A_158 = arith.select %lt3A_147, %add3A_152, %add3A_157 : i32
      %jit3A_159 = arith.constant 8 : i32
      %select_n3A_160 = arith.select %lt3A_147, %select_n3A, %jit3A_159 : i32
      %mul3A_161 = arith.constant 819200 : i32
      %mul3A_162 = arith.muli %select_n3A_160, %mul3A_161 : i32
      %mul3A_163 = arith.constant 200 : i32
      %mul3A_164 = arith.muli %select_n3A_158, %mul3A_163 : i32
      %add3A_165 = arith.addi %mul3A_162, %mul3A_164 : i32
      "tpu.region"() ({
        %run_scoped3A = tpu.sem_alloc : memref<!tpu.dma_semaphore, #tpu.memory_space<semaphore_mem>>
        %dma_start3A_178 = tpu.memref_slice %arg4[%add3A_165] : memref<7372800xi32, #tpu.memory_space<hbm>> -> memref<12800xi32, #tpu.memory_space<hbm>>
        %dma_start3A_179 = tpu.memref_slice %arg4[%add3A_165] : memref<7372800xi32, #tpu.memory_space<hbm>> -> memref<12800xi32, #tpu.memory_space<hbm>>
        tpu.enqueue_dma source(%dma_start3A_179 : memref<12800xi32, #tpu.memory_space<hbm>>) target(%arg8 : memref<12800xi32, #tpu.memory_space<vmem>>) target_semaphore(%run_scoped3A : memref<!tpu.dma_semaphore, #tpu.memory_space<semaphore_mem>>)
        %dma_wait3A_180 = tpu.memref_slice %arg4[%add3A_165] : memref<7372800xi32, #tpu.memory_space<hbm>> -> memref<12800xi32, #tpu.memory_space<hbm>>
        %dma_wait3A_181 = tpu.memref_slice %arg4[%add3A_165] : memref<7372800xi32, #tpu.memory_space<hbm>> -> memref<12800xi32, #tpu.memory_space<hbm>>
        tpu.wait_dma2 semaphore(%run_scoped3A : memref<!tpu.dma_semaphore, #tpu.memory_space<semaphore_mem>>) src(%dma_wait3A_181 : memref<12800xi32, #tpu.memory_space<hbm>>) dst(%arg8 : memref<12800xi32, #tpu.memory_space<vmem>>)
        tpu.yield
      }) : () -> ()
      %add3A_166 = arith.constant 15 : i32
      %add3A_167 = arith.addi %add3A_166, %select_n3A : i32
      %mul3A_168 = arith.constant 16 : i32
      %mul3A_169 = arith.muli %add3A_167, %mul3A_168 : i32
      %jit3A_170 = arith.constant 368 : i32
      %select_n3A_171 = arith.select %lt3A_147, %mul3A_169, %jit3A_170 : i32
      %scan3A_172 = arith.constant 0 : i32
      %scan3A_173 = arith.constant 0 : i32
      %scan3A_174 = arith.constant 32 : i32
      %scan3A_175 = arith.addi %scan3A_173, %scan3A_174 : i32
      %scan3A_176 = arith.constant 1 : i32
      scf.for %scan3A_178 = %scan3A_173 to %scan3A_175 step %scan3A_176  : i32 {
        %mul3A_179 = arith.constant 400 : i32
        %mul3A_180 = arith.muli %scan3A_178, %mul3A_179 : i32
        %broadcast_in_dim3A = arith.constant 0.000000e+00 : f32
        %broadcast_in_dim3A_181 = vector.broadcast %broadcast_in_dim3A : f32 to vector<16xf32>
        %broadcast_in_dim3A_182 = arith.constant 0.000000e+00 : f32
        %broadcast_in_dim3A_183 = vector.broadcast %broadcast_in_dim3A_182 : f32 to vector<16xf32>
        %broadcast_in_dim3A_184 = arith.constant 0.000000e+00 : f32
        %broadcast_in_dim3A_185 = vector.broadcast %broadcast_in_dim3A_184 : f32 to vector<16xf32>
        %broadcast_in_dim3A_186 = arith.constant 0.000000e+00 : f32
        %broadcast_in_dim3A_187 = vector.broadcast %broadcast_in_dim3A_186 : f32 to vector<16xf32>
        %broadcast_in_dim3A_188 = arith.constant 0.000000e+00 : f32
        %broadcast_in_dim3A_189 = vector.broadcast %broadcast_in_dim3A_188 : f32 to vector<16xf32>
        %broadcast_in_dim3A_190 = arith.constant 0.000000e+00 : f32
        %broadcast_in_dim3A_191 = vector.broadcast %broadcast_in_dim3A_190 : f32 to vector<16xf32>
        %broadcast_in_dim3A_192 = arith.constant 0.000000e+00 : f32
        %broadcast_in_dim3A_193 = vector.broadcast %broadcast_in_dim3A_192 : f32 to vector<16xf32>
        %broadcast_in_dim3A_194 = arith.constant 0.000000e+00 : f32
        %broadcast_in_dim3A_195 = vector.broadcast %broadcast_in_dim3A_194 : f32 to vector<16xf32>
        %broadcast_in_dim3A_196 = arith.constant 0.000000e+00 : f32
        %broadcast_in_dim3A_197 = vector.broadcast %broadcast_in_dim3A_196 : f32 to vector<16xf32>
        %broadcast_in_dim3A_198 = arith.constant 0.000000e+00 : f32
        %broadcast_in_dim3A_199 = vector.broadcast %broadcast_in_dim3A_198 : f32 to vector<16xf32>
        %broadcast_in_dim3A_200 = arith.constant 0.000000e+00 : f32
        %broadcast_in_dim3A_201 = vector.broadcast %broadcast_in_dim3A_200 : f32 to vector<16xf32>
        %broadcast_in_dim3A_202 = arith.constant 0.000000e+00 : f32
        %broadcast_in_dim3A_203 = vector.broadcast %broadcast_in_dim3A_202 : f32 to vector<16xf32>
        %broadcast_in_dim3A_204 = arith.constant 0.000000e+00 : f32
        %broadcast_in_dim3A_205 = vector.broadcast %broadcast_in_dim3A_204 : f32 to vector<16xf32>
        %broadcast_in_dim3A_206 = arith.constant 0.000000e+00 : f32
        %broadcast_in_dim3A_207 = vector.broadcast %broadcast_in_dim3A_206 : f32 to vector<16xf32>
        %broadcast_in_dim3A_208 = arith.constant 0.000000e+00 : f32
        %broadcast_in_dim3A_209 = vector.broadcast %broadcast_in_dim3A_208 : f32 to vector<16xf32>
        %broadcast_in_dim3A_210 = arith.constant 0.000000e+00 : f32
        %broadcast_in_dim3A_211 = vector.broadcast %broadcast_in_dim3A_210 : f32 to vector<16xf32>
        %scan3A_212 = arith.constant 0 : i32
        %scan3A_213 = arith.constant 12 : i32
        %scan3A_214 = arith.addi %scan3A_212, %scan3A_213 : i32
        %scan3A_215 = arith.constant 1 : i32
        %scan3A_216:16 = scf.for %scan3A_583 = %scan3A_212 to %scan3A_214 step %scan3A_215 iter_args(%scan3A_584 = %broadcast_in_dim3A_181, %scan3A_585 = %broadcast_in_dim3A_183, %scan3A_586 = %broadcast_in_dim3A_185, %scan3A_587 = %broadcast_in_dim3A_187, %scan3A_588 = %broadcast_in_dim3A_189, %scan3A_589 = %broadcast_in_dim3A_191, %scan3A_590 = %broadcast_in_dim3A_193, %scan3A_591 = %broadcast_in_dim3A_195, %scan3A_592 = %broadcast_in_dim3A_197, %scan3A_593 = %broadcast_in_dim3A_199, %scan3A_594 = %broadcast_in_dim3A_201, %scan3A_595 = %broadcast_in_dim3A_203, %scan3A_596 = %broadcast_in_dim3A_205, %scan3A_597 = %broadcast_in_dim3A_207, %scan3A_598 = %broadcast_in_dim3A_209, %scan3A_599 = %broadcast_in_dim3A_211) -> (vector<16xf32>, vector<16xf32>, vector<16xf32>, vector<16xf32>, vector<16xf32>, vector<16xf32>, vector<16xf32>, vector<16xf32>, vector<16xf32>, vector<16xf32>, vector<16xf32>, vector<16xf32>, vector<16xf32>, vector<16xf32>, vector<16xf32>, vector<16xf32>)  : i32 {
          %mul3A_600 = arith.constant 16 : i32
          %mul3A_601 = arith.muli %scan3A_583, %mul3A_600 : i32
          %add3A_602 = arith.addi %mul3A_180, %mul3A_601 : i32
          %get3A_603 = arith.index_cast %add3A_602 : i32 to index
          %get3A_604 = tpu.vector_load %arg8[%get3A_603] {strides = array<i32>} : memref<12800xi32, #tpu.memory_space<vmem>>, vector<16xi32>,
          %shift_left3A_605 = arith.constant 3 : i32
          %shift_left3A_606 = vector.broadcast %shift_left3A_605 : i32 to vector<16xi32>
          %shift_left3A_607 = arith.shli %get3A_604, %shift_left3A_606 : vector<16xi32>
          %add3A_608 = arith.constant 0 : i32
          %add3A_609 = vector.broadcast %add3A_608 : i32 to vector<16xi32>
          %add3A_610 = arith.addi %shift_left3A_607, %add3A_609 : vector<16xi32>
          %gather3A_611 = tpu.vector_load_idx %arg7[%add3A_610] : memref<80048xi32, #tpu.memory_space<vmem>>[vector<16xi32>], vector<16xi32>,
          %bitcast3A_612 = vector.bitcast %gather3A_611 : vector<16xi32> to vector<32xbf16>
          %unpack3A_613 = tpu.unpack_subelements %bitcast3A_612, 0 {pack_format = #tpu.pack_format<interleaved>} : vector<32xbf16> -> vector<16xf32>
          %unpack3A_614 = tpu.unpack_subelements %bitcast3A_612, 1 {pack_format = #tpu.pack_format<interleaved>} : vector<32xbf16> -> vector<16xf32>
          %add3A_615 = arith.addf %scan3A_584, %unpack3A_613 : vector<16xf32>
          %add3A_616 = arith.addf %scan3A_585, %unpack3A_614 : vector<16xf32>
          %add3A_617 = arith.constant 1 : i32
          %add3A_618 = vector.broadcast %add3A_617 : i32 to vector<16xi32>
          %add3A_619 = arith.addi %shift_left3A_607, %add3A_618 : vector<16xi32>
          %gather3A_620 = tpu.vector_load_idx %arg7[%add3A_619] : memref<80048xi32, #tpu.memory_space<vmem>>[vector<16xi32>], vector<16xi32>,
          %bitcast3A_621 = vector.bitcast %gather3A_620 : vector<16xi32> to vector<32xbf16>
          %unpack3A_622 = tpu.unpack_subelements %bitcast3A_621, 0 {pack_format = #tpu.pack_format<interleaved>} : vector<32xbf16> -> vector<16xf32>
          %unpack3A_623 = tpu.unpack_subelements %bitcast3A_621, 1 {pack_format = #tpu.pack_format<interleaved>} : vector<32xbf16> -> vector<16xf32>
          %add3A_624 = arith.addf %scan3A_586, %unpack3A_622 : vector<16xf32>
          %add3A_625 = arith.addf %scan3A_587, %unpack3A_623 : vector<16xf32>
          %add3A_626 = arith.constant 2 : i32
          %add3A_627 = vector.broadcast %add3A_626 : i32 to vector<16xi32>
          %add3A_628 = arith.addi %shift_left3A_607, %add3A_627 : vector<16xi32>
          %gather3A_629 = tpu.vector_load_idx %arg7[%add3A_628] : memref<80048xi32, #tpu.memory_space<vmem>>[vector<16xi32>], vector<16xi32>,
          %bitcast3A_630 = vector.bitcast %gather3A_629 : vector<16xi32> to vector<32xbf16>
          %unpack3A_631 = tpu.unpack_subelements %bitcast3A_630, 0 {pack_format = #tpu.pack_format<interleaved>} : vector<32xbf16> -> vector<16xf32>
          %unpack3A_632 = tpu.unpack_subelements %bitcast3A_630, 1 {pack_format = #tpu.pack_format<interleaved>} : vector<32xbf16> -> vector<16xf32>
          %add3A_633 = arith.addf %scan3A_588, %unpack3A_631 : vector<16xf32>
          %add3A_634 = arith.addf %scan3A_589, %unpack3A_632 : vector<16xf32>
          %add3A_635 = arith.constant 3 : i32
          %add3A_636 = vector.broadcast %add3A_635 : i32 to vector<16xi32>
          %add3A_637 = arith.addi %shift_left3A_607, %add3A_636 : vector<16xi32>
          %gather3A_638 = tpu.vector_load_idx %arg7[%add3A_637] : memref<80048xi32, #tpu.memory_space<vmem>>[vector<16xi32>], vector<16xi32>,
          %bitcast3A_639 = vector.bitcast %gather3A_638 : vector<16xi32> to vector<32xbf16>
          %unpack3A_640 = tpu.unpack_subelements %bitcast3A_639, 0 {pack_format = #tpu.pack_format<interleaved>} : vector<32xbf16> -> vector<16xf32>
          %unpack3A_641 = tpu.unpack_subelements %bitcast3A_639, 1 {pack_format = #tpu.pack_format<interleaved>} : vector<32xbf16> -> vector<16xf32>
          %add3A_642 = arith.addf %scan3A_590, %unpack3A_640 : vector<16xf32>
          %add3A_643 = arith.addf %scan3A_591, %unpack3A_641 : vector<16xf32>
          %add3A_644 = arith.constant 4 : i32
          %add3A_645 = vector.broadcast %add3A_644 : i32 to vector<16xi32>
          %add3A_646 = arith.addi %shift_left3A_607, %add3A_645 : vector<16xi32>
          %gather3A_647 = tpu.vector_load_idx %arg7[%add3A_646] : memref<80048xi32, #tpu.memory_space<vmem>>[vector<16xi32>], vector<16xi32>,
          %bitcast3A_648 = vector.bitcast %gather3A_647 : vector<16xi32> to vector<32xbf16>
          %unpack3A_649 = tpu.unpack_subelements %bitcast3A_648, 0 {pack_format = #tpu.pack_format<interleaved>} : vector<32xbf16> -> vector<16xf32>
          %unpack3A_650 = tpu.unpack_subelements %bitcast3A_648, 1 {pack_format = #tpu.pack_format<interleaved>} : vector<32xbf16> -> vector<16xf32>
          %add3A_651 = arith.addf %scan3A_592, %unpack3A_649 : vector<16xf32>
          %add3A_652 = arith.addf %scan3A_593, %unpack3A_650 : vector<16xf32>
          %add3A_653 = arith.constant 5 : i32
          %add3A_654 = vector.broadcast %add3A_653 : i32 to vector<16xi32>
          %add3A_655 = arith.addi %shift_left3A_607, %add3A_654 : vector<16xi32>
          %gather3A_656 = tpu.vector_load_idx %arg7[%add3A_655] : memref<80048xi32, #tpu.memory_space<vmem>>[vector<16xi32>], vector<16xi32>,
          %bitcast3A_657 = vector.bitcast %gather3A_656 : vector<16xi32> to vector<32xbf16>
          %unpack3A_658 = tpu.unpack_subelements %bitcast3A_657, 0 {pack_format = #tpu.pack_format<interleaved>} : vector<32xbf16> -> vector<16xf32>
          %unpack3A_659 = tpu.unpack_subelements %bitcast3A_657, 1 {pack_format = #tpu.pack_format<interleaved>} : vector<32xbf16> -> vector<16xf32>
          %add3A_660 = arith.addf %scan3A_594, %unpack3A_658 : vector<16xf32>
          %add3A_661 = arith.addf %scan3A_595, %unpack3A_659 : vector<16xf32>
          %add3A_662 = arith.constant 6 : i32
          %add3A_663 = vector.broadcast %add3A_662 : i32 to vector<16xi32>
          %add3A_664 = arith.addi %shift_left3A_607, %add3A_663 : vector<16xi32>
          %gather3A_665 = tpu.vector_load_idx %arg7[%add3A_664] : memref<80048xi32, #tpu.memory_space<vmem>>[vector<16xi32>], vector<16xi32>,
          %bitcast3A_666 = vector.bitcast %gather3A_665 : vector<16xi32> to vector<32xbf16>
          %unpack3A_667 = tpu.unpack_subelements %bitcast3A_666, 0 {pack_format = #tpu.pack_format<interleaved>} : vector<32xbf16> -> vector<16xf32>
          %unpack3A_668 = tpu.unpack_subelements %bitcast3A_666, 1 {pack_format = #tpu.pack_format<interleaved>} : vector<32xbf16> -> vector<16xf32>
          %add3A_669 = arith.addf %scan3A_596, %unpack3A_667 : vector<16xf32>
          %add3A_670 = arith.addf %scan3A_597, %unpack3A_668 : vector<16xf32>
          %add3A_671 = arith.constant 7 : i32
          %add3A_672 = vector.broadcast %add3A_671 : i32 to vector<16xi32>
          %add3A_673 = arith.addi %shift_left3A_607, %add3A_672 : vector<16xi32>
          %gather3A_674 = tpu.vector_load_idx %arg7[%add3A_673] : memref<80048xi32, #tpu.memory_space<vmem>>[vector<16xi32>], vector<16xi32>,
          %bitcast3A_675 = vector.bitcast %gather3A_674 : vector<16xi32> to vector<32xbf16>
          %unpack3A_676 = tpu.unpack_subelements %bitcast3A_675, 0 {pack_format = #tpu.pack_format<interleaved>} : vector<32xbf16> -> vector<16xf32>
          %unpack3A_677 = tpu.unpack_subelements %bitcast3A_675, 1 {pack_format = #tpu.pack_format<interleaved>} : vector<32xbf16> -> vector<16xf32>
          %add3A_678 = arith.addf %scan3A_598, %unpack3A_676 : vector<16xf32>
          %add3A_679 = arith.addf %scan3A_599, %unpack3A_677 : vector<16xf32>
          scf.yield %add3A_615, %add3A_616, %add3A_624, %add3A_625, %add3A_633, %add3A_634, %add3A_642, %add3A_643, %add3A_651, %add3A_652, %add3A_660, %add3A_661, %add3A_669, %add3A_670, %add3A_678, %add3A_679 : vector<16xf32>, vector<16xf32>, vector<16xf32>, vector<16xf32>, vector<16xf32>, vector<16xf32>, vector<16xf32>, vector<16xf32>, vector<16xf32>, vector<16xf32>, vector<16xf32>, vector<16xf32>, vector<16xf32>, vector<16xf32>, vector<16xf32>, vector<16xf32>
        }
        %scan3A_217 = arith.constant 12 : i32
        %add3A_218 = arith.constant 192 : i32
        %add3A_219 = arith.addi %mul3A_180, %add3A_218 : i32
        %iota3A = tpu.iota {dimensions = array<i32: 0>} : vector<16xi32>
        %lt3A_220 = arith.constant 8 : i32
        %lt3A_221 = vector.broadcast %lt3A_220 : i32 to vector<16xi32>
        %lt3A_222 = arith.cmpi slt, %iota3A, %lt3A_221 : vector<16xi32>
        %get3A = arith.index_cast %add3A_219 : i32 to index
        %get3A_223 = tpu.vector_load %arg8[%get3A] {strides = array<i32>} : memref<12800xi32, #tpu.memory_space<vmem>>, vector<16xi32>,
        %jit3A_224 = arith.constant 0 : i32
        %broadcast_in_dim3A_225 = vector.broadcast %jit3A_224 : i32 to vector<16xi32>
        %select_n3A_226 = arith.select %lt3A_222, %get3A_223, %broadcast_in_dim3A_225 : vector<16xi1>, vector<16xi32>
        %shift_left3A = arith.constant 3 : i32
        %shift_left3A_227 = vector.broadcast %shift_left3A : i32 to vector<16xi32>
        %shift_left3A_228 = arith.shli %select_n3A_226, %shift_left3A_227 : vector<16xi32>
        %add3A_229 = arith.constant 0 : i32
        %add3A_230 = vector.broadcast %add3A_229 : i32 to vector<16xi32>
        %add3A_231 = arith.addi %shift_left3A_228, %add3A_230 : vector<16xi32>
        %gather3A = tpu.vector_load_idx %arg7[%add3A_231] : memref<80048xi32, #tpu.memory_space<vmem>>[vector<16xi32>], vector<16xi32>,
        %bitcast3A = vector.bitcast %gather3A : vector<16xi32> to vector<32xbf16>
        %unpack3A = tpu.unpack_subelements %bitcast3A, 0 {pack_format = #tpu.pack_format<interleaved>} : vector<32xbf16> -> vector<16xf32>
        %unpack3A_232 = tpu.unpack_subelements %bitcast3A, 1 {pack_format = #tpu.pack_format<interleaved>} : vector<32xbf16> -> vector<16xf32>
        %add3A_233 = arith.addf %scan3A_216#0, %unpack3A : vector<16xf32>
        %add3A_234 = arith.addf %scan3A_216#1, %unpack3A_232 : vector<16xf32>
        %add3A_235 = arith.constant 1 : i32
        %add3A_236 = vector.broadcast %add3A_235 : i32 to vector<16xi32>
        %add3A_237 = arith.addi %shift_left3A_228, %add3A_236 : vector<16xi32>
        %gather3A_238 = tpu.vector_load_idx %arg7[%add3A_237] : memref<80048xi32, #tpu.memory_space<vmem>>[vector<16xi32>], vector<16xi32>,
        %bitcast3A_239 = vector.bitcast %gather3A_238 : vector<16xi32> to vector<32xbf16>
        %unpack3A_240 = tpu.unpack_subelements %bitcast3A_239, 0 {pack_format = #tpu.pack_format<interleaved>} : vector<32xbf16> -> vector<16xf32>
        %unpack3A_241 = tpu.unpack_subelements %bitcast3A_239, 1 {pack_format = #tpu.pack_format<interleaved>} : vector<32xbf16> -> vector<16xf32>
        %add3A_242 = arith.addf %scan3A_216#2, %unpack3A_240 : vector<16xf32>
        %add3A_243 = arith.addf %scan3A_216#3, %unpack3A_241 : vector<16xf32>
        %add3A_244 = arith.constant 2 : i32
        %add3A_245 = vector.broadcast %add3A_244 : i32 to vector<16xi32>
        %add3A_246 = arith.addi %shift_left3A_228, %add3A_245 : vector<16xi32>
        %gather3A_247 = tpu.vector_load_idx %arg7[%add3A_246] : memref<80048xi32, #tpu.memory_space<vmem>>[vector<16xi32>], vector<16xi32>,
        %bitcast3A_248 = vector.bitcast %gather3A_247 : vector<16xi32> to vector<32xbf16>
        %unpack3A_249 = tpu.unpack_subelements %bitcast3A_248, 0 {pack_format = #tpu.pack_format<interleaved>} : vector<32xbf16> -> vector<16xf32>
        %unpack3A_250 = tpu.unpack_subelements %bitcast3A_248, 1 {pack_format = #tpu.pack_format<interleaved>} : vector<32xbf16> -> vector<16xf32>
        %add3A_251 = arith.addf %scan3A_216#4, %unpack3A_249 : vector<16xf32>
        %add3A_252 = arith.addf %scan3A_216#5, %unpack3A_250 : vector<16xf32>
        %add3A_253 = arith.constant 3 : i32
        %add3A_254 = vector.broadcast %add3A_253 : i32 to vector<16xi32>
        %add3A_255 = arith.addi %shift_left3A_228, %add3A_254 : vector<16xi32>
        %gather3A_256 = tpu.vector_load_idx %arg7[%add3A_255] : memref<80048xi32, #tpu.memory_space<vmem>>[vector<16xi32>], vector<16xi32>,
        %bitcast3A_257 = vector.bitcast %gather3A_256 : vector<16xi32> to vector<32xbf16>
        %unpack3A_258 = tpu.unpack_subelements %bitcast3A_257, 0 {pack_format = #tpu.pack_format<interleaved>} : vector<32xbf16> -> vector<16xf32>
        %unpack3A_259 = tpu.unpack_subelements %bitcast3A_257, 1 {pack_format = #tpu.pack_format<interleaved>} : vector<32xbf16> -> vector<16xf32>
        %add3A_260 = arith.addf %scan3A_216#6, %unpack3A_258 : vector<16xf32>
        %add3A_261 = arith.addf %scan3A_216#7, %unpack3A_259 : vector<16xf32>
        %add3A_262 = arith.constant 4 : i32
        %add3A_263 = vector.broadcast %add3A_262 : i32 to vector<16xi32>
        %add3A_264 = arith.addi %shift_left3A_228, %add3A_263 : vector<16xi32>
        %gather3A_265 = tpu.vector_load_idx %arg7[%add3A_264] : memref<80048xi32, #tpu.memory_space<vmem>>[vector<16xi32>], vector<16xi32>,
        %bitcast3A_266 = vector.bitcast %gather3A_265 : vector<16xi32> to vector<32xbf16>
        %unpack3A_267 = tpu.unpack_subelements %bitcast3A_266, 0 {pack_format = #tpu.pack_format<interleaved>} : vector<32xbf16> -> vector<16xf32>
        %unpack3A_268 = tpu.unpack_subelements %bitcast3A_266, 1 {pack_format = #tpu.pack_format<interleaved>} : vector<32xbf16> -> vector<16xf32>
        %add3A_269 = arith.addf %scan3A_216#8, %unpack3A_267 : vector<16xf32>
        %add3A_270 = arith.addf %scan3A_216#9, %unpack3A_268 : vector<16xf32>
        %add3A_271 = arith.constant 5 : i32
        %add3A_272 = vector.broadcast %add3A_271 : i32 to vector<16xi32>
        %add3A_273 = arith.addi %shift_left3A_228, %add3A_272 : vector<16xi32>
        %gather3A_274 = tpu.vector_load_idx %arg7[%add3A_273] : memref<80048xi32, #tpu.memory_space<vmem>>[vector<16xi32>], vector<16xi32>,
        %bitcast3A_275 = vector.bitcast %gather3A_274 : vector<16xi32> to vector<32xbf16>
        %unpack3A_276 = tpu.unpack_subelements %bitcast3A_275, 0 {pack_format = #tpu.pack_format<interleaved>} : vector<32xbf16> -> vector<16xf32>
        %unpack3A_277 = tpu.unpack_subelements %bitcast3A_275, 1 {pack_format = #tpu.pack_format<interleaved>} : vector<32xbf16> -> vector<16xf32>
        %add3A_278 = arith.addf %scan3A_216#10, %unpack3A_276 : vector<16xf32>
        %add3A_279 = arith.addf %scan3A_216#11, %unpack3A_277 : vector<16xf32>
        %add3A_280 = arith.constant 6 : i32
        %add3A_281 = vector.broadcast %add3A_280 : i32 to vector<16xi32>
        %add3A_282 = arith.addi %shift_left3A_228, %add3A_281 : vector<16xi32>
        %gather3A_283 = tpu.vector_load_idx %arg7[%add3A_282] : memref<80048xi32, #tpu.memory_space<vmem>>[vector<16xi32>], vector<16xi32>,
        %bitcast3A_284 = vector.bitcast %gather3A_283 : vector<16xi32> to vector<32xbf16>
        %unpack3A_285 = tpu.unpack_subelements %bitcast3A_284, 0 {pack_format = #tpu.pack_format<interleaved>} : vector<32xbf16> -> vector<16xf32>
        %unpack3A_286 = tpu.unpack_subelements %bitcast3A_284, 1 {pack_format = #tpu.pack_format<interleaved>} : vector<32xbf16> -> vector<16xf32>
        %add3A_287 = arith.addf %scan3A_216#12, %unpack3A_285 : vector<16xf32>
        %add3A_288 = arith.addf %scan3A_216#13, %unpack3A_286 : vector<16xf32>
        %add3A_289 = arith.constant 7 : i32
        %add3A_290 = vector.broadcast %add3A_289 : i32 to vector<16xi32>
        %add3A_291 = arith.addi %shift_left3A_228, %add3A_290 : vector<16xi32>
        %gather3A_292 = tpu.vector_load_idx %arg7[%add3A_291] : memref<80048xi32, #tpu.memory_space<vmem>>[vector<16xi32>], vector<16xi32>,
        %bitcast3A_293 = vector.bitcast %gather3A_292 : vector<16xi32> to vector<32xbf16>
        %unpack3A_294 = tpu.unpack_subelements %bitcast3A_293, 0 {pack_format = #tpu.pack_format<interleaved>} : vector<32xbf16> -> vector<16xf32>
        %unpack3A_295 = tpu.unpack_subelements %bitcast3A_293, 1 {pack_format = #tpu.pack_format<interleaved>} : vector<32xbf16> -> vector<16xf32>
        %add3A_296 = arith.addf %scan3A_216#14, %unpack3A_294 : vector<16xf32>
        %add3A_297 = arith.addf %scan3A_216#15, %unpack3A_295 : vector<16xf32>
        %broadcast_in_dim3A_298 = arith.constant true
        %broadcast_in_dim3A_299 = vector.broadcast %broadcast_in_dim3A_298 : i1 to vector<16xi1>
        %masked_cumsum3A = tpu.scan <sum>, %add3A_233 masked %broadcast_in_dim3A_299 : vector<16xf32>, vector<16xi1> -> vector<16xf32>
        %swap3A = arith.constant 0 : index
        %swap3A_300 = tpu.vector_load %arg10[%swap3A] {strides = array<i32>} : memref<256xf32, #tpu.memory_space<vmem>>, vector<16xf32>,
        tpu.vector_store %arg10[%swap3A], %masked_cumsum3A {strides = array<i32>} : memref<256xf32, #tpu.memory_space<vmem>>, vector<16xf32>,
        %broadcast_in_dim3A_301 = arith.constant true
        %broadcast_in_dim3A_302 = vector.broadcast %broadcast_in_dim3A_301 : i1 to vector<16xi1>
        %masked_cumsum3A_303 = tpu.scan <sum>, %add3A_234 masked %broadcast_in_dim3A_302 : vector<16xf32>, vector<16xi1> -> vector<16xf32>
        %swap3A_304 = arith.constant 16 : index
        %swap3A_305 = tpu.vector_load %arg10[%swap3A_304] {strides = array<i32>} : memref<256xf32, #tpu.memory_space<vmem>>, vector<16xf32>,
        tpu.vector_store %arg10[%swap3A_304], %masked_cumsum3A_303 {strides = array<i32>} : memref<256xf32, #tpu.memory_space<vmem>>, vector<16xf32>,
        %broadcast_in_dim3A_306 = arith.constant true
        %broadcast_in_dim3A_307 = vector.broadcast %broadcast_in_dim3A_306 : i1 to vector<16xi1>
        %masked_cumsum3A_308 = tpu.scan <sum>, %add3A_242 masked %broadcast_in_dim3A_307 : vector<16xf32>, vector<16xi1> -> vector<16xf32>
        %swap3A_309 = arith.constant 32 : index
        %swap3A_310 = tpu.vector_load %arg10[%swap3A_309] {strides = array<i32>} : memref<256xf32, #tpu.memory_space<vmem>>, vector<16xf32>,
        tpu.vector_store %arg10[%swap3A_309], %masked_cumsum3A_308 {strides = array<i32>} : memref<256xf32, #tpu.memory_space<vmem>>, vector<16xf32>,
        %broadcast_in_dim3A_311 = arith.constant true
        %broadcast_in_dim3A_312 = vector.broadcast %broadcast_in_dim3A_311 : i1 to vector<16xi1>
        %masked_cumsum3A_313 = tpu.scan <sum>, %add3A_243 masked %broadcast_in_dim3A_312 : vector<16xf32>, vector<16xi1> -> vector<16xf32>
        %swap3A_314 = arith.constant 48 : index
        %swap3A_315 = tpu.vector_load %arg10[%swap3A_314] {strides = array<i32>} : memref<256xf32, #tpu.memory_space<vmem>>, vector<16xf32>,
        tpu.vector_store %arg10[%swap3A_314], %masked_cumsum3A_313 {strides = array<i32>} : memref<256xf32, #tpu.memory_space<vmem>>, vector<16xf32>,
        %broadcast_in_dim3A_316 = arith.constant true
        %broadcast_in_dim3A_317 = vector.broadcast %broadcast_in_dim3A_316 : i1 to vector<16xi1>
        %masked_cumsum3A_318 = tpu.scan <sum>, %add3A_251 masked %broadcast_in_dim3A_317 : vector<16xf32>, vector<16xi1> -> vector<16xf32>
        %swap3A_319 = arith.constant 64 : index
        %swap3A_320 = tpu.vector_load %arg10[%swap3A_319] {strides = array<i32>} : memref<256xf32, #tpu.memory_space<vmem>>, vector<16xf32>,
        tpu.vector_store %arg10[%swap3A_319], %masked_cumsum3A_318 {strides = array<i32>} : memref<256xf32, #tpu.memory_space<vmem>>, vector<16xf32>,
        %broadcast_in_dim3A_321 = arith.constant true
        %broadcast_in_dim3A_322 = vector.broadcast %broadcast_in_dim3A_321 : i1 to vector<16xi1>
        %masked_cumsum3A_323 = tpu.scan <sum>, %add3A_252 masked %broadcast_in_dim3A_322 : vector<16xf32>, vector<16xi1> -> vector<16xf32>
        %swap3A_324 = arith.constant 80 : index
        %swap3A_325 = tpu.vector_load %arg10[%swap3A_324] {strides = array<i32>} : memref<256xf32, #tpu.memory_space<vmem>>, vector<16xf32>,
        tpu.vector_store %arg10[%swap3A_324], %masked_cumsum3A_323 {strides = array<i32>} : memref<256xf32, #tpu.memory_space<vmem>>, vector<16xf32>,
        %broadcast_in_dim3A_326 = arith.constant true
        %broadcast_in_dim3A_327 = vector.broadcast %broadcast_in_dim3A_326 : i1 to vector<16xi1>
        %masked_cumsum3A_328 = tpu.scan <sum>, %add3A_260 masked %broadcast_in_dim3A_327 : vector<16xf32>, vector<16xi1> -> vector<16xf32>
        %swap3A_329 = arith.constant 96 : index
        %swap3A_330 = tpu.vector_load %arg10[%swap3A_329] {strides = array<i32>} : memref<256xf32, #tpu.memory_space<vmem>>, vector<16xf32>,
        tpu.vector_store %arg10[%swap3A_329], %masked_cumsum3A_328 {strides = array<i32>} : memref<256xf32, #tpu.memory_space<vmem>>, vector<16xf32>,
        %broadcast_in_dim3A_331 = arith.constant true
        %broadcast_in_dim3A_332 = vector.broadcast %broadcast_in_dim3A_331 : i1 to vector<16xi1>
        %masked_cumsum3A_333 = tpu.scan <sum>, %add3A_261 masked %broadcast_in_dim3A_332 : vector<16xf32>, vector<16xi1> -> vector<16xf32>
        %swap3A_334 = arith.constant 112 : index
        %swap3A_335 = tpu.vector_load %arg10[%swap3A_334] {strides = array<i32>} : memref<256xf32, #tpu.memory_space<vmem>>, vector<16xf32>,
        tpu.vector_store %arg10[%swap3A_334], %masked_cumsum3A_333 {strides = array<i32>} : memref<256xf32, #tpu.memory_space<vmem>>, vector<16xf32>,
        %broadcast_in_dim3A_336 = arith.constant true
        %broadcast_in_dim3A_337 = vector.broadcast %broadcast_in_dim3A_336 : i1 to vector<16xi1>
        %masked_cumsum3A_338 = tpu.scan <sum>, %add3A_269 masked %broadcast_in_dim3A_337 : vector<16xf32>, vector<16xi1> -> vector<16xf32>
        %swap3A_339 = arith.constant 128 : index
        %swap3A_340 = tpu.vector_load %arg10[%swap3A_339] {strides = array<i32>} : memref<256xf32, #tpu.memory_space<vmem>>, vector<16xf32>,
        tpu.vector_store %arg10[%swap3A_339], %masked_cumsum3A_338 {strides = array<i32>} : memref<256xf32, #tpu.memory_space<vmem>>, vector<16xf32>,
        %broadcast_in_dim3A_341 = arith.constant true
        %broadcast_in_dim3A_342 = vector.broadcast %broadcast_in_dim3A_341 : i1 to vector<16xi1>
        %masked_cumsum3A_343 = tpu.scan <sum>, %add3A_270 masked %broadcast_in_dim3A_342 : vector<16xf32>, vector<16xi1> -> vector<16xf32>
        %swap3A_344 = arith.constant 144 : index
        %swap3A_345 = tpu.vector_load %arg10[%swap3A_344] {strides = array<i32>} : memref<256xf32, #tpu.memory_space<vmem>>, vector<16xf32>,
        tpu.vector_store %arg10[%swap3A_344], %masked_cumsum3A_343 {strides = array<i32>} : memref<256xf32, #tpu.memory_space<vmem>>, vector<16xf32>,
        %broadcast_in_dim3A_346 = arith.constant true
        %broadcast_in_dim3A_347 = vector.broadcast %broadcast_in_dim3A_346 : i1 to vector<16xi1>
        %masked_cumsum3A_348 = tpu.scan <sum>, %add3A_278 masked %broadcast_in_dim3A_347 : vector<16xf32>, vector<16xi1> -> vector<16xf32>
        %swap3A_349 = arith.constant 160 : index
        %swap3A_350 = tpu.vector_load %arg10[%swap3A_349] {strides = array<i32>} : memref<256xf32, #tpu.memory_space<vmem>>, vector<16xf32>,
        tpu.vector_store %arg10[%swap3A_349], %masked_cumsum3A_348 {strides = array<i32>} : memref<256xf32, #tpu.memory_space<vmem>>, vector<16xf32>,
        %broadcast_in_dim3A_351 = arith.constant true
        %broadcast_in_dim3A_352 = vector.broadcast %broadcast_in_dim3A_351 : i1 to vector<16xi1>
        %masked_cumsum3A_353 = tpu.scan <sum>, %add3A_279 masked %broadcast_in_dim3A_352 : vector<16xf32>, vector<16xi1> -> vector<16xf32>
        %swap3A_354 = arith.constant 176 : index
        %swap3A_355 = tpu.vector_load %arg10[%swap3A_354] {strides = array<i32>} : memref<256xf32, #tpu.memory_space<vmem>>, vector<16xf32>,
        tpu.vector_store %arg10[%swap3A_354], %masked_cumsum3A_353 {strides = array<i32>} : memref<256xf32, #tpu.memory_space<vmem>>, vector<16xf32>,
        %broadcast_in_dim3A_356 = arith.constant true
        %broadcast_in_dim3A_357 = vector.broadcast %broadcast_in_dim3A_356 : i1 to vector<16xi1>
        %masked_cumsum3A_358 = tpu.scan <sum>, %add3A_287 masked %broadcast_in_dim3A_357 : vector<16xf32>, vector<16xi1> -> vector<16xf32>
        %swap3A_359 = arith.constant 192 : index
        %swap3A_360 = tpu.vector_load %arg10[%swap3A_359] {strides = array<i32>} : memref<256xf32, #tpu.memory_space<vmem>>, vector<16xf32>,
        tpu.vector_store %arg10[%swap3A_359], %masked_cumsum3A_358 {strides = array<i32>} : memref<256xf32, #tpu.memory_space<vmem>>, vector<16xf32>,
        %broadcast_in_dim3A_361 = arith.constant true
        %broadcast_in_dim3A_362 = vector.broadcast %broadcast_in_dim3A_361 : i1 to vector<16xi1>
        %masked_cumsum3A_363 = tpu.scan <sum>, %add3A_288 masked %broadcast_in_dim3A_362 : vector<16xf32>, vector<16xi1> -> vector<16xf32>
        %swap3A_364 = arith.constant 208 : index
        %swap3A_365 = tpu.vector_load %arg10[%swap3A_364] {strides = array<i32>} : memref<256xf32, #tpu.memory_space<vmem>>, vector<16xf32>,
        tpu.vector_store %arg10[%swap3A_364], %masked_cumsum3A_363 {strides = array<i32>} : memref<256xf32, #tpu.memory_space<vmem>>, vector<16xf32>,
        %broadcast_in_dim3A_366 = arith.constant true
        %broadcast_in_dim3A_367 = vector.broadcast %broadcast_in_dim3A_366 : i1 to vector<16xi1>
        %masked_cumsum3A_368 = tpu.scan <sum>, %add3A_296 masked %broadcast_in_dim3A_367 : vector<16xf32>, vector<16xi1> -> vector<16xf32>
        %swap3A_369 = arith.constant 224 : index
        %swap3A_370 = tpu.vector_load %arg10[%swap3A_369] {strides = array<i32>} : memref<256xf32, #tpu.memory_space<vmem>>, vector<16xf32>,
        tpu.vector_store %arg10[%swap3A_369], %masked_cumsum3A_368 {strides = array<i32>} : memref<256xf32, #tpu.memory_space<vmem>>, vector<16xf32>,
        %broadcast_in_dim3A_371 = arith.constant true
        %broadcast_in_dim3A_372 = vector.broadcast %broadcast_in_dim3A_371 : i1 to vector<16xi1>
        %masked_cumsum3A_373 = tpu.scan <sum>, %add3A_297 masked %broadcast_in_dim3A_372 : vector<16xf32>, vector<16xi1> -> vector<16xf32>
        %swap3A_374 = arith.constant 240 : index
        %swap3A_375 = tpu.vector_load %arg10[%swap3A_374] {strides = array<i32>} : memref<256xf32, #tpu.memory_space<vmem>>, vector<16xf32>,
        tpu.vector_store %arg10[%swap3A_374], %masked_cumsum3A_373 {strides = array<i32>} : memref<256xf32, #tpu.memory_space<vmem>>, vector<16xf32>,
        %iota3A_376 = tpu.iota {dimensions = array<i32: 0>} : vector<16xi32>
        %mul3A_377 = arith.constant 16 : i32
        %mul3A_378 = vector.broadcast %mul3A_377 : i32 to vector<16xi32>
        %mul3A_379 = arith.muli %iota3A_376, %mul3A_378 : vector<16xi32>
        %add3A_380 = arith.constant 15 : i32
        %add3A_381 = vector.broadcast %add3A_380 : i32 to vector<16xi32>
        %add3A_382 = arith.addi %mul3A_379, %add3A_381 : vector<16xi32>
        %gather3A_383 = tpu.vector_load_idx %arg10[%add3A_382] : memref<256xf32, #tpu.memory_space<vmem>>[vector<16xi32>], vector<16xf32>,
        %mul3A_384 = arith.constant 5.000000e-03 : f32
        %mul3A_385 = vector.broadcast %mul3A_384 : f32 to vector<16xf32>
        %mul3A_386 = arith.mulf %gather3A_383, %mul3A_385 : vector<16xf32>
        %mul3A_387 = arith.constant 2 : i32
        %mul3A_388 = arith.muli %mul3A_387, %scan3A_178 : i32
        %swap3A_389 = arith.index_cast %mul3A_388 : i32 to index
        %swap3A_390 = arith.constant 0 : index
        %swap3A_391 = tpu.vector_load %arg9[%swap3A_389, %swap3A_390] {strides = array<i32>} : memref<64x16xf32, #tpu.memory_space<vmem>>, vector<16xf32>,
        tpu.vector_store %arg9[%swap3A_389, %swap3A_390], %mul3A_386 {strides = array<i32>} : memref<64x16xf32, #tpu.memory_space<vmem>>, vector<16xf32>,
        %add3A_392 = arith.constant 192 : i32
        %add3A_393 = arith.addi %mul3A_180, %add3A_392 : i32
        %iota3A_394 = tpu.iota {dimensions = array<i32: 0>} : vector<16xi32>
        %ge3A = arith.constant 8 : i32
        %ge3A_395 = vector.broadcast %ge3A : i32 to vector<16xi32>
        %ge3A_396 = arith.cmpi sge, %iota3A_394, %ge3A_395 : vector<16xi32>
        %get3A_397 = arith.index_cast %add3A_393 : i32 to index
        %get3A_398 = tpu.vector_load %arg8[%get3A_397] {strides = array<i32>} : memref<12800xi32, #tpu.memory_space<vmem>>, vector<16xi32>,
        %jit3A_399 = arith.constant 0 : i32
        %broadcast_in_dim3A_400 = vector.broadcast %jit3A_399 : i32 to vector<16xi32>
        %select_n3A_401 = arith.select %ge3A_396, %get3A_398, %broadcast_in_dim3A_400 : vector<16xi1>, vector<16xi32>
        %shift_left3A_402 = arith.constant 3 : i32
        %shift_left3A_403 = vector.broadcast %shift_left3A_402 : i32 to vector<16xi32>
        %shift_left3A_404 = arith.shli %select_n3A_401, %shift_left3A_403 : vector<16xi32>
        %add3A_405 = arith.constant 0 : i32
        %add3A_406 = vector.broadcast %add3A_405 : i32 to vector<16xi32>
        %add3A_407 = arith.addi %shift_left3A_404, %add3A_406 : vector<16xi32>
        %gather3A_408 = tpu.vector_load_idx %arg7[%add3A_407] : memref<80048xi32, #tpu.memory_space<vmem>>[vector<16xi32>], vector<16xi32>,
        %bitcast3A_409 = vector.bitcast %gather3A_408 : vector<16xi32> to vector<32xbf16>
        %unpack3A_410 = tpu.unpack_subelements %bitcast3A_409, 0 {pack_format = #tpu.pack_format<interleaved>} : vector<32xbf16> -> vector<16xf32>
        %unpack3A_411 = tpu.unpack_subelements %bitcast3A_409, 1 {pack_format = #tpu.pack_format<interleaved>} : vector<32xbf16> -> vector<16xf32>
        %add3A_412 = arith.addf %broadcast_in_dim3A_181, %unpack3A_410 : vector<16xf32>
        %add3A_413 = arith.addf %broadcast_in_dim3A_183, %unpack3A_411 : vector<16xf32>
        %add3A_414 = arith.constant 1 : i32
        %add3A_415 = vector.broadcast %add3A_414 : i32 to vector<16xi32>
        %add3A_416 = arith.addi %shift_left3A_404, %add3A_415 : vector<16xi32>
        %gather3A_417 = tpu.vector_load_idx %arg7[%add3A_416] : memref<80048xi32, #tpu.memory_space<vmem>>[vector<16xi32>], vector<16xi32>,
        %bitcast3A_418 = vector.bitcast %gather3A_417 : vector<16xi32> to vector<32xbf16>
        %unpack3A_419 = tpu.unpack_subelements %bitcast3A_418, 0 {pack_format = #tpu.pack_format<interleaved>} : vector<32xbf16> -> vector<16xf32>
        %unpack3A_420 = tpu.unpack_subelements %bitcast3A_418, 1 {pack_format = #tpu.pack_format<interleaved>} : vector<32xbf16> -> vector<16xf32>
        %add3A_421 = arith.addf %broadcast_in_dim3A_185, %unpack3A_419 : vector<16xf32>
        %add3A_422 = arith.addf %broadcast_in_dim3A_187, %unpack3A_420 : vector<16xf32>
        %add3A_423 = arith.constant 2 : i32
        %add3A_424 = vector.broadcast %add3A_423 : i32 to vector<16xi32>
        %add3A_425 = arith.addi %shift_left3A_404, %add3A_424 : vector<16xi32>
        %gather3A_426 = tpu.vector_load_idx %arg7[%add3A_425] : memref<80048xi32, #tpu.memory_space<vmem>>[vector<16xi32>], vector<16xi32>,
        %bitcast3A_427 = vector.bitcast %gather3A_426 : vector<16xi32> to vector<32xbf16>
        %unpack3A_428 = tpu.unpack_subelements %bitcast3A_427, 0 {pack_format = #tpu.pack_format<interleaved>} : vector<32xbf16> -> vector<16xf32>
        %unpack3A_429 = tpu.unpack_subelements %bitcast3A_427, 1 {pack_format = #tpu.pack_format<interleaved>} : vector<32xbf16> -> vector<16xf32>
        %add3A_430 = arith.addf %broadcast_in_dim3A_189, %unpack3A_428 : vector<16xf32>
        %add3A_431 = arith.addf %broadcast_in_dim3A_191, %unpack3A_429 : vector<16xf32>
        %add3A_432 = arith.constant 3 : i32
        %add3A_433 = vector.broadcast %add3A_432 : i32 to vector<16xi32>
        %add3A_434 = arith.addi %shift_left3A_404, %add3A_433 : vector<16xi32>
        %gather3A_435 = tpu.vector_load_idx %arg7[%add3A_434] : memref<80048xi32, #tpu.memory_space<vmem>>[vector<16xi32>], vector<16xi32>,
        %bitcast3A_436 = vector.bitcast %gather3A_435 : vector<16xi32> to vector<32xbf16>
        %unpack3A_437 = tpu.unpack_subelements %bitcast3A_436, 0 {pack_format = #tpu.pack_format<interleaved>} : vector<32xbf16> -> vector<16xf32>
        %unpack3A_438 = tpu.unpack_subelements %bitcast3A_436, 1 {pack_format = #tpu.pack_format<interleaved>} : vector<32xbf16> -> vector<16xf32>
        %add3A_439 = arith.addf %broadcast_in_dim3A_193, %unpack3A_437 : vector<16xf32>
        %add3A_440 = arith.addf %broadcast_in_dim3A_195, %unpack3A_438 : vector<16xf32>
        %add3A_441 = arith.constant 4 : i32
        %add3A_442 = vector.broadcast %add3A_441 : i32 to vector<16xi32>
        %add3A_443 = arith.addi %shift_left3A_404, %add3A_442 : vector<16xi32>
        %gather3A_444 = tpu.vector_load_idx %arg7[%add3A_443] : memref<80048xi32, #tpu.memory_space<vmem>>[vector<16xi32>], vector<16xi32>,
        %bitcast3A_445 = vector.bitcast %gather3A_444 : vector<16xi32> to vector<32xbf16>
        %unpack3A_446 = tpu.unpack_subelements %bitcast3A_445, 0 {pack_format = #tpu.pack_format<interleaved>} : vector<32xbf16> -> vector<16xf32>
        %unpack3A_447 = tpu.unpack_subelements %bitcast3A_445, 1 {pack_format = #tpu.pack_format<interleaved>} : vector<32xbf16> -> vector<16xf32>
        %add3A_448 = arith.addf %broadcast_in_dim3A_197, %unpack3A_446 : vector<16xf32>
        %add3A_449 = arith.addf %broadcast_in_dim3A_199, %unpack3A_447 : vector<16xf32>
        %add3A_450 = arith.constant 5 : i32
        %add3A_451 = vector.broadcast %add3A_450 : i32 to vector<16xi32>
        %add3A_452 = arith.addi %shift_left3A_404, %add3A_451 : vector<16xi32>
        %gather3A_453 = tpu.vector_load_idx %arg7[%add3A_452] : memref<80048xi32, #tpu.memory_space<vmem>>[vector<16xi32>], vector<16xi32>,
        %bitcast3A_454 = vector.bitcast %gather3A_453 : vector<16xi32> to vector<32xbf16>
        %unpack3A_455 = tpu.unpack_subelements %bitcast3A_454, 0 {pack_format = #tpu.pack_format<interleaved>} : vector<32xbf16> -> vector<16xf32>
        %unpack3A_456 = tpu.unpack_subelements %bitcast3A_454, 1 {pack_format = #tpu.pack_format<interleaved>} : vector<32xbf16> -> vector<16xf32>
        %add3A_457 = arith.addf %broadcast_in_dim3A_201, %unpack3A_455 : vector<16xf32>
        %add3A_458 = arith.addf %broadcast_in_dim3A_203, %unpack3A_456 : vector<16xf32>
        %add3A_459 = arith.constant 6 : i32
        %add3A_460 = vector.broadcast %add3A_459 : i32 to vector<16xi32>
        %add3A_461 = arith.addi %shift_left3A_404, %add3A_460 : vector<16xi32>
        %gather3A_462 = tpu.vector_load_idx %arg7[%add3A_461] : memref<80048xi32, #tpu.memory_space<vmem>>[vector<16xi32>], vector<16xi32>,
        %bitcast3A_463 = vector.bitcast %gather3A_462 : vector<16xi32> to vector<32xbf16>
        %unpack3A_464 = tpu.unpack_subelements %bitcast3A_463, 0 {pack_format = #tpu.pack_format<interleaved>} : vector<32xbf16> -> vector<16xf32>
        %unpack3A_465 = tpu.unpack_subelements %bitcast3A_463, 1 {pack_format = #tpu.pack_format<interleaved>} : vector<32xbf16> -> vector<16xf32>
        %add3A_466 = arith.addf %broadcast_in_dim3A_205, %unpack3A_464 : vector<16xf32>
        %add3A_467 = arith.addf %broadcast_in_dim3A_207, %unpack3A_465 : vector<16xf32>
        %add3A_468 = arith.constant 7 : i32
        %add3A_469 = vector.broadcast %add3A_468 : i32 to vector<16xi32>
        %add3A_470 = arith.addi %shift_left3A_404, %add3A_469 : vector<16xi32>
        %gather3A_471 = tpu.vector_load_idx %arg7[%add3A_470] : memref<80048xi32, #tpu.memory_space<vmem>>[vector<16xi32>], vector<16xi32>,
        %bitcast3A_472 = vector.bitcast %gather3A_471 : vector<16xi32> to vector<32xbf16>
        %unpack3A_473 = tpu.unpack_subelements %bitcast3A_472, 0 {pack_format = #tpu.pack_format<interleaved>} : vector<32xbf16> -> vector<16xf32>
        %unpack3A_474 = tpu.unpack_subelements %bitcast3A_472, 1 {pack_format = #tpu.pack_format<interleaved>} : vector<32xbf16> -> vector<16xf32>
        %add3A_475 = arith.addf %broadcast_in_dim3A_209, %unpack3A_473 : vector<16xf32>
        %add3A_476 = arith.addf %broadcast_in_dim3A_211, %unpack3A_474 : vector<16xf32>
        %add3A_477 = arith.constant 208 : i32
        %add3A_478 = arith.addi %mul3A_180, %add3A_477 : i32
        %scan3A_479 = arith.constant 0 : i32
        %scan3A_480 = arith.constant 12 : i32
        %scan3A_481 = arith.addi %scan3A_479, %scan3A_480 : i32
        %scan3A_482 = arith.constant 1 : i32
        %scan3A_483:16 = scf.for %scan3A_583 = %scan3A_479 to %scan3A_481 step %scan3A_482 iter_args(%scan3A_584 = %add3A_412, %scan3A_585 = %add3A_413, %scan3A_586 = %add3A_421, %scan3A_587 = %add3A_422, %scan3A_588 = %add3A_430, %scan3A_589 = %add3A_431, %scan3A_590 = %add3A_439, %scan3A_591 = %add3A_440, %scan3A_592 = %add3A_448, %scan3A_593 = %add3A_449, %scan3A_594 = %add3A_457, %scan3A_595 = %add3A_458, %scan3A_596 = %add3A_466, %scan3A_597 = %add3A_467, %scan3A_598 = %add3A_475, %scan3A_599 = %add3A_476) -> (vector<16xf32>, vector<16xf32>, vector<16xf32>, vector<16xf32>, vector<16xf32>, vector<16xf32>, vector<16xf32>, vector<16xf32>, vector<16xf32>, vector<16xf32>, vector<16xf32>, vector<16xf32>, vector<16xf32>, vector<16xf32>, vector<16xf32>, vector<16xf32>)  : i32 {
          %mul3A_600 = arith.constant 16 : i32
          %mul3A_601 = arith.muli %scan3A_583, %mul3A_600 : i32
          %add3A_602 = arith.addi %add3A_478, %mul3A_601 : i32
          %get3A_603 = arith.index_cast %add3A_602 : i32 to index
          %get3A_604 = tpu.vector_load %arg8[%get3A_603] {strides = array<i32>} : memref<12800xi32, #tpu.memory_space<vmem>>, vector<16xi32>,
          %shift_left3A_605 = arith.constant 3 : i32
          %shift_left3A_606 = vector.broadcast %shift_left3A_605 : i32 to vector<16xi32>
          %shift_left3A_607 = arith.shli %get3A_604, %shift_left3A_606 : vector<16xi32>
          %add3A_608 = arith.constant 0 : i32
          %add3A_609 = vector.broadcast %add3A_608 : i32 to vector<16xi32>
          %add3A_610 = arith.addi %shift_left3A_607, %add3A_609 : vector<16xi32>
          %gather3A_611 = tpu.vector_load_idx %arg7[%add3A_610] : memref<80048xi32, #tpu.memory_space<vmem>>[vector<16xi32>], vector<16xi32>,
          %bitcast3A_612 = vector.bitcast %gather3A_611 : vector<16xi32> to vector<32xbf16>
          %unpack3A_613 = tpu.unpack_subelements %bitcast3A_612, 0 {pack_format = #tpu.pack_format<interleaved>} : vector<32xbf16> -> vector<16xf32>
          %unpack3A_614 = tpu.unpack_subelements %bitcast3A_612, 1 {pack_format = #tpu.pack_format<interleaved>} : vector<32xbf16> -> vector<16xf32>
          %add3A_615 = arith.addf %scan3A_584, %unpack3A_613 : vector<16xf32>
          %add3A_616 = arith.addf %scan3A_585, %unpack3A_614 : vector<16xf32>
          %add3A_617 = arith.constant 1 : i32
          %add3A_618 = vector.broadcast %add3A_617 : i32 to vector<16xi32>
          %add3A_619 = arith.addi %shift_left3A_607, %add3A_618 : vector<16xi32>
          %gather3A_620 = tpu.vector_load_idx %arg7[%add3A_619] : memref<80048xi32, #tpu.memory_space<vmem>>[vector<16xi32>], vector<16xi32>,
          %bitcast3A_621 = vector.bitcast %gather3A_620 : vector<16xi32> to vector<32xbf16>
          %unpack3A_622 = tpu.unpack_subelements %bitcast3A_621, 0 {pack_format = #tpu.pack_format<interleaved>} : vector<32xbf16> -> vector<16xf32>
          %unpack3A_623 = tpu.unpack_subelements %bitcast3A_621, 1 {pack_format = #tpu.pack_format<interleaved>} : vector<32xbf16> -> vector<16xf32>
          %add3A_624 = arith.addf %scan3A_586, %unpack3A_622 : vector<16xf32>
          %add3A_625 = arith.addf %scan3A_587, %unpack3A_623 : vector<16xf32>
          %add3A_626 = arith.constant 2 : i32
          %add3A_627 = vector.broadcast %add3A_626 : i32 to vector<16xi32>
          %add3A_628 = arith.addi %shift_left3A_607, %add3A_627 : vector<16xi32>
          %gather3A_629 = tpu.vector_load_idx %arg7[%add3A_628] : memref<80048xi32, #tpu.memory_space<vmem>>[vector<16xi32>], vector<16xi32>,
          %bitcast3A_630 = vector.bitcast %gather3A_629 : vector<16xi32> to vector<32xbf16>
          %unpack3A_631 = tpu.unpack_subelements %bitcast3A_630, 0 {pack_format = #tpu.pack_format<interleaved>} : vector<32xbf16> -> vector<16xf32>
          %unpack3A_632 = tpu.unpack_subelements %bitcast3A_630, 1 {pack_format = #tpu.pack_format<interleaved>} : vector<32xbf16> -> vector<16xf32>
          %add3A_633 = arith.addf %scan3A_588, %unpack3A_631 : vector<16xf32>
          %add3A_634 = arith.addf %scan3A_589, %unpack3A_632 : vector<16xf32>
          %add3A_635 = arith.constant 3 : i32
          %add3A_636 = vector.broadcast %add3A_635 : i32 to vector<16xi32>
          %add3A_637 = arith.addi %shift_left3A_607, %add3A_636 : vector<16xi32>
          %gather3A_638 = tpu.vector_load_idx %arg7[%add3A_637] : memref<80048xi32, #tpu.memory_space<vmem>>[vector<16xi32>], vector<16xi32>,
          %bitcast3A_639 = vector.bitcast %gather3A_638 : vector<16xi32> to vector<32xbf16>
          %unpack3A_640 = tpu.unpack_subelements %bitcast3A_639, 0 {pack_format = #tpu.pack_format<interleaved>} : vector<32xbf16> -> vector<16xf32>
          %unpack3A_641 = tpu.unpack_subelements %bitcast3A_639, 1 {pack_format = #tpu.pack_format<interleaved>} : vector<32xbf16> -> vector<16xf32>
          %add3A_642 = arith.addf %scan3A_590, %unpack3A_640 : vector<16xf32>
          %add3A_643 = arith.addf %scan3A_591, %unpack3A_641 : vector<16xf32>
          %add3A_644 = arith.constant 4 : i32
          %add3A_645 = vector.broadcast %add3A_644 : i32 to vector<16xi32>
          %add3A_646 = arith.addi %shift_left3A_607, %add3A_645 : vector<16xi32>
          %gather3A_647 = tpu.vector_load_idx %arg7[%add3A_646] : memref<80048xi32, #tpu.memory_space<vmem>>[vector<16xi32>], vector<16xi32>,
          %bitcast3A_648 = vector.bitcast %gather3A_647 : vector<16xi32> to vector<32xbf16>
          %unpack3A_649 = tpu.unpack_subelements %bitcast3A_648, 0 {pack_format = #tpu.pack_format<interleaved>} : vector<32xbf16> -> vector<16xf32>
          %unpack3A_650 = tpu.unpack_subelements %bitcast3A_648, 1 {pack_format = #tpu.pack_format<interleaved>} : vector<32xbf16> -> vector<16xf32>
          %add3A_651 = arith.addf %scan3A_592, %unpack3A_649 : vector<16xf32>
          %add3A_652 = arith.addf %scan3A_593, %unpack3A_650 : vector<16xf32>
          %add3A_653 = arith.constant 5 : i32
          %add3A_654 = vector.broadcast %add3A_653 : i32 to vector<16xi32>
          %add3A_655 = arith.addi %shift_left3A_607, %add3A_654 : vector<16xi32>
          %gather3A_656 = tpu.vector_load_idx %arg7[%add3A_655] : memref<80048xi32, #tpu.memory_space<vmem>>[vector<16xi32>], vector<16xi32>,
          %bitcast3A_657 = vector.bitcast %gather3A_656 : vector<16xi32> to vector<32xbf16>
          %unpack3A_658 = tpu.unpack_subelements %bitcast3A_657, 0 {pack_format = #tpu.pack_format<interleaved>} : vector<32xbf16> -> vector<16xf32>
          %unpack3A_659 = tpu.unpack_subelements %bitcast3A_657, 1 {pack_format = #tpu.pack_format<interleaved>} : vector<32xbf16> -> vector<16xf32>
          %add3A_660 = arith.addf %scan3A_594, %unpack3A_658 : vector<16xf32>
          %add3A_661 = arith.addf %scan3A_595, %unpack3A_659 : vector<16xf32>
          %add3A_662 = arith.constant 6 : i32
          %add3A_663 = vector.broadcast %add3A_662 : i32 to vector<16xi32>
          %add3A_664 = arith.addi %shift_left3A_607, %add3A_663 : vector<16xi32>
          %gather3A_665 = tpu.vector_load_idx %arg7[%add3A_664] : memref<80048xi32, #tpu.memory_space<vmem>>[vector<16xi32>], vector<16xi32>,
          %bitcast3A_666 = vector.bitcast %gather3A_665 : vector<16xi32> to vector<32xbf16>
          %unpack3A_667 = tpu.unpack_subelements %bitcast3A_666, 0 {pack_format = #tpu.pack_format<interleaved>} : vector<32xbf16> -> vector<16xf32>
          %unpack3A_668 = tpu.unpack_subelements %bitcast3A_666, 1 {pack_format = #tpu.pack_format<interleaved>} : vector<32xbf16> -> vector<16xf32>
          %add3A_669 = arith.addf %scan3A_596, %unpack3A_667 : vector<16xf32>
          %add3A_670 = arith.addf %scan3A_597, %unpack3A_668 : vector<16xf32>
          %add3A_671 = arith.constant 7 : i32
          %add3A_672 = vector.broadcast %add3A_671 : i32 to vector<16xi32>
          %add3A_673 = arith.addi %shift_left3A_607, %add3A_672 : vector<16xi32>
          %gather3A_674 = tpu.vector_load_idx %arg7[%add3A_673] : memref<80048xi32, #tpu.memory_space<vmem>>[vector<16xi32>], vector<16xi32>,
          %bitcast3A_675 = vector.bitcast %gather3A_674 : vector<16xi32> to vector<32xbf16>
          %unpack3A_676 = tpu.unpack_subelements %bitcast3A_675, 0 {pack_format = #tpu.pack_format<interleaved>} : vector<32xbf16> -> vector<16xf32>
          %unpack3A_677 = tpu.unpack_subelements %bitcast3A_675, 1 {pack_format = #tpu.pack_format<interleaved>} : vector<32xbf16> -> vector<16xf32>
          %add3A_678 = arith.addf %scan3A_598, %unpack3A_676 : vector<16xf32>
          %add3A_679 = arith.addf %scan3A_599, %unpack3A_677 : vector<16xf32>
          scf.yield %add3A_615, %add3A_616, %add3A_624, %add3A_625, %add3A_633, %add3A_634, %add3A_642, %add3A_643, %add3A_651, %add3A_652, %add3A_660, %add3A_661, %add3A_669, %add3A_670, %add3A_678, %add3A_679 : vector<16xf32>, vector<16xf32>, vector<16xf32>, vector<16xf32>, vector<16xf32>, vector<16xf32>, vector<16xf32>, vector<16xf32>, vector<16xf32>, vector<16xf32>, vector<16xf32>, vector<16xf32>, vector<16xf32>, vector<16xf32>, vector<16xf32>, vector<16xf32>
        }
        %scan3A_484 = arith.constant 12 : i32
        %broadcast_in_dim3A_485 = arith.constant true
        %broadcast_in_dim3A_486 = vector.broadcast %broadcast_in_dim3A_485 : i1 to vector<16xi1>
        %masked_cumsum3A_487 = tpu.scan <sum>, %scan3A_483#0 masked %broadcast_in_dim3A_486 : vector<16xf32>, vector<16xi1> -> vector<16xf32>
        %swap3A_488 = arith.constant 0 : index
        %swap3A_489 = tpu.vector_load %arg10[%swap3A_488] {strides = array<i32>} : memref<256xf32, #tpu.memory_space<vmem>>, vector<16xf32>,
        tpu.vector_store %arg10[%swap3A_488], %masked_cumsum3A_487 {strides = array<i32>} : memref<256xf32, #tpu.memory_space<vmem>>, vector<16xf32>,
        %broadcast_in_dim3A_490 = arith.constant true
        %broadcast_in_dim3A_491 = vector.broadcast %broadcast_in_dim3A_490 : i1 to vector<16xi1>
        %masked_cumsum3A_492 = tpu.scan <sum>, %scan3A_483#1 masked %broadcast_in_dim3A_491 : vector<16xf32>, vector<16xi1> -> vector<16xf32>
        %swap3A_493 = arith.constant 16 : index
        %swap3A_494 = tpu.vector_load %arg10[%swap3A_493] {strides = array<i32>} : memref<256xf32, #tpu.memory_space<vmem>>, vector<16xf32>,
        tpu.vector_store %arg10[%swap3A_493], %masked_cumsum3A_492 {strides = array<i32>} : memref<256xf32, #tpu.memory_space<vmem>>, vector<16xf32>,
        %broadcast_in_dim3A_495 = arith.constant true
        %broadcast_in_dim3A_496 = vector.broadcast %broadcast_in_dim3A_495 : i1 to vector<16xi1>
        %masked_cumsum3A_497 = tpu.scan <sum>, %scan3A_483#2 masked %broadcast_in_dim3A_496 : vector<16xf32>, vector<16xi1> -> vector<16xf32>
        %swap3A_498 = arith.constant 32 : index
        %swap3A_499 = tpu.vector_load %arg10[%swap3A_498] {strides = array<i32>} : memref<256xf32, #tpu.memory_space<vmem>>, vector<16xf32>,
        tpu.vector_store %arg10[%swap3A_498], %masked_cumsum3A_497 {strides = array<i32>} : memref<256xf32, #tpu.memory_space<vmem>>, vector<16xf32>,
        %broadcast_in_dim3A_500 = arith.constant true
        %broadcast_in_dim3A_501 = vector.broadcast %broadcast_in_dim3A_500 : i1 to vector<16xi1>
        %masked_cumsum3A_502 = tpu.scan <sum>, %scan3A_483#3 masked %broadcast_in_dim3A_501 : vector<16xf32>, vector<16xi1> -> vector<16xf32>
        %swap3A_503 = arith.constant 48 : index
        %swap3A_504 = tpu.vector_load %arg10[%swap3A_503] {strides = array<i32>} : memref<256xf32, #tpu.memory_space<vmem>>, vector<16xf32>,
        tpu.vector_store %arg10[%swap3A_503], %masked_cumsum3A_502 {strides = array<i32>} : memref<256xf32, #tpu.memory_space<vmem>>, vector<16xf32>,
        %broadcast_in_dim3A_505 = arith.constant true
        %broadcast_in_dim3A_506 = vector.broadcast %broadcast_in_dim3A_505 : i1 to vector<16xi1>
        %masked_cumsum3A_507 = tpu.scan <sum>, %scan3A_483#4 masked %broadcast_in_dim3A_506 : vector<16xf32>, vector<16xi1> -> vector<16xf32>
        %swap3A_508 = arith.constant 64 : index
        %swap3A_509 = tpu.vector_load %arg10[%swap3A_508] {strides = array<i32>} : memref<256xf32, #tpu.memory_space<vmem>>, vector<16xf32>,
        tpu.vector_store %arg10[%swap3A_508], %masked_cumsum3A_507 {strides = array<i32>} : memref<256xf32, #tpu.memory_space<vmem>>, vector<16xf32>,
        %broadcast_in_dim3A_510 = arith.constant true
        %broadcast_in_dim3A_511 = vector.broadcast %broadcast_in_dim3A_510 : i1 to vector<16xi1>
        %masked_cumsum3A_512 = tpu.scan <sum>, %scan3A_483#5 masked %broadcast_in_dim3A_511 : vector<16xf32>, vector<16xi1> -> vector<16xf32>
        %swap3A_513 = arith.constant 80 : index
        %swap3A_514 = tpu.vector_load %arg10[%swap3A_513] {strides = array<i32>} : memref<256xf32, #tpu.memory_space<vmem>>, vector<16xf32>,
        tpu.vector_store %arg10[%swap3A_513], %masked_cumsum3A_512 {strides = array<i32>} : memref<256xf32, #tpu.memory_space<vmem>>, vector<16xf32>,
        %broadcast_in_dim3A_515 = arith.constant true
        %broadcast_in_dim3A_516 = vector.broadcast %broadcast_in_dim3A_515 : i1 to vector<16xi1>
        %masked_cumsum3A_517 = tpu.scan <sum>, %scan3A_483#6 masked %broadcast_in_dim3A_516 : vector<16xf32>, vector<16xi1> -> vector<16xf32>
        %swap3A_518 = arith.constant 96 : index
        %swap3A_519 = tpu.vector_load %arg10[%swap3A_518] {strides = array<i32>} : memref<256xf32, #tpu.memory_space<vmem>>, vector<16xf32>,
        tpu.vector_store %arg10[%swap3A_518], %masked_cumsum3A_517 {strides = array<i32>} : memref<256xf32, #tpu.memory_space<vmem>>, vector<16xf32>,
        %broadcast_in_dim3A_520 = arith.constant true
        %broadcast_in_dim3A_521 = vector.broadcast %broadcast_in_dim3A_520 : i1 to vector<16xi1>
        %masked_cumsum3A_522 = tpu.scan <sum>, %scan3A_483#7 masked %broadcast_in_dim3A_521 : vector<16xf32>, vector<16xi1> -> vector<16xf32>
        %swap3A_523 = arith.constant 112 : index
        %swap3A_524 = tpu.vector_load %arg10[%swap3A_523] {strides = array<i32>} : memref<256xf32, #tpu.memory_space<vmem>>, vector<16xf32>,
        tpu.vector_store %arg10[%swap3A_523], %masked_cumsum3A_522 {strides = array<i32>} : memref<256xf32, #tpu.memory_space<vmem>>, vector<16xf32>,
        %broadcast_in_dim3A_525 = arith.constant true
        %broadcast_in_dim3A_526 = vector.broadcast %broadcast_in_dim3A_525 : i1 to vector<16xi1>
        %masked_cumsum3A_527 = tpu.scan <sum>, %scan3A_483#8 masked %broadcast_in_dim3A_526 : vector<16xf32>, vector<16xi1> -> vector<16xf32>
        %swap3A_528 = arith.constant 128 : index
        %swap3A_529 = tpu.vector_load %arg10[%swap3A_528] {strides = array<i32>} : memref<256xf32, #tpu.memory_space<vmem>>, vector<16xf32>,
        tpu.vector_store %arg10[%swap3A_528], %masked_cumsum3A_527 {strides = array<i32>} : memref<256xf32, #tpu.memory_space<vmem>>, vector<16xf32>,
        %broadcast_in_dim3A_530 = arith.constant true
        %broadcast_in_dim3A_531 = vector.broadcast %broadcast_in_dim3A_530 : i1 to vector<16xi1>
        %masked_cumsum3A_532 = tpu.scan <sum>, %scan3A_483#9 masked %broadcast_in_dim3A_531 : vector<16xf32>, vector<16xi1> -> vector<16xf32>
        %swap3A_533 = arith.constant 144 : index
        %swap3A_534 = tpu.vector_load %arg10[%swap3A_533] {strides = array<i32>} : memref<256xf32, #tpu.memory_space<vmem>>, vector<16xf32>,
        tpu.vector_store %arg10[%swap3A_533], %masked_cumsum3A_532 {strides = array<i32>} : memref<256xf32, #tpu.memory_space<vmem>>, vector<16xf32>,
        %broadcast_in_dim3A_535 = arith.constant true
        %broadcast_in_dim3A_536 = vector.broadcast %broadcast_in_dim3A_535 : i1 to vector<16xi1>
        %masked_cumsum3A_537 = tpu.scan <sum>, %scan3A_483#10 masked %broadcast_in_dim3A_536 : vector<16xf32>, vector<16xi1> -> vector<16xf32>
        %swap3A_538 = arith.constant 160 : index
        %swap3A_539 = tpu.vector_load %arg10[%swap3A_538] {strides = array<i32>} : memref<256xf32, #tpu.memory_space<vmem>>, vector<16xf32>,
        tpu.vector_store %arg10[%swap3A_538], %masked_cumsum3A_537 {strides = array<i32>} : memref<256xf32, #tpu.memory_space<vmem>>, vector<16xf32>,
        %broadcast_in_dim3A_540 = arith.constant true
        %broadcast_in_dim3A_541 = vector.broadcast %broadcast_in_dim3A_540 : i1 to vector<16xi1>
        %masked_cumsum3A_542 = tpu.scan <sum>, %scan3A_483#11 masked %broadcast_in_dim3A_541 : vector<16xf32>, vector<16xi1> -> vector<16xf32>
        %swap3A_543 = arith.constant 176 : index
        %swap3A_544 = tpu.vector_load %arg10[%swap3A_543] {strides = array<i32>} : memref<256xf32, #tpu.memory_space<vmem>>, vector<16xf32>,
        tpu.vector_store %arg10[%swap3A_543], %masked_cumsum3A_542 {strides = array<i32>} : memref<256xf32, #tpu.memory_space<vmem>>, vector<16xf32>,
        %broadcast_in_dim3A_545 = arith.constant true
        %broadcast_in_dim3A_546 = vector.broadcast %broadcast_in_dim3A_545 : i1 to vector<16xi1>
        %masked_cumsum3A_547 = tpu.scan <sum>, %scan3A_483#12 masked %broadcast_in_dim3A_546 : vector<16xf32>, vector<16xi1> -> vector<16xf32>
        %swap3A_548 = arith.constant 192 : index
        %swap3A_549 = tpu.vector_load %arg10[%swap3A_548] {strides = array<i32>} : memref<256xf32, #tpu.memory_space<vmem>>, vector<16xf32>,
        tpu.vector_store %arg10[%swap3A_548], %masked_cumsum3A_547 {strides = array<i32>} : memref<256xf32, #tpu.memory_space<vmem>>, vector<16xf32>,
        %broadcast_in_dim3A_550 = arith.constant true
        %broadcast_in_dim3A_551 = vector.broadcast %broadcast_in_dim3A_550 : i1 to vector<16xi1>
        %masked_cumsum3A_552 = tpu.scan <sum>, %scan3A_483#13 masked %broadcast_in_dim3A_551 : vector<16xf32>, vector<16xi1> -> vector<16xf32>
        %swap3A_553 = arith.constant 208 : index
        %swap3A_554 = tpu.vector_load %arg10[%swap3A_553] {strides = array<i32>} : memref<256xf32, #tpu.memory_space<vmem>>, vector<16xf32>,
        tpu.vector_store %arg10[%swap3A_553], %masked_cumsum3A_552 {strides = array<i32>} : memref<256xf32, #tpu.memory_space<vmem>>, vector<16xf32>,
        %broadcast_in_dim3A_555 = arith.constant true
        %broadcast_in_dim3A_556 = vector.broadcast %broadcast_in_dim3A_555 : i1 to vector<16xi1>
        %masked_cumsum3A_557 = tpu.scan <sum>, %scan3A_483#14 masked %broadcast_in_dim3A_556 : vector<16xf32>, vector<16xi1> -> vector<16xf32>
        %swap3A_558 = arith.constant 224 : index
        %swap3A_559 = tpu.vector_load %arg10[%swap3A_558] {strides = array<i32>} : memref<256xf32, #tpu.memory_space<vmem>>, vector<16xf32>,
        tpu.vector_store %arg10[%swap3A_558], %masked_cumsum3A_557 {strides = array<i32>} : memref<256xf32, #tpu.memory_space<vmem>>, vector<16xf32>,
        %broadcast_in_dim3A_560 = arith.constant true
        %broadcast_in_dim3A_561 = vector.broadcast %broadcast_in_dim3A_560 : i1 to vector<16xi1>
        %masked_cumsum3A_562 = tpu.scan <sum>, %scan3A_483#15 masked %broadcast_in_dim3A_561 : vector<16xf32>, vector<16xi1> -> vector<16xf32>
        %swap3A_563 = arith.constant 240 : index
        %swap3A_564 = tpu.vector_load %arg10[%swap3A_563] {strides = array<i32>} : memref<256xf32, #tpu.memory_space<vmem>>, vector<16xf32>,
        tpu.vector_store %arg10[%swap3A_563], %masked_cumsum3A_562 {strides = array<i32>} : memref<256xf32, #tpu.memory_space<vmem>>, vector<16xf32>,
        %iota3A_565 = tpu.iota {dimensions = array<i32: 0>} : vector<16xi32>
        %mul3A_566 = arith.constant 16 : i32
        %mul3A_567 = vector.broadcast %mul3A_566 : i32 to vector<16xi32>
        %mul3A_568 = arith.muli %iota3A_565, %mul3A_567 : vector<16xi32>
        %add3A_569 = arith.constant 15 : i32
        %add3A_570 = vector.broadcast %add3A_569 : i32 to vector<16xi32>
        %add3A_571 = arith.addi %mul3A_568, %add3A_570 : vector<16xi32>
        %gather3A_572 = tpu.vector_load_idx %arg10[%add3A_571] : memref<256xf32, #tpu.memory_space<vmem>>[vector<16xi32>], vector<16xf32>,
        %mul3A_573 = arith.constant 5.000000e-03 : f32
        %mul3A_574 = vector.broadcast %mul3A_573 : f32 to vector<16xf32>
        %mul3A_575 = arith.mulf %gather3A_572, %mul3A_574 : vector<16xf32>
        %mul3A_576 = arith.constant 2 : i32
        %mul3A_577 = arith.muli %mul3A_576, %scan3A_178 : i32
        %add3A_578 = arith.constant 1 : i32
        %add3A_579 = arith.addi %mul3A_577, %add3A_578 : i32
        %swap3A_580 = arith.index_cast %add3A_579 : i32 to index
        %swap3A_581 = arith.constant 0 : index
        %swap3A_582 = tpu.vector_load %arg9[%swap3A_580, %swap3A_581] {strides = array<i32>} : memref<64x16xf32, #tpu.memory_space<vmem>>, vector<16xf32>,
        tpu.vector_store %arg9[%swap3A_580, %swap3A_581], %mul3A_575 {strides = array<i32>} : memref<64x16xf32, #tpu.memory_space<vmem>>, vector<16xf32>,
      }
      %scan3A_177 = arith.constant 32 : i32
      "tpu.region"() ({
        %run_scoped3A = tpu.sem_alloc : memref<!tpu.dma_semaphore, #tpu.memory_space<semaphore_mem>>
        %dma_start3A_178 = tpu.memref_slice %arg6[%select_n3A_158, %select_n3A_171] : memref<4096x384xf32, #tpu.memory_space<hbm>> -> memref<64x16xf32, #tpu.memory_space<hbm>>
        %dma_start3A_179 = tpu.memref_slice %arg6[%select_n3A_158, %select_n3A_171] : memref<4096x384xf32, #tpu.memory_space<hbm>> -> memref<64x16xf32, #tpu.memory_space<hbm>>
        tpu.enqueue_dma source(%arg9 : memref<64x16xf32, #tpu.memory_space<vmem>>) target(%dma_start3A_179 : memref<64x16xf32, #tpu.memory_space<hbm>>) target_semaphore(%run_scoped3A : memref<!tpu.dma_semaphore, #tpu.memory_space<semaphore_mem>>)
        %dma_wait3A_180 = tpu.memref_slice %arg6[%select_n3A_158, %select_n3A_171] : memref<4096x384xf32, #tpu.memory_space<hbm>> -> memref<64x16xf32, #tpu.memory_space<hbm>>
        %dma_wait3A_181 = tpu.memref_slice %arg6[%select_n3A_158, %select_n3A_171] : memref<4096x384xf32, #tpu.memory_space<hbm>> -> memref<64x16xf32, #tpu.memory_space<hbm>>
        tpu.wait_dma2 semaphore(%run_scoped3A : memref<!tpu.dma_semaphore, #tpu.memory_space<semaphore_mem>>) src(%arg9 : memref<64x16xf32, #tpu.memory_space<vmem>>) dst(%dma_wait3A_181 : memref<64x16xf32, #tpu.memory_space<hbm>>)
        tpu.yield
      }) : () -> ()
    }
    %scan3A_145 = arith.constant 18 : i32
    return
  }
}

module attributes {stable_mosaic.version = 14 : i64} {
  func.func @_dense_body(%arg0: memref<4096x384xf32, #tpu.memory_space<vmem>>, %arg1: memref<4096x12xf32, #tpu.memory_space<vmem>>, %arg2: memref<384x512xf32, #tpu.memory_space<vmem>>, %arg3: memref<12x512xf32, #tpu.memory_space<vmem>>, %arg4: memref<1x512xf32, #tpu.memory_space<vmem>>, %arg5: memref<1x512xf32, #tpu.memory_space<vmem>>, %arg6: memref<1x512xf32, #tpu.memory_space<vmem>>, %arg7: memref<512x128xf32, #tpu.memory_space<vmem>>, %arg8: memref<1x128xf32, #tpu.memory_space<vmem>>, %arg9: memref<1x128xf32, #tpu.memory_space<vmem>>, %arg10: memref<1x128xf32, #tpu.memory_space<vmem>>, %arg11: memref<128x32xf32, #tpu.memory_space<vmem>>, %arg12: memref<1x32xf32, #tpu.memory_space<vmem>>, %arg13: memref<1x32xf32, #tpu.memory_space<vmem>>, %arg14: memref<1x32xf32, #tpu.memory_space<vmem>>, %arg15: memref<32x128xf32, #tpu.memory_space<vmem>>, %arg16: memref<1x128xf32, #tpu.memory_space<vmem>>, %arg17: memref<16x128xf32, #tpu.memory_space<vmem>>, %arg18: memref<1x128xf32, #tpu.memory_space<vmem>>, %arg19: memref<1x128xf32, #tpu.memory_space<vmem>>, %arg20: memref<1x128xf32, #tpu.memory_space<vmem>>, %arg21: memref<128x64xf32, #tpu.memory_space<vmem>>, %arg22: memref<1x64xf32, #tpu.memory_space<vmem>>, %arg23: memref<1x64xf32, #tpu.memory_space<vmem>>, %arg24: memref<1x64xf32, #tpu.memory_space<vmem>>, %arg25: memref<1x64xf32, #tpu.memory_space<vmem>>, %arg26: memref<1x1xf32, #tpu.memory_space<vmem>>, %arg27: memref<4096x1xf32, #tpu.memory_space<vmem>>) attributes {dimension_semantics = [], scalar_prefetch = 0 : i64, scratch_operands = 0 : i64, tpu.core_type = #tpu.core_type<tc>} {
    %get3A = arith.constant 0 : index
    %get3A_0 = arith.constant 0 : index
    %get3A_1 = vector.load %arg0[%get3A, %get3A_0] : memref<4096x384xf32, #tpu.memory_space<vmem>>, vector<4096x384xf32>
    %get3A_2 = arith.constant 0 : index
    %get3A_3 = arith.constant 0 : index
    %get3A_4 = vector.load %arg1[%get3A_2, %get3A_3] : memref<4096x12xf32, #tpu.memory_space<vmem>>, vector<4096x12xf32>
    %get3A_5 = arith.constant 0 : index
    %get3A_6 = arith.constant 0 : index
    %get3A_7 = vector.load %arg2[%get3A_5, %get3A_6] : memref<384x512xf32, #tpu.memory_space<vmem>>, vector<384x512xf32>
    %dot_general3A = arith.constant dense<0.000000e+00> : vector<4096x512xf32>
    %dot_general3A_8 = tpu.matmul %get3A_1, %get3A_7, %dot_general3A {dimension_numbers = #tpu.dot_dimension_numbers<[1], [0], [0], [1], [0, 0, 1, 1], [], []>, transpose_lhs_hint = false} : vector<4096x384xf32>, vector<384x512xf32>, vector<4096x512xf32> -> vector<4096x512xf32>
    %get3A_9 = arith.constant 0 : index
    %get3A_10 = arith.constant 0 : index
    %get3A_11 = vector.load %arg3[%get3A_9, %get3A_10] : memref<12x512xf32, #tpu.memory_space<vmem>>, vector<12x512xf32>
    %dot_general3A_12 = arith.constant dense<0.000000e+00> : vector<4096x512xf32>
    %dot_general3A_13 = tpu.matmul %get3A_4, %get3A_11, %dot_general3A_12 {dimension_numbers = #tpu.dot_dimension_numbers<[1], [0], [0], [1], [0, 0, 1, 1], [], []>, transpose_lhs_hint = false} : vector<4096x12xf32>, vector<12x512xf32>, vector<4096x512xf32> -> vector<4096x512xf32>
    %add3A = arith.addf %dot_general3A_8, %dot_general3A_13 : vector<4096x512xf32>
    %get3A_14 = arith.constant 0 : index
    %get3A_15 = arith.constant 0 : index
    %get3A_16 = vector.load %arg4[%get3A_14, %get3A_15] : memref<1x512xf32, #tpu.memory_space<vmem>>, vector<1x512xf32>
    %add3A_17 = vector.broadcast %get3A_16 : vector<1x512xf32> to vector<4096x512xf32>
    %add3A_18 = arith.addf %add3A, %add3A_17 : vector<4096x512xf32>
    %max3A = arith.constant 0.000000e+00 : f32
    %max3A_19 = vector.broadcast %max3A : f32 to vector<4096x512xf32>
    %max3A_20 = arith.maximumf %add3A_18, %max3A_19 : vector<4096x512xf32>
    %get3A_21 = arith.constant 0 : index
    %get3A_22 = arith.constant 0 : index
    %get3A_23 = vector.load %arg5[%get3A_21, %get3A_22] : memref<1x512xf32, #tpu.memory_space<vmem>>, vector<1x512xf32>
    %get3A_24 = arith.constant 0 : index
    %get3A_25 = arith.constant 0 : index
    %get3A_26 = vector.load %arg6[%get3A_24, %get3A_25] : memref<1x512xf32, #tpu.memory_space<vmem>>, vector<1x512xf32>
    %reduce_sum3A = arith.constant dense<0.000000e+00> : vector<512xf32>
    %reduce_sum3A_27 = vector.multi_reduction <add>, %max3A_20, %reduce_sum3A [0] : vector<4096x512xf32> to vector<512xf32>
    %div3A = arith.constant 4.096000e+03 : f32
    %div3A_28 = vector.broadcast %div3A : f32 to vector<512xf32>
    %div3A_29 = arith.divf %reduce_sum3A_27, %div3A_28 : vector<512xf32>
    %broadcast_in_dim3A = vector.shape_cast %div3A_29 : vector<512xf32> to vector<1x512xf32>
    %sub3A = vector.broadcast %broadcast_in_dim3A : vector<1x512xf32> to vector<4096x512xf32>
    %sub3A_30 = arith.subf %max3A_20, %sub3A : vector<4096x512xf32>
    %integer_pow3A = arith.mulf %sub3A_30, %sub3A_30 : vector<4096x512xf32>
    %reduce_sum3A_31 = arith.constant dense<0.000000e+00> : vector<512xf32>
    %reduce_sum3A_32 = vector.multi_reduction <add>, %integer_pow3A, %reduce_sum3A_31 [0] : vector<4096x512xf32> to vector<512xf32>
    %div3A_33 = arith.constant 4.096000e+03 : f32
    %div3A_34 = vector.broadcast %div3A_33 : f32 to vector<512xf32>
    %div3A_35 = arith.divf %reduce_sum3A_32, %div3A_34 : vector<512xf32>
    %broadcast_in_dim3A_36 = vector.shape_cast %div3A_29 : vector<512xf32> to vector<1x512xf32>
    %sub3A_37 = vector.broadcast %broadcast_in_dim3A_36 : vector<1x512xf32> to vector<4096x512xf32>
    %sub3A_38 = arith.subf %max3A_20, %sub3A_37 : vector<4096x512xf32>
    %add3A_39 = arith.constant 9.99999974E-6 : f32
    %add3A_40 = vector.broadcast %add3A_39 : f32 to vector<512xf32>
    %add3A_41 = arith.addf %div3A_35, %add3A_40 : vector<512xf32>
    %sqrt3A = math.sqrt %add3A_41 : vector<512xf32>
    %broadcast_in_dim3A_42 = vector.shape_cast %sqrt3A : vector<512xf32> to vector<1x512xf32>
    %div3A_43 = vector.broadcast %broadcast_in_dim3A_42 : vector<1x512xf32> to vector<4096x512xf32>
    %div3A_44 = arith.divf %sub3A_38, %div3A_43 : vector<4096x512xf32>
    %mul3A = vector.broadcast %get3A_23 : vector<1x512xf32> to vector<4096x512xf32>
    %mul3A_45 = arith.mulf %div3A_44, %mul3A : vector<4096x512xf32>
    %add3A_46 = vector.broadcast %get3A_26 : vector<1x512xf32> to vector<4096x512xf32>
    %add3A_47 = arith.addf %mul3A_45, %add3A_46 : vector<4096x512xf32>
    %get3A_48 = arith.constant 0 : index
    %get3A_49 = arith.constant 0 : index
    %get3A_50 = vector.load %arg7[%get3A_48, %get3A_49] : memref<512x128xf32, #tpu.memory_space<vmem>>, vector<512x128xf32>
    %dot_general3A_51 = arith.constant dense<0.000000e+00> : vector<4096x128xf32>
    %dot_general3A_52 = tpu.matmul %add3A_47, %get3A_50, %dot_general3A_51 {dimension_numbers = #tpu.dot_dimension_numbers<[1], [0], [0], [1], [0, 0, 1, 1], [], []>, transpose_lhs_hint = false} : vector<4096x512xf32>, vector<512x128xf32>, vector<4096x128xf32> -> vector<4096x128xf32>
    %get3A_53 = arith.constant 0 : index
    %get3A_54 = arith.constant 0 : index
    %get3A_55 = vector.load %arg8[%get3A_53, %get3A_54] : memref<1x128xf32, #tpu.memory_space<vmem>>, vector<1x128xf32>
    %add3A_56 = vector.broadcast %get3A_55 : vector<1x128xf32> to vector<4096x128xf32>
    %add3A_57 = arith.addf %dot_general3A_52, %add3A_56 : vector<4096x128xf32>
    %max3A_58 = arith.constant 0.000000e+00 : f32
    %max3A_59 = vector.broadcast %max3A_58 : f32 to vector<4096x128xf32>
    %max3A_60 = arith.maximumf %add3A_57, %max3A_59 : vector<4096x128xf32>
    %get3A_61 = arith.constant 0 : index
    %get3A_62 = arith.constant 0 : index
    %get3A_63 = vector.load %arg9[%get3A_61, %get3A_62] : memref<1x128xf32, #tpu.memory_space<vmem>>, vector<1x128xf32>
    %get3A_64 = arith.constant 0 : index
    %get3A_65 = arith.constant 0 : index
    %get3A_66 = vector.load %arg10[%get3A_64, %get3A_65] : memref<1x128xf32, #tpu.memory_space<vmem>>, vector<1x128xf32>
    %reduce_sum3A_67 = arith.constant dense<0.000000e+00> : vector<128xf32>
    %reduce_sum3A_68 = vector.multi_reduction <add>, %max3A_60, %reduce_sum3A_67 [0] : vector<4096x128xf32> to vector<128xf32>
    %div3A_69 = arith.constant 4.096000e+03 : f32
    %div3A_70 = vector.broadcast %div3A_69 : f32 to vector<128xf32>
    %div3A_71 = arith.divf %reduce_sum3A_68, %div3A_70 : vector<128xf32>
    %broadcast_in_dim3A_72 = vector.shape_cast %div3A_71 : vector<128xf32> to vector<1x128xf32>
    %sub3A_73 = vector.broadcast %broadcast_in_dim3A_72 : vector<1x128xf32> to vector<4096x128xf32>
    %sub3A_74 = arith.subf %max3A_60, %sub3A_73 : vector<4096x128xf32>
    %integer_pow3A_75 = arith.mulf %sub3A_74, %sub3A_74 : vector<4096x128xf32>
    %reduce_sum3A_76 = arith.constant dense<0.000000e+00> : vector<128xf32>
    %reduce_sum3A_77 = vector.multi_reduction <add>, %integer_pow3A_75, %reduce_sum3A_76 [0] : vector<4096x128xf32> to vector<128xf32>
    %div3A_78 = arith.constant 4.096000e+03 : f32
    %div3A_79 = vector.broadcast %div3A_78 : f32 to vector<128xf32>
    %div3A_80 = arith.divf %reduce_sum3A_77, %div3A_79 : vector<128xf32>
    %broadcast_in_dim3A_81 = vector.shape_cast %div3A_71 : vector<128xf32> to vector<1x128xf32>
    %sub3A_82 = vector.broadcast %broadcast_in_dim3A_81 : vector<1x128xf32> to vector<4096x128xf32>
    %sub3A_83 = arith.subf %max3A_60, %sub3A_82 : vector<4096x128xf32>
    %add3A_84 = arith.constant 9.99999974E-6 : f32
    %add3A_85 = vector.broadcast %add3A_84 : f32 to vector<128xf32>
    %add3A_86 = arith.addf %div3A_80, %add3A_85 : vector<128xf32>
    %sqrt3A_87 = math.sqrt %add3A_86 : vector<128xf32>
    %broadcast_in_dim3A_88 = vector.shape_cast %sqrt3A_87 : vector<128xf32> to vector<1x128xf32>
    %div3A_89 = vector.broadcast %broadcast_in_dim3A_88 : vector<1x128xf32> to vector<4096x128xf32>
    %div3A_90 = arith.divf %sub3A_83, %div3A_89 : vector<4096x128xf32>
    %mul3A_91 = vector.broadcast %get3A_63 : vector<1x128xf32> to vector<4096x128xf32>
    %mul3A_92 = arith.mulf %div3A_90, %mul3A_91 : vector<4096x128xf32>
    %add3A_93 = vector.broadcast %get3A_66 : vector<1x128xf32> to vector<4096x128xf32>
    %add3A_94 = arith.addf %mul3A_92, %add3A_93 : vector<4096x128xf32>
    %get3A_95 = arith.constant 0 : index
    %get3A_96 = arith.constant 0 : index
    %get3A_97 = vector.load %arg11[%get3A_95, %get3A_96] : memref<128x32xf32, #tpu.memory_space<vmem>>, vector<128x32xf32>
    %dot_general3A_98 = arith.constant dense<0.000000e+00> : vector<4096x32xf32>
    %dot_general3A_99 = tpu.matmul %add3A_94, %get3A_97, %dot_general3A_98 {dimension_numbers = #tpu.dot_dimension_numbers<[1], [0], [0], [1], [0, 0, 1, 1], [], []>, transpose_lhs_hint = false} : vector<4096x128xf32>, vector<128x32xf32>, vector<4096x32xf32> -> vector<4096x32xf32>
    %get3A_100 = arith.constant 0 : index
    %get3A_101 = arith.constant 0 : index
    %get3A_102 = vector.load %arg12[%get3A_100, %get3A_101] : memref<1x32xf32, #tpu.memory_space<vmem>>, vector<1x32xf32>
    %add3A_103 = vector.broadcast %get3A_102 : vector<1x32xf32> to vector<4096x32xf32>
    %add3A_104 = arith.addf %dot_general3A_99, %add3A_103 : vector<4096x32xf32>
    %max3A_105 = arith.constant 0.000000e+00 : f32
    %max3A_106 = vector.broadcast %max3A_105 : f32 to vector<4096x32xf32>
    %max3A_107 = arith.maximumf %add3A_104, %max3A_106 : vector<4096x32xf32>
    %get3A_108 = arith.constant 0 : index
    %get3A_109 = arith.constant 0 : index
    %get3A_110 = vector.load %arg13[%get3A_108, %get3A_109] : memref<1x32xf32, #tpu.memory_space<vmem>>, vector<1x32xf32>
    %get3A_111 = arith.constant 0 : index
    %get3A_112 = arith.constant 0 : index
    %get3A_113 = vector.load %arg14[%get3A_111, %get3A_112] : memref<1x32xf32, #tpu.memory_space<vmem>>, vector<1x32xf32>
    %reduce_sum3A_114 = arith.constant dense<0.000000e+00> : vector<32xf32>
    %reduce_sum3A_115 = vector.multi_reduction <add>, %max3A_107, %reduce_sum3A_114 [0] : vector<4096x32xf32> to vector<32xf32>
    %div3A_116 = arith.constant 4.096000e+03 : f32
    %div3A_117 = vector.broadcast %div3A_116 : f32 to vector<32xf32>
    %div3A_118 = arith.divf %reduce_sum3A_115, %div3A_117 : vector<32xf32>
    %broadcast_in_dim3A_119 = vector.shape_cast %div3A_118 : vector<32xf32> to vector<1x32xf32>
    %sub3A_120 = vector.broadcast %broadcast_in_dim3A_119 : vector<1x32xf32> to vector<4096x32xf32>
    %sub3A_121 = arith.subf %max3A_107, %sub3A_120 : vector<4096x32xf32>
    %integer_pow3A_122 = arith.mulf %sub3A_121, %sub3A_121 : vector<4096x32xf32>
    %reduce_sum3A_123 = arith.constant dense<0.000000e+00> : vector<32xf32>
    %reduce_sum3A_124 = vector.multi_reduction <add>, %integer_pow3A_122, %reduce_sum3A_123 [0] : vector<4096x32xf32> to vector<32xf32>
    %div3A_125 = arith.constant 4.096000e+03 : f32
    %div3A_126 = vector.broadcast %div3A_125 : f32 to vector<32xf32>
    %div3A_127 = arith.divf %reduce_sum3A_124, %div3A_126 : vector<32xf32>
    %broadcast_in_dim3A_128 = vector.shape_cast %div3A_118 : vector<32xf32> to vector<1x32xf32>
    %sub3A_129 = vector.broadcast %broadcast_in_dim3A_128 : vector<1x32xf32> to vector<4096x32xf32>
    %sub3A_130 = arith.subf %max3A_107, %sub3A_129 : vector<4096x32xf32>
    %add3A_131 = arith.constant 9.99999974E-6 : f32
    %add3A_132 = vector.broadcast %add3A_131 : f32 to vector<32xf32>
    %add3A_133 = arith.addf %div3A_127, %add3A_132 : vector<32xf32>
    %sqrt3A_134 = math.sqrt %add3A_133 : vector<32xf32>
    %broadcast_in_dim3A_135 = vector.shape_cast %sqrt3A_134 : vector<32xf32> to vector<1x32xf32>
    %div3A_136 = vector.broadcast %broadcast_in_dim3A_135 : vector<1x32xf32> to vector<4096x32xf32>
    %div3A_137 = arith.divf %sub3A_130, %div3A_136 : vector<4096x32xf32>
    %mul3A_138 = vector.broadcast %get3A_110 : vector<1x32xf32> to vector<4096x32xf32>
    %mul3A_139 = arith.mulf %div3A_137, %mul3A_138 : vector<4096x32xf32>
    %add3A_140 = vector.broadcast %get3A_113 : vector<1x32xf32> to vector<4096x32xf32>
    %add3A_141 = arith.addf %mul3A_139, %add3A_140 : vector<4096x32xf32>
    %reduce_sum3A_142 = arith.constant dense<0.000000e+00> : vector<4096xf32>
    %reduce_sum3A_143 = vector.multi_reduction <add>, %get3A_1, %reduce_sum3A_142 [1] : vector<4096x384xf32> to vector<4096xf32>
    %broadcast_in_dim3A_144 = vector.shape_cast %reduce_sum3A_143 : vector<4096xf32> to vector<4096x1xf32>
    %slice3A = vector.extract_strided_slice %get3A_1 {offsets = [0, 0], sizes = [4096, 16], strides = [1, 1]} : vector<4096x384xf32> to vector<4096x16xf32>
    %mul3A_145 = arith.mulf %slice3A, %slice3A : vector<4096x16xf32>
    %slice3A_146 = vector.extract_strided_slice %get3A_1 {offsets = [0, 16], sizes = [4096, 16], strides = [1, 1]} : vector<4096x384xf32> to vector<4096x16xf32>
    %add3A_147 = arith.addf %slice3A, %slice3A_146 : vector<4096x16xf32>
    %mul3A_148 = arith.mulf %slice3A_146, %slice3A_146 : vector<4096x16xf32>
    %add3A_149 = arith.addf %mul3A_145, %mul3A_148 : vector<4096x16xf32>
    %slice3A_150 = vector.extract_strided_slice %get3A_1 {offsets = [0, 32], sizes = [4096, 16], strides = [1, 1]} : vector<4096x384xf32> to vector<4096x16xf32>
    %add3A_151 = arith.addf %add3A_147, %slice3A_150 : vector<4096x16xf32>
    %mul3A_152 = arith.mulf %slice3A_150, %slice3A_150 : vector<4096x16xf32>
    %add3A_153 = arith.addf %add3A_149, %mul3A_152 : vector<4096x16xf32>
    %slice3A_154 = vector.extract_strided_slice %get3A_1 {offsets = [0, 48], sizes = [4096, 16], strides = [1, 1]} : vector<4096x384xf32> to vector<4096x16xf32>
    %add3A_155 = arith.addf %add3A_151, %slice3A_154 : vector<4096x16xf32>
    %mul3A_156 = arith.mulf %slice3A_154, %slice3A_154 : vector<4096x16xf32>
    %add3A_157 = arith.addf %add3A_153, %mul3A_156 : vector<4096x16xf32>
    %slice3A_158 = vector.extract_strided_slice %get3A_1 {offsets = [0, 64], sizes = [4096, 16], strides = [1, 1]} : vector<4096x384xf32> to vector<4096x16xf32>
    %add3A_159 = arith.addf %add3A_155, %slice3A_158 : vector<4096x16xf32>
    %mul3A_160 = arith.mulf %slice3A_158, %slice3A_158 : vector<4096x16xf32>
    %add3A_161 = arith.addf %add3A_157, %mul3A_160 : vector<4096x16xf32>
    %slice3A_162 = vector.extract_strided_slice %get3A_1 {offsets = [0, 80], sizes = [4096, 16], strides = [1, 1]} : vector<4096x384xf32> to vector<4096x16xf32>
    %add3A_163 = arith.addf %add3A_159, %slice3A_162 : vector<4096x16xf32>
    %mul3A_164 = arith.mulf %slice3A_162, %slice3A_162 : vector<4096x16xf32>
    %add3A_165 = arith.addf %add3A_161, %mul3A_164 : vector<4096x16xf32>
    %slice3A_166 = vector.extract_strided_slice %get3A_1 {offsets = [0, 96], sizes = [4096, 16], strides = [1, 1]} : vector<4096x384xf32> to vector<4096x16xf32>
    %add3A_167 = arith.addf %add3A_163, %slice3A_166 : vector<4096x16xf32>
    %mul3A_168 = arith.mulf %slice3A_166, %slice3A_166 : vector<4096x16xf32>
    %add3A_169 = arith.addf %add3A_165, %mul3A_168 : vector<4096x16xf32>
    %slice3A_170 = vector.extract_strided_slice %get3A_1 {offsets = [0, 112], sizes = [4096, 16], strides = [1, 1]} : vector<4096x384xf32> to vector<4096x16xf32>
    %add3A_171 = arith.addf %add3A_167, %slice3A_170 : vector<4096x16xf32>
    %mul3A_172 = arith.mulf %slice3A_170, %slice3A_170 : vector<4096x16xf32>
    %add3A_173 = arith.addf %add3A_169, %mul3A_172 : vector<4096x16xf32>
    %slice3A_174 = vector.extract_strided_slice %get3A_1 {offsets = [0, 128], sizes = [4096, 16], strides = [1, 1]} : vector<4096x384xf32> to vector<4096x16xf32>
    %add3A_175 = arith.addf %add3A_171, %slice3A_174 : vector<4096x16xf32>
    %mul3A_176 = arith.mulf %slice3A_174, %slice3A_174 : vector<4096x16xf32>
    %add3A_177 = arith.addf %add3A_173, %mul3A_176 : vector<4096x16xf32>
    %slice3A_178 = vector.extract_strided_slice %get3A_1 {offsets = [0, 144], sizes = [4096, 16], strides = [1, 1]} : vector<4096x384xf32> to vector<4096x16xf32>
    %add3A_179 = arith.addf %add3A_175, %slice3A_178 : vector<4096x16xf32>
    %mul3A_180 = arith.mulf %slice3A_178, %slice3A_178 : vector<4096x16xf32>
    %add3A_181 = arith.addf %add3A_177, %mul3A_180 : vector<4096x16xf32>
    %slice3A_182 = vector.extract_strided_slice %get3A_1 {offsets = [0, 160], sizes = [4096, 16], strides = [1, 1]} : vector<4096x384xf32> to vector<4096x16xf32>
    %add3A_183 = arith.addf %add3A_179, %slice3A_182 : vector<4096x16xf32>
    %mul3A_184 = arith.mulf %slice3A_182, %slice3A_182 : vector<4096x16xf32>
    %add3A_185 = arith.addf %add3A_181, %mul3A_184 : vector<4096x16xf32>
    %slice3A_186 = vector.extract_strided_slice %get3A_1 {offsets = [0, 176], sizes = [4096, 16], strides = [1, 1]} : vector<4096x384xf32> to vector<4096x16xf32>
    %add3A_187 = arith.addf %add3A_183, %slice3A_186 : vector<4096x16xf32>
    %mul3A_188 = arith.mulf %slice3A_186, %slice3A_186 : vector<4096x16xf32>
    %add3A_189 = arith.addf %add3A_185, %mul3A_188 : vector<4096x16xf32>
    %slice3A_190 = vector.extract_strided_slice %get3A_1 {offsets = [0, 192], sizes = [4096, 16], strides = [1, 1]} : vector<4096x384xf32> to vector<4096x16xf32>
    %add3A_191 = arith.addf %add3A_187, %slice3A_190 : vector<4096x16xf32>
    %mul3A_192 = arith.mulf %slice3A_190, %slice3A_190 : vector<4096x16xf32>
    %add3A_193 = arith.addf %add3A_189, %mul3A_192 : vector<4096x16xf32>
    %slice3A_194 = vector.extract_strided_slice %get3A_1 {offsets = [0, 208], sizes = [4096, 16], strides = [1, 1]} : vector<4096x384xf32> to vector<4096x16xf32>
    %add3A_195 = arith.addf %add3A_191, %slice3A_194 : vector<4096x16xf32>
    %mul3A_196 = arith.mulf %slice3A_194, %slice3A_194 : vector<4096x16xf32>
    %add3A_197 = arith.addf %add3A_193, %mul3A_196 : vector<4096x16xf32>
    %slice3A_198 = vector.extract_strided_slice %get3A_1 {offsets = [0, 224], sizes = [4096, 16], strides = [1, 1]} : vector<4096x384xf32> to vector<4096x16xf32>
    %add3A_199 = arith.addf %add3A_195, %slice3A_198 : vector<4096x16xf32>
    %mul3A_200 = arith.mulf %slice3A_198, %slice3A_198 : vector<4096x16xf32>
    %add3A_201 = arith.addf %add3A_197, %mul3A_200 : vector<4096x16xf32>
    %slice3A_202 = vector.extract_strided_slice %get3A_1 {offsets = [0, 240], sizes = [4096, 16], strides = [1, 1]} : vector<4096x384xf32> to vector<4096x16xf32>
    %add3A_203 = arith.addf %add3A_199, %slice3A_202 : vector<4096x16xf32>
    %mul3A_204 = arith.mulf %slice3A_202, %slice3A_202 : vector<4096x16xf32>
    %add3A_205 = arith.addf %add3A_201, %mul3A_204 : vector<4096x16xf32>
    %slice3A_206 = vector.extract_strided_slice %get3A_1 {offsets = [0, 256], sizes = [4096, 16], strides = [1, 1]} : vector<4096x384xf32> to vector<4096x16xf32>
    %add3A_207 = arith.addf %add3A_203, %slice3A_206 : vector<4096x16xf32>
    %mul3A_208 = arith.mulf %slice3A_206, %slice3A_206 : vector<4096x16xf32>
    %add3A_209 = arith.addf %add3A_205, %mul3A_208 : vector<4096x16xf32>
    %slice3A_210 = vector.extract_strided_slice %get3A_1 {offsets = [0, 272], sizes = [4096, 16], strides = [1, 1]} : vector<4096x384xf32> to vector<4096x16xf32>
    %add3A_211 = arith.addf %add3A_207, %slice3A_210 : vector<4096x16xf32>
    %mul3A_212 = arith.mulf %slice3A_210, %slice3A_210 : vector<4096x16xf32>
    %add3A_213 = arith.addf %add3A_209, %mul3A_212 : vector<4096x16xf32>
    %slice3A_214 = vector.extract_strided_slice %get3A_1 {offsets = [0, 288], sizes = [4096, 16], strides = [1, 1]} : vector<4096x384xf32> to vector<4096x16xf32>
    %add3A_215 = arith.addf %add3A_211, %slice3A_214 : vector<4096x16xf32>
    %mul3A_216 = arith.mulf %slice3A_214, %slice3A_214 : vector<4096x16xf32>
    %add3A_217 = arith.addf %add3A_213, %mul3A_216 : vector<4096x16xf32>
    %slice3A_218 = vector.extract_strided_slice %get3A_1 {offsets = [0, 304], sizes = [4096, 16], strides = [1, 1]} : vector<4096x384xf32> to vector<4096x16xf32>
    %add3A_219 = arith.addf %add3A_215, %slice3A_218 : vector<4096x16xf32>
    %mul3A_220 = arith.mulf %slice3A_218, %slice3A_218 : vector<4096x16xf32>
    %add3A_221 = arith.addf %add3A_217, %mul3A_220 : vector<4096x16xf32>
    %slice3A_222 = vector.extract_strided_slice %get3A_1 {offsets = [0, 320], sizes = [4096, 16], strides = [1, 1]} : vector<4096x384xf32> to vector<4096x16xf32>
    %add3A_223 = arith.addf %add3A_219, %slice3A_222 : vector<4096x16xf32>
    %mul3A_224 = arith.mulf %slice3A_222, %slice3A_222 : vector<4096x16xf32>
    %add3A_225 = arith.addf %add3A_221, %mul3A_224 : vector<4096x16xf32>
    %slice3A_226 = vector.extract_strided_slice %get3A_1 {offsets = [0, 336], sizes = [4096, 16], strides = [1, 1]} : vector<4096x384xf32> to vector<4096x16xf32>
    %add3A_227 = arith.addf %add3A_223, %slice3A_226 : vector<4096x16xf32>
    %mul3A_228 = arith.mulf %slice3A_226, %slice3A_226 : vector<4096x16xf32>
    %add3A_229 = arith.addf %add3A_225, %mul3A_228 : vector<4096x16xf32>
    %slice3A_230 = vector.extract_strided_slice %get3A_1 {offsets = [0, 352], sizes = [4096, 16], strides = [1, 1]} : vector<4096x384xf32> to vector<4096x16xf32>
    %add3A_231 = arith.addf %add3A_227, %slice3A_230 : vector<4096x16xf32>
    %mul3A_232 = arith.mulf %slice3A_230, %slice3A_230 : vector<4096x16xf32>
    %add3A_233 = arith.addf %add3A_229, %mul3A_232 : vector<4096x16xf32>
    %slice3A_234 = vector.extract_strided_slice %get3A_1 {offsets = [0, 368], sizes = [4096, 16], strides = [1, 1]} : vector<4096x384xf32> to vector<4096x16xf32>
    %add3A_235 = arith.addf %add3A_231, %slice3A_234 : vector<4096x16xf32>
    %mul3A_236 = arith.mulf %slice3A_234, %slice3A_234 : vector<4096x16xf32>
    %add3A_237 = arith.addf %add3A_233, %mul3A_236 : vector<4096x16xf32>
    %mul3A_238 = arith.mulf %add3A_235, %add3A_235 : vector<4096x16xf32>
    %sub3A_239 = arith.subf %mul3A_238, %add3A_237 : vector<4096x16xf32>
    %mul3A_240 = arith.constant 5.000000e-01 : f32
    %mul3A_241 = vector.broadcast %mul3A_240 : f32 to vector<4096x16xf32>
    %mul3A_242 = arith.mulf %mul3A_241, %sub3A_239 : vector<4096x16xf32>
    %get3A_243 = arith.constant 0 : index
    %get3A_244 = arith.constant 0 : index
    %get3A_245 = vector.load %arg15[%get3A_243, %get3A_244] : memref<32x128xf32, #tpu.memory_space<vmem>>, vector<32x128xf32>
    %dot_general3A_246 = arith.constant dense<0.000000e+00> : vector<4096x128xf32>
    %dot_general3A_247 = tpu.matmul %add3A_141, %get3A_245, %dot_general3A_246 {dimension_numbers = #tpu.dot_dimension_numbers<[1], [0], [0], [1], [0, 0, 1, 1], [], []>, transpose_lhs_hint = false} : vector<4096x32xf32>, vector<32x128xf32>, vector<4096x128xf32> -> vector<4096x128xf32>
    %get3A_248 = arith.constant 0 : index
    %get3A_249 = arith.constant 0 : index
    %get3A_250 = vector.load %arg16[%get3A_248, %get3A_249] : memref<1x128xf32, #tpu.memory_space<vmem>>, vector<1x128xf32>
    %mul3A_251 = vector.broadcast %broadcast_in_dim3A_144 : vector<4096x1xf32> to vector<4096x128xf32>
    %mul3A_252 = vector.broadcast %get3A_250 : vector<1x128xf32> to vector<4096x128xf32>
    %mul3A_253 = arith.mulf %mul3A_251, %mul3A_252 : vector<4096x128xf32>
    %add3A_254 = arith.addf %dot_general3A_247, %mul3A_253 : vector<4096x128xf32>
    %get3A_255 = arith.constant 0 : index
    %get3A_256 = arith.constant 0 : index
    %get3A_257 = vector.load %arg17[%get3A_255, %get3A_256] : memref<16x128xf32, #tpu.memory_space<vmem>>, vector<16x128xf32>
    %dot_general3A_258 = arith.constant dense<0.000000e+00> : vector<4096x128xf32>
    %dot_general3A_259 = tpu.matmul %mul3A_242, %get3A_257, %dot_general3A_258 {dimension_numbers = #tpu.dot_dimension_numbers<[1], [0], [0], [1], [0, 0, 1, 1], [], []>, transpose_lhs_hint = false} : vector<4096x16xf32>, vector<16x128xf32>, vector<4096x128xf32> -> vector<4096x128xf32>
    %add3A_260 = arith.addf %add3A_254, %dot_general3A_259 : vector<4096x128xf32>
    %get3A_261 = arith.constant 0 : index
    %get3A_262 = arith.constant 0 : index
    %get3A_263 = vector.load %arg18[%get3A_261, %get3A_262] : memref<1x128xf32, #tpu.memory_space<vmem>>, vector<1x128xf32>
    %add3A_264 = vector.broadcast %get3A_263 : vector<1x128xf32> to vector<4096x128xf32>
    %add3A_265 = arith.addf %add3A_260, %add3A_264 : vector<4096x128xf32>
    %max3A_266 = arith.constant 0.000000e+00 : f32
    %max3A_267 = vector.broadcast %max3A_266 : f32 to vector<4096x128xf32>
    %max3A_268 = arith.maximumf %add3A_265, %max3A_267 : vector<4096x128xf32>
    %get3A_269 = arith.constant 0 : index
    %get3A_270 = arith.constant 0 : index
    %get3A_271 = vector.load %arg19[%get3A_269, %get3A_270] : memref<1x128xf32, #tpu.memory_space<vmem>>, vector<1x128xf32>
    %get3A_272 = arith.constant 0 : index
    %get3A_273 = arith.constant 0 : index
    %get3A_274 = vector.load %arg20[%get3A_272, %get3A_273] : memref<1x128xf32, #tpu.memory_space<vmem>>, vector<1x128xf32>
    %reduce_sum3A_275 = arith.constant dense<0.000000e+00> : vector<128xf32>
    %reduce_sum3A_276 = vector.multi_reduction <add>, %max3A_268, %reduce_sum3A_275 [0] : vector<4096x128xf32> to vector<128xf32>
    %div3A_277 = arith.constant 4.096000e+03 : f32
    %div3A_278 = vector.broadcast %div3A_277 : f32 to vector<128xf32>
    %div3A_279 = arith.divf %reduce_sum3A_276, %div3A_278 : vector<128xf32>
    %broadcast_in_dim3A_280 = vector.shape_cast %div3A_279 : vector<128xf32> to vector<1x128xf32>
    %sub3A_281 = vector.broadcast %broadcast_in_dim3A_280 : vector<1x128xf32> to vector<4096x128xf32>
    %sub3A_282 = arith.subf %max3A_268, %sub3A_281 : vector<4096x128xf32>
    %integer_pow3A_283 = arith.mulf %sub3A_282, %sub3A_282 : vector<4096x128xf32>
    %reduce_sum3A_284 = arith.constant dense<0.000000e+00> : vector<128xf32>
    %reduce_sum3A_285 = vector.multi_reduction <add>, %integer_pow3A_283, %reduce_sum3A_284 [0] : vector<4096x128xf32> to vector<128xf32>
    %div3A_286 = arith.constant 4.096000e+03 : f32
    %div3A_287 = vector.broadcast %div3A_286 : f32 to vector<128xf32>
    %div3A_288 = arith.divf %reduce_sum3A_285, %div3A_287 : vector<128xf32>
    %broadcast_in_dim3A_289 = vector.shape_cast %div3A_279 : vector<128xf32> to vector<1x128xf32>
    %sub3A_290 = vector.broadcast %broadcast_in_dim3A_289 : vector<1x128xf32> to vector<4096x128xf32>
    %sub3A_291 = arith.subf %max3A_268, %sub3A_290 : vector<4096x128xf32>
    %add3A_292 = arith.constant 9.99999974E-6 : f32
    %add3A_293 = vector.broadcast %add3A_292 : f32 to vector<128xf32>
    %add3A_294 = arith.addf %div3A_288, %add3A_293 : vector<128xf32>
    %sqrt3A_295 = math.sqrt %add3A_294 : vector<128xf32>
    %broadcast_in_dim3A_296 = vector.shape_cast %sqrt3A_295 : vector<128xf32> to vector<1x128xf32>
    %div3A_297 = vector.broadcast %broadcast_in_dim3A_296 : vector<1x128xf32> to vector<4096x128xf32>
    %div3A_298 = arith.divf %sub3A_291, %div3A_297 : vector<4096x128xf32>
    %mul3A_299 = vector.broadcast %get3A_271 : vector<1x128xf32> to vector<4096x128xf32>
    %mul3A_300 = arith.mulf %div3A_298, %mul3A_299 : vector<4096x128xf32>
    %add3A_301 = vector.broadcast %get3A_274 : vector<1x128xf32> to vector<4096x128xf32>
    %add3A_302 = arith.addf %mul3A_300, %add3A_301 : vector<4096x128xf32>
    %get3A_303 = arith.constant 0 : index
    %get3A_304 = arith.constant 0 : index
    %get3A_305 = vector.load %arg21[%get3A_303, %get3A_304] : memref<128x64xf32, #tpu.memory_space<vmem>>, vector<128x64xf32>
    %dot_general3A_306 = arith.constant dense<0.000000e+00> : vector<4096x64xf32>
    %dot_general3A_307 = tpu.matmul %add3A_302, %get3A_305, %dot_general3A_306 {dimension_numbers = #tpu.dot_dimension_numbers<[1], [0], [0], [1], [0, 0, 1, 1], [], []>, transpose_lhs_hint = false} : vector<4096x128xf32>, vector<128x64xf32>, vector<4096x64xf32> -> vector<4096x64xf32>
    %get3A_308 = arith.constant 0 : index
    %get3A_309 = arith.constant 0 : index
    %get3A_310 = vector.load %arg22[%get3A_308, %get3A_309] : memref<1x64xf32, #tpu.memory_space<vmem>>, vector<1x64xf32>
    %add3A_311 = vector.broadcast %get3A_310 : vector<1x64xf32> to vector<4096x64xf32>
    %add3A_312 = arith.addf %dot_general3A_307, %add3A_311 : vector<4096x64xf32>
    %max3A_313 = arith.constant 0.000000e+00 : f32
    %max3A_314 = vector.broadcast %max3A_313 : f32 to vector<4096x64xf32>
    %max3A_315 = arith.maximumf %add3A_312, %max3A_314 : vector<4096x64xf32>
    %get3A_316 = arith.constant 0 : index
    %get3A_317 = arith.constant 0 : index
    %get3A_318 = vector.load %arg23[%get3A_316, %get3A_317] : memref<1x64xf32, #tpu.memory_space<vmem>>, vector<1x64xf32>
    %get3A_319 = arith.constant 0 : index
    %get3A_320 = arith.constant 0 : index
    %get3A_321 = vector.load %arg24[%get3A_319, %get3A_320] : memref<1x64xf32, #tpu.memory_space<vmem>>, vector<1x64xf32>
    %reduce_sum3A_322 = arith.constant dense<0.000000e+00> : vector<64xf32>
    %reduce_sum3A_323 = vector.multi_reduction <add>, %max3A_315, %reduce_sum3A_322 [0] : vector<4096x64xf32> to vector<64xf32>
    %div3A_324 = arith.constant 4.096000e+03 : f32
    %div3A_325 = vector.broadcast %div3A_324 : f32 to vector<64xf32>
    %div3A_326 = arith.divf %reduce_sum3A_323, %div3A_325 : vector<64xf32>
    %broadcast_in_dim3A_327 = vector.shape_cast %div3A_326 : vector<64xf32> to vector<1x64xf32>
    %sub3A_328 = vector.broadcast %broadcast_in_dim3A_327 : vector<1x64xf32> to vector<4096x64xf32>
    %sub3A_329 = arith.subf %max3A_315, %sub3A_328 : vector<4096x64xf32>
    %integer_pow3A_330 = arith.mulf %sub3A_329, %sub3A_329 : vector<4096x64xf32>
    %reduce_sum3A_331 = arith.constant dense<0.000000e+00> : vector<64xf32>
    %reduce_sum3A_332 = vector.multi_reduction <add>, %integer_pow3A_330, %reduce_sum3A_331 [0] : vector<4096x64xf32> to vector<64xf32>
    %div3A_333 = arith.constant 4.096000e+03 : f32
    %div3A_334 = vector.broadcast %div3A_333 : f32 to vector<64xf32>
    %div3A_335 = arith.divf %reduce_sum3A_332, %div3A_334 : vector<64xf32>
    %broadcast_in_dim3A_336 = vector.shape_cast %div3A_326 : vector<64xf32> to vector<1x64xf32>
    %sub3A_337 = vector.broadcast %broadcast_in_dim3A_336 : vector<1x64xf32> to vector<4096x64xf32>
    %sub3A_338 = arith.subf %max3A_315, %sub3A_337 : vector<4096x64xf32>
    %add3A_339 = arith.constant 9.99999974E-6 : f32
    %add3A_340 = vector.broadcast %add3A_339 : f32 to vector<64xf32>
    %add3A_341 = arith.addf %div3A_335, %add3A_340 : vector<64xf32>
    %sqrt3A_342 = math.sqrt %add3A_341 : vector<64xf32>
    %broadcast_in_dim3A_343 = vector.shape_cast %sqrt3A_342 : vector<64xf32> to vector<1x64xf32>
    %div3A_344 = vector.broadcast %broadcast_in_dim3A_343 : vector<1x64xf32> to vector<4096x64xf32>
    %div3A_345 = arith.divf %sub3A_338, %div3A_344 : vector<4096x64xf32>
    %mul3A_346 = vector.broadcast %get3A_318 : vector<1x64xf32> to vector<4096x64xf32>
    %mul3A_347 = arith.mulf %div3A_345, %mul3A_346 : vector<4096x64xf32>
    %add3A_348 = vector.broadcast %get3A_321 : vector<1x64xf32> to vector<4096x64xf32>
    %add3A_349 = arith.addf %mul3A_347, %add3A_348 : vector<4096x64xf32>
    %get3A_350 = arith.constant 0 : index
    %get3A_351 = arith.constant 0 : index
    %get3A_352 = vector.load %arg25[%get3A_350, %get3A_351] : memref<1x64xf32, #tpu.memory_space<vmem>>, vector<1x64xf32>
    %mul3A_353 = vector.broadcast %get3A_352 : vector<1x64xf32> to vector<4096x64xf32>
    %mul3A_354 = arith.mulf %add3A_349, %mul3A_353 : vector<4096x64xf32>
    %reduce_sum3A_355 = arith.constant dense<0.000000e+00> : vector<4096xf32>
    %reduce_sum3A_356 = vector.multi_reduction <add>, %mul3A_354, %reduce_sum3A_355 [1] : vector<4096x64xf32> to vector<4096xf32>
    %broadcast_in_dim3A_357 = vector.shape_cast %reduce_sum3A_356 : vector<4096xf32> to vector<4096x1xf32>
    %get3A_358 = arith.constant 0 : index
    %get3A_359 = arith.constant 0 : index
    %get3A_360 = vector.load %arg26[%get3A_358, %get3A_359] : memref<1x1xf32, #tpu.memory_space<vmem>>, vector<1x1xf32>
    %add3A_361 = vector.broadcast %get3A_360 : vector<1x1xf32> to vector<4096x1xf32>
    %add3A_362 = arith.addf %broadcast_in_dim3A_357, %add3A_361 : vector<4096x1xf32>
    %neg3A = arith.constant 0.000000e+00 : f32
    %neg3A_363 = vector.broadcast %neg3A : f32 to vector<4096x1xf32>
    %neg3A_364 = arith.subf %neg3A_363, %add3A_362 : vector<4096x1xf32>
    %exp3A = math.exp %neg3A_364 : vector<4096x1xf32>
    %add3A_365 = arith.constant 1.000000e+00 : f32
    %add3A_366 = vector.broadcast %add3A_365 : f32 to vector<4096x1xf32>
    %add3A_367 = arith.addf %add3A_366, %exp3A : vector<4096x1xf32>
    %div3A_368 = arith.constant 1.000000e+00 : f32
    %div3A_369 = vector.broadcast %div3A_368 : f32 to vector<4096x1xf32>
    %div3A_370 = arith.divf %div3A_369, %add3A_367 : vector<4096x1xf32>
    %swap3A = arith.constant 0 : index
    %swap3A_371 = arith.constant 0 : index
    %swap3A_372 = vector.load %arg27[%swap3A, %swap3A_371] : memref<4096x1xf32, #tpu.memory_space<vmem>>, vector<4096x1xf32>
    tpu.vector_store %arg27[%swap3A, %swap3A_371], %div3A_370 {strides = array<i32>} : memref<4096x1xf32, #tpu.memory_space<vmem>>, vector<4096x1xf32>,
    return
  }
}

</mosaic_0001>

<sc_bundles>
// kernel: kernel.4.cloned.1.call-start
scs
__scs_entry_jumppad:
0x0: {  	(pc) =	sbr.rel $0x88, $3  }
0x1: {  	(tag) =	ssettag $0x0;
	lr =	simm.s32 $0x1  }
0x2: {  	[smem:$0x3F64] =	sst lr;
	_ =	strace $0xD0000000  }
0x3: {  	_ = 	snop  }
0x4: {  	_ = 	snop  }
0x5: {  	_ = 	snop  }
0x6: {  	_ = 	snop  }
0x7: {  	_ = 	snop  }
__scs_overlays_trampoline_lowered:
0x8: {  	[smem:$0x3F73] =	sst s0  }
0x9: {  	[smem:$0x3F74] =	sst s1  }
0xa: {  	[smem:$0x3F75] =	sst s2  }
0xb: {  	[smem:$0x3F76] =	sst s3  }
0xc: {  	[smem:$0x3F77] =	sst s4  }
0xd: {  	[smem:$0x3F78] =	sst s5  }
0xe: {  	[smem:$0x3F79] =	sst s6  }
0xf: {  	[smem:$0x3F7A] =	sst s7  }
0x10: {  	[smem:$0x3F7B] =	sst s8  }
0x11: {  	[smem:$0x3F7C] =	sst s9;
	s0 =	simm.s32 @!p0 $0x0  }
0x12: {  	s1 =	sld [smem:$0x3F62];
	s0 =	simm.s32 @p0 $0x1  }
0x13: {  	[smem:$0x3F7D] =	sst s0;
	s0 =	simm.s32 @!p1 $0x0  }
0x14: {  	s2 =	sld [smem:$0x3F61];
	s0 =	simm.s32 @p1 $0x1  }
0x15: {  	[smem:$0x3F7E] =	sst s0;
	s0 =	simm.s32 @!p2 $0x0  }
0x16: {  	s3 =	sld [smem:$0x3FDB];
	s0 =	simm.s32 @p2 $0x1  }
0x17: {  	s4 =	simm.s32 $0x1BF5;
	[smem:$0x3F80] =	sst s0  }
0x18: {  	s0 =	sld [smem:$0x3F63];
	_ =	swait.ge [sflag:s4], $0x0  }
0x19: {  	s7 =	sld [smem:$0x3F64]  }
0x1a: {  	s8 =	sadd.s32 $0xFFFFE003, lr  }
0x1b: {  	s9 =	sadd.s32 $0xFFFFFEF7, lr;
	s5 =	simm.s32 $0xFFFFFFFF;
	p2 =	slt.u32 s8, $0xFFFFF086  }
0x1c: {  	p1 =	slt.u32 s9, $0xF7A;
	s5 =	simm.s32 @!p2 $0x0  }
0x1d: {  	s5 =	simm.s32 @p1 $0x1;
	p0 =	seq.s32 s7, s2  }
0x1e: {  	s7 =	smul.u32 @!p0 $0xF7A, s2;
	p2 =	seq.s32 @!p0 s5, $0x0  }
0x1f: {  	s9 =	smul.u32 $0xF7A, s1;
	s8 =	simm.s32 @!p0 $0x1BF5;
	p2 =	por !p2, p0  }
0x20: {  	[sflag:s8] =	ssyncset.s32 @!p0 $0xFFFFF086;
	s6 =	sadd.s32 @!p0 s3, s7;
	s7 =	simm.s32 @!p0 $0x108  }
0x21: {  	s3 =	sadd.s32 s3, s9;
	s6 =	sadd.s32 @!p0 $0x88, s6;
	s7 =	simm.s32 @p2 $0x1082  }
0x22: {  	[simem:s7], [sflag:s8] =	dma.local @!p0 [hbm:s6], $0xF7A  }
0x23: {  	s9 =	sor.u32 $0xD0000000, s2;
	s6 =	simm.s32 $0x108;
	_ =	swait.ge @!p0 [sflag:s8], $0x0  }
0x24: {  	s3 =	sadd.s32 $0x88, s3;
	s6 =	simm.s32 @!p1 $0x1082;
	[sflag:s4] =	ssyncset.s32 $0xFFFFF086  }
0x25: {  	[simem:s6], [sflag:s4] =	dma.local [hbm:s3], $0xF7A  }
0x26: {  	[smem:$0x3F64] =	sst s1;
	(tag) =	ssettag s2;
	_ =	strace s9  }
0x27: {  	s1 =	sld [smem:$0x3F74]  }
0x28: {  	s2 =	sld [smem:$0x3F75]  }
0x29: {  	s4 =	sld [smem:$0x3F77]  }
0x2a: {  	p0 =	seq.s32 s5, $0x0;
	s5 =	sld [smem:$0x3F78]  }
0x2b: {  	s6 =	sld [smem:$0x3F79]  }
0x2c: {  	s7 =	sld [smem:$0x3F7A]  }
0x2d: {  	s3 =	simm.s32 $0x108;
	s8 =	sld [smem:$0x3F7B]  }
0x2e: {  	s3 =	simm.s32 @!p0 $0x1082;
	s9 =	sld [smem:$0x3F7C]  }
0x2f: {  	lr =	sadd.s32 s0, s3;
	s0 =	sld [smem:$0x3F73]  }
0x30: {  	s3 =	sld [smem:$0x3F76]  }
0x31: {  	[smem:$0x3F7F] =	sst s10  }
0x32: {  	s10 =	sld [smem:$0x3F7D];
	_ =	sdelay $0x3  }
0x33: {  	p0 =	seq.s32 s10, $0x1;
	s10 =	sld [smem:$0x3F7F];
	_ =	sdelay $0x3  }
0x34: {  	[smem:$0x3F7F] =	sst s10  }
0x35: {  	s10 =	sld [smem:$0x3F7E];
	_ =	sdelay $0x3  }
0x36: {  	p1 =	seq.s32 s10, $0x1;
	s10 =	sld [smem:$0x3F7F];
	_ =	sdelay $0x3  }
0x37: {  	[smem:$0x3F7F] =	sst s10  }
0x38: {  	s10 =	sld [smem:$0x3F80]  }
0x39: {  	_ = 	snop;
	(pc) =	sbr.ind lr, $3  }
0x3a: {  	_ = 	snop  }
0x3b: {  	_ = 	snop  }
0x3c: {  	p2 =	seq.s32 s10, $0x1;
	s10 =	sld [smem:$0x3F7F]  }
0x3d: {  	_ =	shalt  }
0x3e: {  	_ =	shalt  }
0x3f: {  	_ =	shalt  }
0x40: {  	_ =	shalt  }
0x41: {  	_ =	shalt  }
0x42: {  	_ =	shalt  }
0x43: {  	_ =	shalt  }
0x44: {  	_ =	shalt  }
0x45: {  	_ =	shalt  }
0x46: {  	_ =	shalt  }
0x47: {  	_ =	shalt  }
0x48: {  	_ =	shalt  }
0x49: {  	_ =	shalt  }
0x4a: {  	_ =	shalt  }
0x4b: {  	_ =	shalt  }
0x4c: {  	_ =	shalt  }
0x4d: {  	_ =	shalt  }
0x4e: {  	_ =	shalt  }
0x4f: {  	_ =	shalt  }
0x50: {  	_ =	shalt  }
0x51: {  	_ =	shalt  }
0x52: {  	_ =	shalt  }
0x53: {  	_ =	shalt  }
0x54: {  	_ =	shalt  }
0x55: {  	_ =	shalt  }
0x56: {  	_ =	shalt  }
0x57: {  	_ =	shalt  }
0x58: {  	_ =	shalt  }
0x59: {  	_ =	shalt  }
0x5a: {  	_ =	shalt  }
0x5b: {  	_ =	shalt  }
0x5c: {  	_ =	shalt  }
0x5d: {  	_ =	shalt  }
0x5e: {  	_ =	shalt  }
0x5f: {  	_ =	shalt  }
0x60: {  	_ =	shalt  }
0x61: {  	_ =	shalt  }
0x62: {  	_ =	shalt  }
0x63: {  	_ =	shalt  }
0x64: {  	_ =	shalt  }
0x65: {  	_ =	shalt  }
0x66: {  	_ =	shalt  }
0x67: {  	_ =	shalt  }
0x68: {  	_ =	shalt  }
0x69: {  	_ =	shalt  }
0x6a: {  	_ =	shalt  }
0x6b: {  	_ =	shalt  }
0x6c: {  	_ =	shalt  }
0x6d: {  	_ =	shalt  }
0x6e: {  	_ =	shalt  }
0x6f: {  	_ =	shalt  }
0x70: {  	_ =	shalt  }
0x71: {  	_ =	shalt  }
0x72: {  	_ =	shalt  }
0x73: {  	_ =	shalt  }
0x74: {  	_ =	shalt  }
0x75: {  	_ =	shalt  }
0x76: {  	_ =	shalt  }
0x77: {  	_ =	shalt  }
0x78: {  	_ =	shalt  }
0x79: {  	_ =	shalt  }
0x7a: {  	_ =	shalt  }
0x7b: {  	_ =	shalt  }
0x7c: {  	_ =	shalt  }
0x7d: {  	_ =	shalt  }
0x7e: {  	_ =	shalt  }
0x7f: {  	_ =	shalt  }
0x80: {  	_ =	shalt  }
0x81: {  	_ =	shalt  }
0x82: {  	_ =	shalt  }
0x83: {  	_ =	shalt  }
0x84: {  	_ =	shalt  }
0x85: {  	_ =	shalt  }
0x86: {  	_ =	shalt  }
0x87: {  	_ =	shalt  }
.Lfunc_end0:
.L_simem_size_0:
called_computation_lowered:
.L_overlay_start_0:
0x88: {  	s2 =	sld [smem:$0x3FD9]  }
0x89: {  	s3 =	sld [smem:$0x3FFE];
	_ =	sdelay $0x1  }
0x8a: {  	s1 =	srdreg.scid  }
0x8b: {  	s0 =	sand.u32 $0x1, s1  }
0x8c: {  	s16 =	sshll.u32 s0, $0xA;
	s2 =	sadd.s32 s3, s2  }
0x8d: {  	s2 =	sadd.s32 s2, s16  }
0x8e: {  	[smem:$0x3F8B] =	sst s2  }
0x8f: {  	_ = 	snop  }
0x90: {  	(tm) =	ssettm $0x1  }
0x91: {  	s17 =	sld [smem:$0x3FFB];
	_ =	sdelay $0x3  }
0x92: {  	_ =	strace s17  }
0x93: {  	s2 =	sld [smem:$0x3FFC];
	_ =	sdelay $0x3  }
0x94: {  	_ =	strace s2  }
0x95: {  	s2 =	sld [smem:$0x3FFD];
	_ =	sdelay $0x3  }
0x96: {  	_ =	strace s2  }
0x97: {  	_ =	strace $0x8FFFFFFF  }
0x98: {  	s18 =	sld [smem:$0x3FDB];
	_ =	sdelay $0x1  }
0x99: {  	s19 =	simm.s32 $_scs_section_size  }
0x9a: {  	s4 =	simm.s32 $_size__tile_overlayer_lowered;
	s5 =	simm.s32 $_tile_overlayer_lowered  }
0x9b: {  	s22 =	simm.s32 $0x1BFF;
	s21 =	sshll.u32 s5, $0x1;
	s2 =	sadd.s32 s19, s18  }
0x9c: {  	s6 =	simm.s32 $0x0;
	s20 =	sshll.u32 s4, $0x1;
	s4 =	sadd.s32 s21, s2  }
0x9d: {  	[timem:s6], [sflag:s22] =	dma.local [hbm:s4], s20  }
0x9e: {  	_ =	swait.ge [sflag:s22], s20  }
0x9f: {  	s3 =	ssub.s32 $0x0, s20;
	[sflag:s22] =	ssyncset.done $0x0  }
0xa0: {  	[sflag:s22] =	ssyncadd.s32 s3;
	_ =	sdelay $0x1  }
0xa1: {  	s23 =	simm.s32 $0x1B8B  }
0xa2: {  	_ =	swait.ge [sflag:s23], $0x1  }
0xa3: {  	[sflag:s23] =	ssyncset.done $0x0  }
0xa4: {  	s25 =	simm.s32 $0x1B8E;
	s24 =	sld [smem:$0x3FFE];
	[sflag:s23] =	ssyncadd.s32 $0xFFFFFFFF  }
0xa5: {  	s26 =	simm.s32 $execute0_lowered;
	[smem:$0x3FD2] =	sst s25  }
0xa6: {  	s4 =	sshll.u32 s26, $0x1;
	_ =	strace $0x80000046;
	[dreg:$0x1] =	wrdreg $0xFFFFFFFF  }
0xa7: {  	s28 =	simm.s32 $_size_execute0_lowered;
	s2 =	sadd.s32 s2, s4;
	[dreg:$0x0] =	wrdreg $0x0  }
0xa8: {  	s4 =	sshll.u32 s28, $0x1;
	[dreg:$0x2] =	wrdreg s2  }
0xa9: {  	[dreg:$0x3] =	wrdreg s4  }
0xaa: {  	[dreg:$0x4] =	wrdreg $0xC0  }
0xab: {  	_ =	task [dreg:s6], $0x5FFFF  }
0xac: {  	[dreg:$0x1] =	wrdreg $0xFFFFFFFF  }
0xad: {  	[dreg:$0x0] =	wrdreg $0x60  }
0xae: {  	[dreg:$0x2] =	wrdreg s24  }
0xaf: {  	[dreg:$0x3] =	wrdreg $0x9  }
0xb0: {  	_ =	task.clear_ibuf [dreg:s6], $0x4FFFF;
	_ =	strace $0x90000046  }
0xb1: {  	s29 =	simm.s32 $0x9;
	_ =	strace $0x80000048  }
0xb2: {  	_ =	swait.ge [sflag:s29], $0x1  }
0xb3: {  	[sflag:s29] =	ssyncadd.s32 $0xFFFFFFFF  }
0xb4: {  	_ =	strace $0x90000048  }
0xb5: {  	_ =	sfence  }
0xb6: {  	s30 =	sld [smem:$0x0];
	_ =	sdelay $0x2  }
0xb7: {  	s31 =	sshll.u32 s1, $0xD;
	s1 =	sshrl.u32 s1, $0x2  }
0xb8: {  	s3 =	sand.u32 $0x4000, s31;
	s1 =	sadd.s32 s1, s30  }
0xb9: {  	s0 =	sor.u32 s3, s0;
	s1 =	sshll.u32 s1, $0x11  }
0xba: {  	s0 =	sor.u32 s1, s0  }
0xbb: {  	s0 =	sadd.s32 $0x8F2B, s0  }
0xbc: {  	[sflag:s0] =	ssyncadd.remote.s32 $0x1  }
0xbd: {  	_ =	sfence.sel $0xFFFF  }
0xbe: {  	[dreg:$0x0] =	wrdreg $0xFFFFFFFF;
	(pc) =	sbr.abs _section_cstart, $3  }
0xbf: {  	[dreg:$0x1] =	wrdreg $0xFFFFFFFF  }
0xc0: {  	_ =	task.clear_ibuf [dreg:s6], $0x2FFFF;
	_ =	strace $0x9FFFFFFF  }
0xc1: {  	(tm) =	ssettm $0x7FFFFFFF  }
tec
execute0_lowered:
.L_overlay_start_1:
0x0: {  	(tag) =	ssettag $0x1  }
0x1: {  	s5 =	stileid.u32;
	s0 =	srdreg.scid  }
0x2: {  	s0 =	sand.u32 $0x1, s0;
	s3 =	sshll.u32 s5, $0x1  }
0x3: {  	s4 =	sor.u32 s0, s3  }
0x4: {  	s1 =	rddreg [dreg:$0x0];
	s3 =	sshll.u32 s4, $0x4  }
0x5: {  	s2 =	simm.s32 $0x0;
	s7 =	sadd.s32 s3, s1  }
0x6: {  	[smem:$0x7FF] =	sst s2;
	s8 =	sadd.s32 $0x21D400, s7  }
0x7: {  	_ =	strace $0x80000047;
	s9 =	sadd.s32 $0x21D600, s7;
	[dreg:$0x2] =	wrdreg s8  }
0x8: {  	s14 =	sadd.s32 $0x21D800, s7;
	[dreg:$0x3] =	wrdreg s9  }
0x9: {  	s15 =	sadd.s32 $0x21DA00, s7;
	[dreg:$0x4] =	wrdreg s14  }
0xa: {  	s10 =	sadd.s32 $0x21DC00, s7;
	[dreg:$0x5] =	wrdreg s15  }
0xb: {  	s17 =	sadd.s32 $0x21DE00, s7;
	[dreg:$0x6] =	wrdreg s10  }
0xc: {  	s18 =	sadd.s32 $0x21E200, s7;
	[dreg:$0x7] =	wrdreg s17  }
0xd: {  	s5 =	sshrl.u32 s5, $0x1;
	s19 =	sadd.s32 $0x21E400, s7;
	[dreg:$0x8] =	wrdreg s18  }
0xe: {  	s6 =	smul.u32 $0x2710, s5;
	s21 =	sadd.s32 $0x21E600, s7;
	[dreg:$0x9] =	wrdreg s19  }
0xf: {  	s0 =	ssub.s32 $0x2, s0;
	s22 =	sadd.s32 $0x21E800, s7;
	[dreg:$0xa] =	wrdreg s21  }
0x10: {  	s13 =	smul.u32 $0x1800, s4;
	s23 =	sadd.s32 $0x21EA00, s7;
	[dreg:$0xb] =	wrdreg s22  }
0x11: {  	s16 =	sshrl.u32 s0, $0x1;
	s24 =	sadd.s32 $0x21EC00, s7;
	[dreg:$0xc] =	wrdreg s23  }
0x12: {  	s3 =	sadd.s32 $0x21F200, s1;
	s25 =	sadd.s32 $0x21E000, s7;
	[dreg:$0xd] =	wrdreg s24  }
0x13: {  	s6 =	sadd.s32 s6, s1;
	s26 =	sadd.s32 $0x21EE00, s7;
	[dreg:$0xe] =	wrdreg s25  }
0x14: {  	s0 =	ssub.s32 s0, s16;
	s7 =	sadd.s32 $0x21F000, s7;
	[dreg:$0xf] =	wrdreg s26  }
0x15: {  	s6 =	sadd.s32 $0x8A00, s6;
	s0 =	smax.u32 s0, $0x1;
	[dreg:$0x10] =	wrdreg s7  }
0x16: {  	s14 =	sadd.s32 s3, s13;
	[dreg:$0x11] =	wrdreg s6;
	s21 =	sadd.s32 $0x2B5000, s1  }
0x17: {  	s22 =	sadd.s32 $0x13C400, s1;
	s1 =	sadd.s32 $0x1C280, s1;
	[dreg:$0x13] =	wrdreg s0  }
0x18: {  	s29 =	simm.s32 $0x16EB0;
	[dreg:$0x12] =	wrdreg s1;
	s11 =	sadd.s32 $0x2, s14  }
0x19: {  	s30 =	simm.s32 $0x16AB0;
	s12 =	sadd.s32 $0x4, s14;
	[dreg:$0x14] =	wrdreg s11  }
0x1a: {  	s31 =	simm.s32 $0x0;
	s13 =	sadd.s32 $0x6, s14;
	[dreg:$0x15] =	wrdreg s12  }
0x1b: {  	s20 =	sshll.u32 s4, $0x7;
	s15 =	sadd.s32 $0x8, s14;
	[dreg:$0x16] =	wrdreg s13  }
0x1c: {  	s4 =	sshll.u32 s4, $0xA;
	s16 =	sadd.s32 $0xA, s14;
	[dreg:$0x17] =	wrdreg s15  }
0x1d: {  	s24 =	sand.u32 $0xC00, s4;
	s17 =	sadd.s32 $0xC, s14;
	[dreg:$0x18] =	wrdreg s16  }
0x1e: {  	s25 =	sadd.s32 $0xFFFFFC00, s20;
	s18 =	sadd.s32 $0xE, s14;
	[dreg:$0x19] =	wrdreg s17  }
0x1f: {  	s26 =	smul.u32 $0xC8000, s5;
	s19 =	sadd.s32 $0x10, s14;
	[dreg:$0x1a] =	wrdreg s18  }
0x20: {  	s10 =	sshll.u32 s5, $0x4;
	s20 =	sadd.s32 $0x12, s14;
	[dreg:$0x1b] =	wrdreg s19  }
0x21: {  	s28 =	sadd.s32 $0xF0, s10;
	s23 =	sadd.s32 $0x14, s14;
	[dreg:$0x1c] =	wrdreg s20  }
0x22: {  	v0 =	vlaneseq.u32;
	s10 =	sadd.s32 $0x16, s14;
	[dreg:$0x1d] =	wrdreg s23;
	s11 =	sadd.s32 $0x18, s14  }
0x23: {  	v0 =	vmul.u32 $0x10, v0;
	s12 =	sadd.s32 $0x1A, s14;
	s13 =	sadd.s32 $0x1C, s14;
	s15 =	simm.s32 $0x16FB0  }
0x24: {  	s16 =	simm.s32 $0x2;
	s17 =	simm.s32 $0x80;
	s18 =	simm.s32 $0x17030  }
0x25: {  	vm0 =	vmmov $0xff;
	v0 =	vor.u32 $0xF, v0;
	s19 =	simm.s32 $0x1;
	s20 =	simm.s32 $0x10;
	s23 =	simm.s32 $0x180  }
.LBB2_1:
0x26: {  	s0 =	rddreg [dreg:$0x2]  }
0x27: {  	[tilespmem:s15], [sflag:$0x2] =	stream.linear.gather [hbm4b:s0+s2], $0x80, $0x38;
	[tilespmem:$0x17830] =	vst v63  }
0x28: {  	_ =	swait.ge [sflag:s16], $0x80  }
0x29: {  	[sflag:s16] =	ssyncset.done $0x0  }
0x2a: {  	[sflag:s16] =	ssyncadd.s32 $0xFFFFFF80  }
0x2b: {  	[tilespmem:s18], [sflag:$0x1] =	stream.indirect.gather [hbm4b:s21+s17], $0x10, s15, s17, $0xb8;
	[tilespmem:$0x17830] =	vst v63  }
0x2c: {  	_ =	swait.ge [sflag:s19], $0x800  }
0x2d: {  	[sflag:s19] =	ssyncset.done $0x0  }
0x2e: {  	[sflag:s19] =	ssyncadd.s32 $0xFFFFF800  }
0x2f: {  	[hbm4b:s14+s20] =	stream.strided.scatter [tilespmem:s18], [sflag:$0x2], $0x800, s23, s20, $0x38;
	[tilespmem:$0x17830] =	vst v63  }
0x30: {  	_ =	swait.ge [sflag:s16], $0x800  }
0x31: {  	[sflag:s16] =	ssyncset.done $0x0  }
0x32: {  	s5 =	rddreg [dreg:$0x3];
	[sflag:s16] =	ssyncadd.s32 $0xFFFFF800  }
0x33: {  	[tilespmem:s15], [sflag:$0x2] =	stream.linear.gather [hbm4b:s5+s2], $0x80, $0x38;
	[tilespmem:$0x17830] =	vst v63  }
0x34: {  	_ =	swait.ge [sflag:s16], $0x80  }
0x35: {  	[sflag:s16] =	ssyncset.done $0x0  }
0x36: {  	[sflag:s16] =	ssyncadd.s32 $0xFFFFFF80  }
0x37: {  	[tilespmem:s18], [sflag:$0x1] =	stream.indirect.gather [hbm4b:s21+s17], $0x10, s15, s17, $0xb8;
	[tilespmem:$0x17830] =	vst v63  }
0x38: {  	_ =	swait.ge [sflag:s19], $0x800  }
0x39: {  	[sflag:s19] =	ssyncset.done $0x0  }
0x3a: {  	s6 =	rddreg [dreg:$0x14];
	[sflag:s19] =	ssyncadd.s32 $0xFFFFF800  }
0x3b: {  	[hbm4b:s6+s20] =	stream.strided.scatter [tilespmem:s18], [sflag:$0x2], $0x800, s23, s20, $0x38;
	[tilespmem:$0x17830] =	vst v63  }
0x3c: {  	_ =	swait.ge [sflag:s16], $0x800  }
0x3d: {  	[sflag:s16] =	ssyncset.done $0x0  }
0x3e: {  	s7 =	rddreg [dreg:$0x4];
	[sflag:s16] =	ssyncadd.s32 $0xFFFFF800  }
0x3f: {  	[tilespmem:s15], [sflag:$0x2] =	stream.linear.gather [hbm4b:s7+s2], $0x80, $0x38;
	[tilespmem:$0x17830] =	vst v63  }
0x40: {  	_ =	swait.ge [sflag:s16], $0x80  }
0x41: {  	[sflag:s16] =	ssyncset.done $0x0  }
0x42: {  	[sflag:s16] =	ssyncadd.s32 $0xFFFFFF80  }
0x43: {  	[tilespmem:s18], [sflag:$0x1] =	stream.indirect.gather [hbm4b:s21+s17], $0x10, s15, s17, $0xb8;
	[tilespmem:$0x17830] =	vst v63  }
0x44: {  	_ =	swait.ge [sflag:s19], $0x800  }
0x45: {  	[sflag:s19] =	ssyncset.done $0x0  }
0x46: {  	s8 =	rddreg [dreg:$0x15];
	[sflag:s19] =	ssyncadd.s32 $0xFFFFF800  }
0x47: {  	[hbm4b:s8+s20] =	stream.strided.scatter [tilespmem:s18], [sflag:$0x2], $0x800, s23, s20, $0x38;
	[tilespmem:$0x17830] =	vst v63  }
0x48: {  	_ =	swait.ge [sflag:s16], $0x800  }
0x49: {  	[sflag:s16] =	ssyncset.done $0x0  }
0x4a: {  	s9 =	rddreg [dreg:$0x5];
	[sflag:s16] =	ssyncadd.s32 $0xFFFFF800  }
0x4b: {  	[tilespmem:s15], [sflag:$0x2] =	stream.linear.gather [hbm4b:s9+s2], $0x80, $0x38;
	[tilespmem:$0x17830] =	vst v63  }
0x4c: {  	_ =	swait.ge [sflag:s16], $0x80  }
0x4d: {  	[sflag:s16] =	ssyncset.done $0x0  }
0x4e: {  	[sflag:s16] =	ssyncadd.s32 $0xFFFFFF80  }
0x4f: {  	[tilespmem:s18], [sflag:$0x1] =	stream.indirect.gather [hbm4b:s21+s17], $0x10, s15, s17, $0xb8;
	[tilespmem:$0x17830] =	vst v63  }
0x50: {  	_ =	swait.ge [sflag:s19], $0x800  }
0x51: {  	[sflag:s19] =	ssyncset.done $0x0  }
0x52: {  	s1 =	rddreg [dreg:$0x16];
	[sflag:s19] =	ssyncadd.s32 $0xFFFFF800  }
0x53: {  	[hbm4b:s1+s20] =	stream.strided.scatter [tilespmem:s18], [sflag:$0x2], $0x800, s23, s20, $0x38;
	[tilespmem:$0x17830] =	vst v63  }
0x54: {  	_ =	swait.ge [sflag:s16], $0x800  }
0x55: {  	[sflag:s16] =	ssyncset.done $0x0  }
0x56: {  	s4 =	rddreg [dreg:$0x6];
	[sflag:s16] =	ssyncadd.s32 $0xFFFFF800  }
0x57: {  	[tilespmem:s15], [sflag:$0x2] =	stream.linear.gather [hbm4b:s4+s2], $0x80, $0x38;
	[tilespmem:$0x17830] =	vst v63  }
0x58: {  	_ =	swait.ge [sflag:s16], $0x80  }
0x59: {  	[sflag:s16] =	ssyncset.done $0x0  }
0x5a: {  	[sflag:s16] =	ssyncadd.s32 $0xFFFFFF80  }
0x5b: {  	[tilespmem:s18], [sflag:$0x1] =	stream.indirect.gather [hbm4b:s21+s17], $0x10, s15, s17, $0xb8;
	[tilespmem:$0x17830] =	vst v63  }
0x5c: {  	_ =	swait.ge [sflag:s19], $0x800  }
0x5d: {  	[sflag:s19] =	ssyncset.done $0x0  }
0x5e: {  	s5 =	rddreg [dreg:$0x17];
	[sflag:s19] =	ssyncadd.s32 $0xFFFFF800  }
0x5f: {  	[hbm4b:s5+s20] =	stream.strided.scatter [tilespmem:s18], [sflag:$0x2], $0x800, s23, s20, $0x38;
	[tilespmem:$0x17830] =	vst v63  }
0x60: {  	_ =	swait.ge [sflag:s16], $0x800  }
0x61: {  	[sflag:s16] =	ssyncset.done $0x0  }
0x62: {  	s6 =	rddreg [dreg:$0x7];
	[sflag:s16] =	ssyncadd.s32 $0xFFFFF800  }
0x63: {  	[tilespmem:s15], [sflag:$0x2] =	stream.linear.gather [hbm4b:s6+s2], $0x80, $0x38;
	[tilespmem:$0x17830] =	vst v63  }
0x64: {  	_ =	swait.ge [sflag:s16], $0x80  }
0x65: {  	[sflag:s16] =	ssyncset.done $0x0  }
0x66: {  	[sflag:s16] =	ssyncadd.s32 $0xFFFFFF80  }
0x67: {  	[tilespmem:s18], [sflag:$0x1] =	stream.indirect.gather [hbm4b:s21+s17], $0x10, s15, s17, $0xb8;
	[tilespmem:$0x17830] =	vst v63  }
0x68: {  	_ =	swait.ge [sflag:s19], $0x800  }
0x69: {  	[sflag:s19] =	ssyncset.done $0x0  }
0x6a: {  	s7 =	rddreg [dreg:$0x18];
	[sflag:s19] =	ssyncadd.s32 $0xFFFFF800  }
0x6b: {  	[hbm4b:s7+s20] =	stream.strided.scatter [tilespmem:s18], [sflag:$0x2], $0x800, s23, s20, $0x38;
	[tilespmem:$0x17830] =	vst v63  }
0x6c: {  	_ =	swait.ge [sflag:s16], $0x800  }
0x6d: {  	[sflag:s16] =	ssyncset.done $0x0  }
0x6e: {  	s8 =	rddreg [dreg:$0xe];
	[sflag:s16] =	ssyncadd.s32 $0xFFFFF800  }
0x6f: {  	[tilespmem:s15], [sflag:$0x2] =	stream.linear.gather [hbm4b:s8+s2], $0x80, $0x38;
	[tilespmem:$0x17830] =	vst v63  }
0x70: {  	_ =	swait.ge [sflag:s16], $0x80  }
0x71: {  	[sflag:s16] =	ssyncset.done $0x0  }
0x72: {  	[sflag:s16] =	ssyncadd.s32 $0xFFFFFF80  }
0x73: {  	[tilespmem:s18], [sflag:$0x1] =	stream.indirect.gather [hbm4b:s21+s17], $0x10, s15, s17, $0xb8;
	[tilespmem:$0x17830] =	vst v63  }
0x74: {  	_ =	swait.ge [sflag:s19], $0x800  }
0x75: {  	[sflag:s19] =	ssyncset.done $0x0  }
0x76: {  	s9 =	rddreg [dreg:$0x19];
	[sflag:s19] =	ssyncadd.s32 $0xFFFFF800  }
0x77: {  	[hbm4b:s9+s20] =	stream.strided.scatter [tilespmem:s18], [sflag:$0x2], $0x800, s23, s20, $0x38;
	[tilespmem:$0x17830] =	vst v63  }
0x78: {  	_ =	swait.ge [sflag:s16], $0x800  }
0x79: {  	[sflag:s16] =	ssyncset.done $0x0  }
0x7a: {  	s1 =	rddreg [dreg:$0x8];
	[sflag:s16] =	ssyncadd.s32 $0xFFFFF800  }
0x7b: {  	[tilespmem:s15], [sflag:$0x2] =	stream.linear.gather [hbm4b:s1+s2], $0x80, $0x38;
	[tilespmem:$0x17830] =	vst v63  }
0x7c: {  	_ =	swait.ge [sflag:s16], $0x80  }
0x7d: {  	[sflag:s16] =	ssyncset.done $0x0  }
0x7e: {  	[sflag:s16] =	ssyncadd.s32 $0xFFFFFF80  }
0x7f: {  	[tilespmem:s18], [sflag:$0x1] =	stream.indirect.gather [hbm4b:s21+s17], $0x10, s15, s17, $0xb8;
	[tilespmem:$0x17830] =	vst v63  }
0x80: {  	_ =	swait.ge [sflag:s19], $0x800  }
0x81: {  	[sflag:s19] =	ssyncset.done $0x0  }
0x82: {  	s4 =	rddreg [dreg:$0x1a];
	[sflag:s19] =	ssyncadd.s32 $0xFFFFF800  }
0x83: {  	[hbm4b:s4+s20] =	stream.strided.scatter [tilespmem:s18], [sflag:$0x2], $0x800, s23, s20, $0x38;
	[tilespmem:$0x17830] =	vst v63  }
0x84: {  	_ =	swait.ge [sflag:s16], $0x800  }
0x85: {  	[sflag:s16] =	ssyncset.done $0x0  }
0x86: {  	s5 =	rddreg [dreg:$0x9];
	[sflag:s16] =	ssyncadd.s32 $0xFFFFF800  }
0x87: {  	[tilespmem:s15], [sflag:$0x2] =	stream.linear.gather [hbm4b:s5+s2], $0x80, $0x38;
	[tilespmem:$0x17830] =	vst v63  }
0x88: {  	_ =	swait.ge [sflag:s16], $0x80  }
0x89: {  	[sflag:s16] =	ssyncset.done $0x0  }
0x8a: {  	[sflag:s16] =	ssyncadd.s32 $0xFFFFFF80  }
0x8b: {  	[tilespmem:s18], [sflag:$0x1] =	stream.indirect.gather [hbm4b:s21+s17], $0x10, s15, s17, $0xb8;
	[tilespmem:$0x17830] =	vst v63  }
0x8c: {  	_ =	swait.ge [sflag:s19], $0x800  }
0x8d: {  	[sflag:s19] =	ssyncset.done $0x0  }
0x8e: {  	s6 =	rddreg [dreg:$0x1b];
	[sflag:s19] =	ssyncadd.s32 $0xFFFFF800  }
0x8f: {  	[hbm4b:s6+s20] =	stream.strided.scatter [tilespmem:s18], [sflag:$0x2], $0x800, s23, s20, $0x38;
	[tilespmem:$0x17830] =	vst v63  }
0x90: {  	_ =	swait.ge [sflag:s16], $0x800  }
0x91: {  	[sflag:s16] =	ssyncset.done $0x0  }
0x92: {  	s7 =	rddreg [dreg:$0xa];
	[sflag:s16] =	ssyncadd.s32 $0xFFFFF800  }
0x93: {  	[tilespmem:s15], [sflag:$0x2] =	stream.linear.gather [hbm4b:s7+s2], $0x80, $0x38;
	[tilespmem:$0x17830] =	vst v63  }
0x94: {  	_ =	swait.ge [sflag:s16], $0x80  }
0x95: {  	[sflag:s16] =	ssyncset.done $0x0  }
0x96: {  	[sflag:s16] =	ssyncadd.s32 $0xFFFFFF80  }
0x97: {  	[tilespmem:s18], [sflag:$0x1] =	stream.indirect.gather [hbm4b:s21+s17], $0x10, s15, s17, $0xb8;
	[tilespmem:$0x17830] =	vst v63  }
0x98: {  	_ =	swait.ge [sflag:s19], $0x800  }
0x99: {  	[sflag:s19] =	ssyncset.done $0x0  }
0x9a: {  	s8 =	rddreg [dreg:$0x1c];
	[sflag:s19] =	ssyncadd.s32 $0xFFFFF800  }
0x9b: {  	[hbm4b:s8+s20] =	stream.strided.scatter [tilespmem:s18], [sflag:$0x2], $0x800, s23, s20, $0x38;
	[tilespmem:$0x17830] =	vst v63  }
0x9c: {  	_ =	swait.ge [sflag:s16], $0x800  }
0x9d: {  	[sflag:s16] =	ssyncset.done $0x0  }
0x9e: {  	s9 =	rddreg [dreg:$0xb];
	[sflag:s16] =	ssyncadd.s32 $0xFFFFF800  }
0x9f: {  	[tilespmem:s15], [sflag:$0x2] =	stream.linear.gather [hbm4b:s9+s2], $0x80, $0x38;
	[tilespmem:$0x17830] =	vst v63  }
0xa0: {  	_ =	swait.ge [sflag:s16], $0x80  }
0xa1: {  	[sflag:s16] =	ssyncset.done $0x0  }
0xa2: {  	[sflag:s16] =	ssyncadd.s32 $0xFFFFFF80  }
0xa3: {  	[tilespmem:s18], [sflag:$0x1] =	stream.indirect.gather [hbm4b:s21+s17], $0x10, s15, s17, $0xb8;
	[tilespmem:$0x17830] =	vst v63  }
0xa4: {  	_ =	swait.ge [sflag:s19], $0x800  }
0xa5: {  	[sflag:s19] =	ssyncset.done $0x0  }
0xa6: {  	s1 =	rddreg [dreg:$0x1d];
	[sflag:s19] =	ssyncadd.s32 $0xFFFFF800  }
0xa7: {  	[hbm4b:s1+s20] =	stream.strided.scatter [tilespmem:s18], [sflag:$0x2], $0x800, s23, s20, $0x38;
	[tilespmem:$0x17830] =	vst v63  }
0xa8: {  	_ =	swait.ge [sflag:s16], $0x800  }
0xa9: {  	[sflag:s16] =	ssyncset.done $0x0  }
0xaa: {  	s4 =	rddreg [dreg:$0xc];
	[sflag:s16] =	ssyncadd.s32 $0xFFFFF800  }
0xab: {  	[tilespmem:s15], [sflag:$0x2] =	stream.linear.gather [hbm4b:s4+s2], $0x80, $0x38;
	[tilespmem:$0x17830] =	vst v63  }
0xac: {  	_ =	swait.ge [sflag:s16], $0x80  }
0xad: {  	[sflag:s16] =	ssyncset.done $0x0  }
0xae: {  	[sflag:s16] =	ssyncadd.s32 $0xFFFFFF80  }
0xaf: {  	[tilespmem:s18], [sflag:$0x1] =	stream.indirect.gather [hbm4b:s21+s17], $0x10, s15, s17, $0xb8;
	[tilespmem:$0x17830] =	vst v63  }
0xb0: {  	_ =	swait.ge [sflag:s19], $0x800  }
0xb1: {  	[sflag:s19] =	ssyncset.done $0x0  }
0xb2: {  	[sflag:s19] =	ssyncadd.s32 $0xFFFFF800  }
0xb3: {  	[hbm4b:s10+s20] =	stream.strided.scatter [tilespmem:s18], [sflag:$0x2], $0x800, s23, s20, $0x38;
	[tilespmem:$0x17830] =	vst v63  }
0xb4: {  	_ =	swait.ge [sflag:s16], $0x800  }
0xb5: {  	[sflag:s16] =	ssyncset.done $0x0  }
0xb6: {  	s5 =	rddreg [dreg:$0xd];
	[sflag:s16] =	ssyncadd.s32 $0xFFFFF800  }
0xb7: {  	[tilespmem:s15], [sflag:$0x2] =	stream.linear.gather [hbm4b:s5+s2], $0x80, $0x38;
	[tilespmem:$0x17830] =	vst v63  }
0xb8: {  	_ =	swait.ge [sflag:s16], $0x80  }
0xb9: {  	[sflag:s16] =	ssyncset.done $0x0  }
0xba: {  	[sflag:s16] =	ssyncadd.s32 $0xFFFFFF80  }
0xbb: {  	[tilespmem:s18], [sflag:$0x1] =	stream.indirect.gather [hbm4b:s21+s17], $0x10, s15, s17, $0xb8;
	[tilespmem:$0x17830] =	vst v63  }
0xbc: {  	_ =	swait.ge [sflag:s19], $0x800  }
0xbd: {  	[sflag:s19] =	ssyncset.done $0x0  }
0xbe: {  	[sflag:s19] =	ssyncadd.s32 $0xFFFFF800  }
0xbf: {  	[hbm4b:s11+s20] =	stream.strided.scatter [tilespmem:s18], [sflag:$0x2], $0x800, s23, s20, $0x38;
	[tilespmem:$0x17830] =	vst v63  }
0xc0: {  	_ =	swait.ge [sflag:s16], $0x800  }
0xc1: {  	[sflag:s16] =	ssyncset.done $0x0  }
0xc2: {  	s6 =	rddreg [dreg:$0xf];
	[sflag:s16] =	ssyncadd.s32 $0xFFFFF800  }
0xc3: {  	[tilespmem:s15], [sflag:$0x2] =	stream.linear.gather [hbm4b:s6+s2], $0x80, $0x38;
	[tilespmem:$0x17830] =	vst v63  }
0xc4: {  	_ =	swait.ge [sflag:s16], $0x80  }
0xc5: {  	[sflag:s16] =	ssyncset.done $0x0  }
0xc6: {  	[sflag:s16] =	ssyncadd.s32 $0xFFFFFF80  }
0xc7: {  	[tilespmem:s18], [sflag:$0x1] =	stream.indirect.gather [hbm4b:s21+s17], $0x10, s15, s17, $0xb8;
	[tilespmem:$0x17830] =	vst v63  }
0xc8: {  	_ =	swait.ge [sflag:s19], $0x800  }
0xc9: {  	[sflag:s19] =	ssyncset.done $0x0  }
0xca: {  	[sflag:s19] =	ssyncadd.s32 $0xFFFFF800  }
0xcb: {  	[hbm4b:s12+s20] =	stream.strided.scatter [tilespmem:s18], [sflag:$0x2], $0x800, s23, s20, $0x38;
	[tilespmem:$0x17830] =	vst v63  }
0xcc: {  	_ =	swait.ge [sflag:s16], $0x800  }
0xcd: {  	[sflag:s16] =	ssyncset.done $0x0  }
0xce: {  	s7 =	rddreg [dreg:$0x10];
	[sflag:s16] =	ssyncadd.s32 $0xFFFFF800  }
0xcf: {  	[tilespmem:s15], [sflag:$0x2] =	stream.linear.gather [hbm4b:s7+s2], $0x80, $0x38;
	[tilespmem:$0x17830] =	vst v63  }
0xd0: {  	_ =	swait.ge [sflag:s16], $0x80  }
0xd1: {  	[sflag:s16] =	ssyncset.done $0x0  }
0xd2: {  	[sflag:s16] =	ssyncadd.s32 $0xFFFFFF80  }
0xd3: {  	[tilespmem:s18], [sflag:$0x1] =	stream.indirect.gather [hbm4b:s21+s17], $0x10, s15, s17, $0xb8;
	[tilespmem:$0x17830] =	vst v63  }
0xd4: {  	_ =	swait.ge [sflag:s19], $0x800  }
0xd5: {  	[sflag:s19] =	ssyncset.done $0x0  }
0xd6: {  	[sflag:s19] =	ssyncadd.s32 $0xFFFFF800  }
0xd7: {  	[hbm4b:s13+s20] =	stream.strided.scatter [tilespmem:s18], [sflag:$0x2], $0x800, s23, s20, $0x38;
	[tilespmem:$0x17830] =	vst v63  }
0xd8: {  	_ =	swait.ge [sflag:s16], $0x800  }
0xd9: {  	[sflag:s16] =	ssyncset.done $0x0  }
0xda: {  	s8 =	rddreg [dreg:$0x11];
	[sflag:s16] =	ssyncadd.s32 $0xFFFFF800  }
0xdb: {  	[tilespmem:s2], [sflag:$0x2] =	stream.linear.gather [hbm4b:s8+s2], $0x13880, $0x38;
	[tilespmem:$0x17830] =	vst v63  }
0xdc: {  	_ =	swait.ge [sflag:s16], $0x13880  }
0xdd: {  	[sflag:s16] =	ssyncset.done $0x0  }
0xde: {  	s1 =	simm.s32 $0x13880;
	s9 =	rddreg [dreg:$0x12];
	[sflag:s16] =	ssyncadd.s32 $0xFFFEC780  }
0xdf: {  	[tilespmem:s1], [sflag:$0x2] =	stream.linear.gather [hbm4b:s9+s2], $0x30, $0x38;
	[tilespmem:$0x17830] =	vst v63  }
0xe0: {  	_ =	swait.ge [sflag:s16], $0x30  }
0xe1: {  	[sflag:s16] =	ssyncset.done $0x0  }
0xe2: {  	s1 =	simm.s32 $0x0;
	[sflag:s16] =	ssyncadd.s32 $0xFFFFFFD0  }
.LBB2_2:
0xe3: {  	p0 =	slt.u32 s1, $0x10;
	s0 =	smov.u32 s25  }
0xe4: {  	s4 =	sshll.u32 s1, $0x6;
	s0 =	smov.u32 @p0 s24  }
0xe5: {  	s0 =	sadd.s32 s0, s4  }
0xe6: {  	s4 =	smov.u32 s26;
	s5 =	smul.u32 $0xC8, s0  }
0xe7: {  	s4 =	simm.s32 @!p0 $0x640000  }
0xe8: {  	s4 =	sadd.s32 s4, s5  }
0xe9: {  	s4 =	sshrl.u32 s4, $0x3  }
0xea: {  	s5 =	simm.s32 $0x138B0;
	s6 =	sadd.s32 s22, s4;
	s4 =	simm.s32 $0x0  }
0xeb: {  	[tilespmem:s5], [sflag:$0x2] =	stream.linear.gather [hbm4b:s6+s4], $0x3200, $0x38;
	[tilespmem:$0x17830] =	vst v63  }
0xec: {  	_ =	swait.ge [sflag:s16], $0x3200  }
0xed: {  	[sflag:s16] =	ssyncset.done $0x0  }
0xee: {  	s6 =	simm.s32 $0x13980;
	[sflag:s16] =	ssyncadd.s32 $0xFFFFCE00  }
.LBB2_3:
0xef: {  	v6 =	vmov s5;
	_ =	sdelay $0x3  }
0xf0: {  	s7 =	simm.s32 $0x0  }
0xf1: {  	v1 =	vld.idx.msk [tilespmem:v6+s7+$0x0 ss:$0x1], $0xffff;
	_ =	sdelay $0x4  }
0xf2: {  	v1 =	vshll.u32 v1, $0x3  }
0xf3: {  	v2 =	vor.u32 $0x1, v1  }
0xf4: {  	v3 =	vor.u32 $0x3, v1  }
0xf5: {  	s8 =	simm.s32 $0x10;
	v4 =	vor.u32 $0x5, v1  }
0xf6: {  	v9 =	vld.idx.msk [tilespmem:v6+s8+$0x0 ss:$0x1], $0xffff;
	v8 =	vor.u32 $0x6, v1  }
0xf7: {  	v11 =	vor.u32 $0x7, v1;
	v5 =	vld.idx.msk [tilespmem:v1+s2+$0x0], $0xffff  }
0xf8: {  	v12 =	vor.u32 $0x4, v1;
	v2 =	vld.idx.msk [tilespmem:v2+s2+$0x0], $0xffff  }
0xf9: {  	v10 =	vor.u32 $0x2, v1;
	v19 =	vld.idx.msk [tilespmem:v3+s2+$0x0], $0xffff  }
0xfa: {  	v7 =	vimm.f32 $0.0e+00;
	v23 =	vld.idx.msk [tilespmem:v4+s2+$0x0], $0xffff  }
0xfb: {  	v20 =	vimm.f32 $0.0e+00;
	v21 =	vimm.f32 $0.0e+00;
	v18 =	vimm.f32 $0.0e+00;
	v17 =	vld.idx.msk [tilespmem:v8+s2+$0x0], $0xffff  }
0xfc: {  	v14 =	vimm.f32 $0.0e+00;
	v15 =	vimm.f32 $0.0e+00;
	v13 =	vimm.f32 $0.0e+00;
	v16 =	vld.idx.msk [tilespmem:v11+s2+$0x0], $0xffff  }
0xfd: {  	v8 =	vshll.u32 v9, $0x3;
	v11 =	vimm.f32 $0.0e+00;
	v25 =	vld.idx.msk [tilespmem:v12+s2+$0x0], $0xffff;
	v12 =	vimm.f32 $0.0e+00  }
0xfe: {  	v29 =	vld.idx.msk [tilespmem:v10+s2+$0x0], $0xffff;
	v9 =	vimm.f32 $0.0e+00;
	v10 =	vimm.f32 $0.0e+00;
	v28 =	vor.u32 $0x1, v8  }
0xff: {  	v22 =	vor.u32 $0x6, v8;
	v26 =	vor.u32 $0x3, v8;
	v24 =	vor.u32 $0x5, v8  }
0x100: {  	v1 =	vunpack.i.u.bf16.f32 v5;
	v3 =	vunpack.i.l.bf16.f32 v5;
	v4 =	vunpack.i.l.bf16.f32 v2  }
0x101: {  	s9 =	smul.u32 $0x640, s4;
	v3 =	vadd.f32 v3, v7;
	v2 =	vunpack.i.u.bf16.f32 v2;
	v1 =	vadd.f32 v1, v7  }
0x102: {  	v30 =	vunpack.i.l.bf16.f32 v23;
	v5 =	vadd.f32 v2, v7;
	v2 =	vunpack.i.u.bf16.f32 v19  }
0x103: {  	s8 =	sshra.s32 s9, $0x2;
	s7 =	simm.s32 $0x80;
	v27 =	vunpack.i.u.bf16.f32 v17;
	v4 =	vadd.f32 v4, v7;
	v2 =	vadd.f32 v2, v7  }
.LBB2_4:
0x104: {  	s9 =	sshra.s32 s7, $0x2;
	p1 =	sne.s32 s7, $0x2C0;
	s7 =	sadd.s32 $0x40, s7;
	v31 =	vunpack.i.u.bf16.f32 v29;
	v19 =	vunpack.i.l.bf16.f32 v19;
	v23 =	vunpack.i.u.bf16.f32 v23  }
0x105: {  	v29 =	vunpack.i.l.bf16.f32 v29;
	v20 =	vadd.f32 v30, v20;
	v32 =	vld.idx.msk [tilespmem:v6+s9+$0x0 ss:$0x1], $0xffff;
	v7 =	vadd.f32 v19, v7  }
0x106: {  	v33 =	vor.u32 $0x2, v8;
	v17 =	vunpack.i.l.bf16.f32 v17;
	v21 =	vadd.f32 v23, v21;
	v30 =	vld.idx.msk [tilespmem:v8+s2+$0x0], $0xffff  }
0x107: {  	v34 =	vor.u32 $0x4, v8;
	v18 =	vadd.f32 v17, v18;
	v8 =	vor.u32 $0x7, v8;
	v28 =	vld.idx.msk [tilespmem:v28+s2+$0x0], $0xffff  }
0x108: {  	v15 =	vadd.f32 v27, v15;
	v14 =	vadd.f32 v29, v14;
	v17 =	vunpack.i.u.bf16.f32 v25;
	v19 =	vld.idx.msk [tilespmem:v26+s2+$0x0], $0xffff  }
0x109: {  	v13 =	vadd.f32 v17, v13;
	v23 =	vld.idx.msk [tilespmem:v24+s2+$0x0], $0xffff;
	v24 =	vunpack.i.l.bf16.f32 v25;
	v25 =	vunpack.i.l.bf16.f32 v16  }
0x10a: {  	v16 =	vunpack.i.u.bf16.f32 v16;
	v17 =	vld.idx.msk [tilespmem:v22+s2+$0x0], $0xffff;
	v11 =	vadd.f32 v24, v11;
	v12 =	vadd.f32 v25, v12  }
0x10b: {  	v9 =	vadd.f32 v31, v9;
	v10 =	vadd.f32 v16, v10;
	v29 =	vld.idx.msk [tilespmem:v33+s2+$0x0], $0xffff  }
0x10c: {  	v22 =	vunpack.i.u.bf16.f32 v30;
	v24 =	vunpack.i.l.bf16.f32 v30;
	v16 =	vld.idx.msk [tilespmem:v8+s2+$0x0], $0xffff  }
.Ltmp0:
0x10d: {  	v3 =	vadd.f32 v24, v3;
	v8 =	vunpack.i.u.bf16.f32 v28;
	v24 =	vunpack.i.l.bf16.f32 v28;
	v25 =	vld.idx.msk [tilespmem:v34+s2+$0x0], $0xffff;
	(pc) =	sbr.rel @p1 .LBB2_4-.Ltmp0, $4  }
0x10e: {  	v4 =	vadd.f32 v24, v4;
	v5 =	vadd.f32 v8, v5;
	v24 =	vunpack.i.u.bf16.f32 v19  }
0x10f: {  	v1 =	vadd.f32 v22, v1;
	v8 =	vshll.u32 v32, $0x3;
	v2 =	vadd.f32 v24, v2  }
0x110: {  	v28 =	vor.u32 $0x1, v8;
	v22 =	vor.u32 $0x6, v8;
	v30 =	vunpack.i.l.bf16.f32 v23  }
0x111: {  	v26 =	vor.u32 $0x3, v8;
	v24 =	vor.u32 $0x5, v8;
	v27 =	vunpack.i.u.bf16.f32 v17  }
0x112: {  	v6 =	vunpack.i.l.bf16.f32 v19  }
0x113: {  	v19 =	vunpack.i.u.bf16.f32 v29;
	v23 =	vunpack.i.u.bf16.f32 v23;
	v6 =	vadd.f32 v6, v7;
	v7 =	vld [tilespmem:s8+$0x13970]  }
0x114: {  	v29 =	vunpack.i.l.bf16.f32 v29;
	v20 =	vadd.f32 v30, v20;
	v17 =	vunpack.i.l.bf16.f32 v17  }
0x115: {  	v15 =	vadd.f32 v27, v15;
	v27 =	vunpack.i.l.bf16.f32 v16;
	v16 =	vunpack.i.u.bf16.f32 v16  }
0x116: {  	v30 =	vld.idx.msk [tilespmem:v8+s2+$0x0], $0xffff;
	v21 =	vadd.f32 v23, v21;
	v23 =	vor.u32 $0x2, v8;
	v17 =	vadd.f32 v17, v18  }
0x117: {  	v18 =	vld.idx.msk [tilespmem:v28+s2+$0x0], $0xffff;
	v28 =	vor.u32 $0x4, v8;
	v14 =	vadd.f32 v29, v14;
	v29 =	vunpack.i.u.bf16.f32 v25  }
0x118: {  	v25 =	vunpack.i.l.bf16.f32 v25;
	v12 =	vadd.f32 v27, v12;
	v7 =	vnsel vm0, $0x0, v7  }
0x119: {  	v26 =	vld.idx.msk [tilespmem:v26+s2+$0x0], $0xffff;
	v9 =	vadd.f32 v19, v9;
	v10 =	vadd.f32 v16, v10;
	v7 =	vshll.u32 v7, $0x3  }
0x11a: {  	v24 =	vld.idx.msk [tilespmem:v24+s2+$0x0], $0xffff;
	v8 =	vor.u32 $0x7, v8;
	v13 =	vadd.f32 v29, v13;
	v11 =	vadd.f32 v25, v11  }
0x11b: {  	v16 =	vunpack.i.u.bf16.f32 v30;
	v19 =	vld.idx.msk [tilespmem:v23+s2+$0x0], $0xffff;
	v23 =	vunpack.i.l.bf16.f32 v30;
	v27 =	vor.u32 $0x1, v7  }
0x11c: {  	v22 =	vld.idx.msk [tilespmem:v22+s2+$0x0], $0xffff;
	v25 =	vunpack.i.l.bf16.f32 v18;
	v18 =	vunpack.i.u.bf16.f32 v18;
	v1 =	vadd.f32 v16, v1  }
0x11d: {  	s9 =	simm.s32 $0x0;
	v3 =	vadd.f32 v23, v3;
	v4 =	vadd.f32 v25, v4;
	v23 =	vor.u32 $0x2, v7  }
0x11e: {  	v5 =	vadd.f32 v18, v5;
	v18 =	vunpack.i.u.bf16.f32 v26;
	v26 =	vunpack.i.l.bf16.f32 v26;
	v16 =	vld.idx.msk [tilespmem:v7+s9+$0x0], $0xffff  }
0x11f: {  	v2 =	vadd.f32 v18, v2;
	v18 =	vunpack.i.l.bf16.f32 v24;
	v29 =	vor.u32 $0x3, v7  }
0x120: {  	v24 =	vunpack.i.u.bf16.f32 v24;
	v6 =	vadd.f32 v26, v6;
	v26 =	vor.u32 $0x4, v7;
	v27 =	vld.idx.msk [tilespmem:v27+s9+$0x0], $0xffff  }
0x121: {  	v18 =	vadd.f32 v18, v20;
	v20 =	vadd.f32 v24, v21;
	v21 =	vunpack.i.l.bf16.f32 v22  }
0x122: {  	v25 =	vunpack.i.u.bf16.f32 v22;
	v24 =	vor.u32 $0x5, v7;
	v17 =	vadd.f32 v21, v17;
	v22 =	vld.idx.msk [tilespmem:v23+s9+$0x0], $0xffff  }
0x123: {  	v30 =	vunpack.i.u.bf16.f32 v19;
	v19 =	vunpack.i.l.bf16.f32 v19;
	v23 =	vld.idx.msk [tilespmem:v28+s2+$0x0], $0xffff;
	v21 =	vunpack.i.l.bf16.f32 v16  }
0x124: {  	v14 =	vadd.f32 v19, v14;
	v19 =	vld.idx.msk [tilespmem:v29+s9+$0x0], $0xffff;
	v16 =	vunpack.i.u.bf16.f32 v16;
	v3 =	vadd.f32 v21, v3  }
0x125: {  	v9 =	vadd.f32 v30, v9;
	v1 =	vadd.f32 v16, v1;
	v16 =	vunpack.i.l.bf16.f32 v27  }
0x126: {  	v21 =	vor.u32 $0x6, v7;
	v27 =	vunpack.i.u.bf16.f32 v27;
	v4 =	vadd.f32 v16, v4;
	v16 =	vld.idx.msk [tilespmem:v26+s9+$0x0], $0xffff;
	(xrf2) =	vadd.scan.msk.f32 $0xffff, v3  }
0x127: {  	v7 =	vor.u32 $0x7, v7;
	v5 =	vadd.f32 v27, v5;
	v3 =	vld.idx.msk [tilespmem:v8+s2+$0x0], $0xffff;
	v8 =	vunpack.i.l.bf16.f32 v22;
	(xrf2) =	vadd.scan.msk.f32 $0xffff, v1  }
0x128: {  	v22 =	vunpack.i.u.bf16.f32 v22;
	v1 =	vunpack.i.u.bf16.f32 v23;
	v8 =	vadd.f32 v8, v14;
	v14 =	vld.idx.msk [tilespmem:v24+s9+$0x0], $0xffff;
	(xrf2) =	vadd.scan.msk.f32 $0xffff, v4  }
0x129: {  	v9 =	vadd.f32 v22, v9;
	v22 =	vunpack.i.l.bf16.f32 v19;
	v4 =	vunpack.i.l.bf16.f32 v23;
	(xrf2) =	vadd.scan.msk.f32 $0xffff, v5  }
0x12a: {  	v6 =	vadd.f32 v22, v6;
	v4 =	vadd.f32 v4, v11;
	v5 =	vunpack.i.u.bf16.f32 v19;
	(xrf2) =	vadd.scan.msk.f32 $0xffff, v8  }
0x12b: {  	v1 =	vadd.f32 v1, v13;
	v11 =	vld.idx.msk [tilespmem:v21+s9+$0x0], $0xffff;
	v2 =	vadd.f32 v5, v2;
	v5 =	vunpack.i.l.bf16.f32 v16;
	(xrf2) =	vadd.scan.msk.f32 $0xffff, v9  }
0x12c: {  	v8 =	vadd.f32 v25, v15;
	v9 =	vunpack.i.u.bf16.f32 v16;
	v4 =	vadd.f32 v5, v4;
	v5 =	vld.idx.msk [tilespmem:v7+s9+$0x0], $0xffff;
	(xrf2) =	vadd.scan.msk.f32 $0xffff, v6  }
0x12d: {  	v6 =	vunpack.i.l.bf16.f32 v3;
	v1 =	vadd.f32 v9, v1;
	v7 =	vunpack.i.l.bf16.f32 v14;
	(xrf2) =	vadd.scan.msk.f32 $0xffff, v2  }
0x12e: {  	v2 =	vunpack.i.u.bf16.f32 v3;
	v3 =	vunpack.i.u.bf16.f32 v14;
	v7 =	vadd.f32 v7, v18;
	(xrf2) =	vadd.scan.msk.f32 $0xffff, v4  }
0x12f: {  	v4 =	vadd.f32 v6, v12;
	v3 =	vadd.f32 v3, v20;
	(xrf2) =	vadd.scan.msk.f32 $0xffff, v1  }
0x130: {  	v6 =	vunpack.i.l.bf16.f32 v11;
	v1 =	vadd.f32 v2, v10;
	v2 =	vunpack.i.u.bf16.f32 v11;
	v9, _, _ =	vpop (xrf2);
	(xrf2) =	vadd.scan.msk.f32 $0xffff, v7  }
0x131: {  	v6 =	vadd.f32 v6, v17;
	v2 =	vadd.f32 v2, v8;
	v8, _, _ =	vpop (xrf2);
	(xrf2) =	vadd.scan.msk.f32 $0xffff, v3;
	v3 =	vunpack.i.u.bf16.f32 v5  }
0x132: {  	v7 =	vunpack.i.l.bf16.f32 v5;
	[tilespmem:$0x16EB0] =	vst v9  }
0x133: {  	v4 =	vadd.f32 v7, v4;
	[tilespmem:$0x16EC0] =	vst v8;
	v5, _, _ =	vpop (xrf2);
	(xrf2) =	vadd.scan.msk.f32 $0xffff, v6;
	v1 =	vadd.f32 v3, v1  }
0x134: {  	[tilespmem:$0x16ED0] =	vst v5;
	v3, _, _ =	vpop (xrf2);
	(xrf2) =	vadd.scan.msk.f32 $0xffff, v2  }
0x135: {  	[tilespmem:$0x16EE0] =	vst v3;
	v2, _, _ =	vpop (xrf2);
	(xrf2) =	vadd.scan.msk.f32 $0xffff, v4  }
0x136: {  	[tilespmem:$0x16EF0] =	vst v2;
	v2, _, _ =	vpop (xrf2);
	(xrf2) =	vadd.scan.msk.f32 $0xffff, v1  }
0x137: {  	v1, _, _ =	vpop (xrf2);
	[tilespmem:$0x16F00] =	vst v2  }
0x138: {  	v2, _, _ =	vpop (xrf2);
	[tilespmem:$0x16F10] =	vst v1  }
0x139: {  	v1, _, _ =	vpop (xrf2);
	[tilespmem:$0x16F20] =	vst v2  }
0x13a: {  	v2, _, _ =	vpop (xrf2);
	[tilespmem:$0x16F30] =	vst v1  }
0x13b: {  	v1, _, _ =	vpop (xrf2);
	[tilespmem:$0x16F40] =	vst v2  }
0x13c: {  	v2, _, _ =	vpop (xrf2);
	[tilespmem:$0x16F50] =	vst v1  }
0x13d: {  	v1, _, _ =	vpop (xrf2);
	[tilespmem:$0x16F60] =	vst v2  }
0x13e: {  	v2, _, _ =	vpop (xrf2);
	[tilespmem:$0x16F70] =	vst v1  }
0x13f: {  	v1, _, _ =	vpop (xrf2);
	[tilespmem:$0x16F80] =	vst v2  }
0x140: {  	[tilespmem:$0x16F90] =	vst v1;
	v1, _, _ =	vpop (xrf2)  }
0x141: {  	[tilespmem:$0x16FA0] =	vst v1  }
0x142: {  	v1 =	vld.idx.msk [tilespmem:v0+s29+$0x0], $0xffff;
	_ =	sdelay $0x4  }
0x143: {  	s7 =	sshll.u32 s4, $0x5;
	v1 =	vmul.f32 $4.999999890e-03, v1  }
0x144: {  	s7 =	sand.u32 $0x3FFFFFE0, s7  }
0x145: {  	[tilespmem:s7+$0x16AB0] =	vst v1  }
0x146: {  	v1 =	vld [tilespmem:s8+$0x13970];
	_ =	sdelay $0x1  }
0x147: {  	v6 =	vmov s6;
	_ =	sdelay $0x2  }
0x148: {  	v1 =	vsel vm0, $0x0, v1  }
0x149: {  	s8 =	simm.s32 $0x0;
	v1 =	vshll.u32 v1, $0x3  }
0x14a: {  	v9 =	vld.idx.msk [tilespmem:v6+s8+$0x0 ss:$0x1], $0xffff;
	v2 =	vor.u32 $0x1, v1;
	_ =	sdelay $0x1  }
0x14b: {  	v3 =	vor.u32 $0x2, v1;
	_ =	sdelay $0x1  }
0x14c: {  	v5 =	vor.u32 $0x3, v1;
	v4 =	vld.idx.msk [tilespmem:v1+s9+$0x0], $0xffff  }
0x14d: {  	v18 =	vshll.u32 v9, $0x3;
	v2 =	vld.idx.msk [tilespmem:v2+s9+$0x0], $0xffff  }
0x14e: {  	v7 =	vor.u32 $0x4, v1  }
0x14f: {  	v8 =	vor.u32 $0x5, v1;
	v3 =	vld.idx.msk [tilespmem:v3+s9+$0x0], $0xffff  }
0x150: {  	v12 =	vor.u32 $0x6, v1  }
0x151: {  	v19 =	vor.u32 $0x3, v18;
	v11 =	vld.idx.msk [tilespmem:v5+s9+$0x0], $0xffff;
	v10 =	vunpack.i.u.bf16.f32 v4;
	v4 =	vunpack.i.l.bf16.f32 v4  }
0x152: {  	v1 =	vor.u32 $0x7, v1;
	v25 =	vld.idx.msk [tilespmem:v18+s2+$0x0], $0xffff;
	v15 =	vadd.f32 $0.0e+00, v4;
	v4 =	vunpack.i.l.bf16.f32 v2  }
0x153: {  	v21 =	vor.u32 $0x5, v18;
	v7 =	vld.idx.msk [tilespmem:v7+s9+$0x0], $0xffff;
	v2 =	vunpack.i.u.bf16.f32 v2;
	v16 =	vadd.f32 $0.0e+00, v4  }
0x154: {  	v17 =	vadd.f32 $0.0e+00, v2;
	v2 =	vunpack.i.u.bf16.f32 v3;
	v3 =	vunpack.i.l.bf16.f32 v3;
	v4 =	vld.idx.msk [tilespmem:v8+s9+$0x0], $0xffff  }
0x155: {  	v23 =	vor.u32 $0x6, v18;
	v8 =	vadd.f32 $0.0e+00, v3;
	v5 =	vadd.f32 $0.0e+00, v2  }
0x156: {  	v2 =	vunpack.i.u.bf16.f32 v11;
	v3 =	vunpack.i.l.bf16.f32 v11;
	v11 =	vld.idx.msk [tilespmem:v12+s9+$0x0], $0xffff;
	v12 =	vor.u32 $0x1, v18  }
0x157: {  	v27 =	vor.u32 $0x2, v18;
	v28 =	vor.u32 $0x7, v18;
	v31 =	vor.u32 $0x4, v18;
	v1 =	vld.idx.msk [tilespmem:v1+s9+$0x0], $0xffff  }
0x158: {  	v24 =	vld.idx.msk [tilespmem:v21+s2+$0x0], $0xffff;
	v21 =	vunpack.i.u.bf16.f32 v25;
	v9 =	vadd.f32 $0.0e+00, v3;
	v3 =	vunpack.i.l.bf16.f32 v7  }
0x159: {  	s9 =	simm.s32 $0x10;
	v20 =	vadd.f32 $0.0e+00, v2;
	v2 =	vunpack.i.u.bf16.f32 v7;
	v7 =	vunpack.i.l.bf16.f32 v4  }
0x15a: {  	v18 =	vunpack.i.l.bf16.f32 v25;
	v26 =	vld.idx.msk [tilespmem:v6+s9+$0x0 ss:$0x1], $0xffff;
	v4 =	vunpack.i.u.bf16.f32 v4;
	v13 =	vadd.f32 $0.0e+00, v7  }
0x15b: {  	v14 =	vadd.f32 $0.0e+00, v4;
	v4 =	vunpack.i.u.bf16.f32 v11;
	v7 =	vunpack.i.l.bf16.f32 v11;
	v11 =	vld.idx.msk [tilespmem:v12+s2+$0x0], $0xffff  }
0x15c: {  	v22 =	vld.idx.msk [tilespmem:v19+s2+$0x0], $0xffff;
	v10 =	vadd.f32 $0.0e+00, v10;
	v18 =	vadd.f32 v18, v15;
	v19 =	vunpack.i.u.bf16.f32 v1  }
0x15d: {  	v1 =	vunpack.i.l.bf16.f32 v1;
	v12 =	vadd.f32 $0.0e+00, v7;
	v7 =	vadd.f32 $0.0e+00, v4  }
0x15e: {  	v30 =	vunpack.i.l.bf16.f32 v24;
	v4 =	vadd.f32 $0.0e+00, v1;
	v1 =	vadd.f32 $0.0e+00, v19;
	v19 =	vld.idx.msk [tilespmem:v23+s2+$0x0], $0xffff  }
0x15f: {  	v25 =	vld.idx.msk [tilespmem:v27+s2+$0x0], $0xffff;
	v3 =	vadd.f32 $0.0e+00, v3;
	v2 =	vadd.f32 $0.0e+00, v2;
	v27 =	vshll.u32 v26, $0x3  }
0x160: {  	v29 =	vor.u32 $0x1, v27;
	v15 =	vunpack.i.u.bf16.f32 v11;
	v11 =	vunpack.i.l.bf16.f32 v11  }
0x161: {  	v26 =	vor.u32 $0x5, v27;
	v16 =	vadd.f32 v11, v16;
	v15 =	vadd.f32 v15, v17  }
0x162: {  	v11 =	vunpack.i.u.bf16.f32 v22;
	v17 =	vadd.f32 v21, v10;
	v10 =	vld.idx.msk [tilespmem:v28+s2+$0x0], $0xffff;
	v21 =	vor.u32 $0x6, v27  }
0x163: {  	s8 =	simm.s32 $0x80;
	v28 =	vor.u32 $0x3, v27;
	v23 =	vunpack.i.u.bf16.f32 v19;
	v11 =	vadd.f32 v11, v20;
	v20 =	vld.idx.msk [tilespmem:v31+s2+$0x0], $0xffff  }
.LBB2_6:
0x164: {  	s9 =	sshra.s32 s8, $0x2;
	p1 =	sne.s32 s8, $0x2C0;
	s8 =	sadd.s32 $0x40, s8;
	v31 =	vunpack.i.u.bf16.f32 v25;
	v22 =	vunpack.i.l.bf16.f32 v22;
	v24 =	vunpack.i.u.bf16.f32 v24  }
0x165: {  	v25 =	vunpack.i.l.bf16.f32 v25;
	v13 =	vadd.f32 v30, v13;
	v32 =	vld.idx.msk [tilespmem:v6+s9+$0x0 ss:$0x1], $0xffff;
	v9 =	vadd.f32 v22, v9  }
0x166: {  	v33 =	vor.u32 $0x2, v27;
	v19 =	vunpack.i.l.bf16.f32 v19;
	v14 =	vadd.f32 v24, v14;
	v30 =	vld.idx.msk [tilespmem:v27+s2+$0x0], $0xffff  }
0x167: {  	v34 =	vor.u32 $0x4, v27;
	v12 =	vadd.f32 v19, v12;
	v27 =	vor.u32 $0x7, v27;
	v29 =	vld.idx.msk [tilespmem:v29+s2+$0x0], $0xffff  }
0x168: {  	v7 =	vadd.f32 v23, v7;
	v8 =	vadd.f32 v25, v8;
	v19 =	vunpack.i.u.bf16.f32 v20;
	v22 =	vld.idx.msk [tilespmem:v28+s2+$0x0], $0xffff  }
0x169: {  	v23 =	vunpack.i.l.bf16.f32 v10;
	v20 =	vunpack.i.l.bf16.f32 v20;
	v2 =	vadd.f32 v19, v2;
	v24 =	vld.idx.msk [tilespmem:v26+s2+$0x0], $0xffff  }
0x16a: {  	v10 =	vunpack.i.u.bf16.f32 v10;
	v4 =	vadd.f32 v23, v4;
	v3 =	vadd.f32 v20, v3;
	v19 =	vld.idx.msk [tilespmem:v21+s2+$0x0], $0xffff  }
0x16b: {  	v5 =	vadd.f32 v31, v5;
	v1 =	vadd.f32 v10, v1;
	v25 =	vld.idx.msk [tilespmem:v33+s2+$0x0], $0xffff  }
0x16c: {  	v21 =	vunpack.i.u.bf16.f32 v30;
	v20 =	vunpack.i.l.bf16.f32 v30;
	v10 =	vld.idx.msk [tilespmem:v27+s2+$0x0], $0xffff  }
.Ltmp1:
0x16d: {  	v18 =	vadd.f32 v20, v18;
	v23 =	vunpack.i.u.bf16.f32 v29;
	v26 =	vunpack.i.l.bf16.f32 v29;
	v20 =	vld.idx.msk [tilespmem:v34+s2+$0x0], $0xffff;
	(pc) =	sbr.rel @p1 .LBB2_6-.Ltmp1, $4  }
0x16e: {  	v16 =	vadd.f32 v26, v16;
	v15 =	vadd.f32 v23, v15;
	v23 =	vunpack.i.u.bf16.f32 v22  }
0x16f: {  	v27 =	vshll.u32 v32, $0x3;
	v17 =	vadd.f32 v21, v17;
	v11 =	vadd.f32 v23, v11  }
0x170: {  	v29 =	vor.u32 $0x1, v27;
	v21 =	vor.u32 $0x6, v27;
	v30 =	vunpack.i.l.bf16.f32 v24  }
0x171: {  	v28 =	vor.u32 $0x3, v27;
	v26 =	vor.u32 $0x5, v27;
	v23 =	vunpack.i.u.bf16.f32 v19  }
0x172: {  	_ =	sdelay $0x2  }
0x173: {  	v31 =	vor.u32 $0x2, v27  }
0x174: {  	v6 =	vld.idx.msk [tilespmem:v27+s2+$0x0], $0xffff;
	_ =	sdelay $0x1  }
0x175: {  	v22 =	vunpack.i.l.bf16.f32 v22;
	v29 =	vld.idx.msk [tilespmem:v29+s2+$0x0], $0xffff;
	v24 =	vunpack.i.u.bf16.f32 v24;
	v61 =	vor.u32 $0x4, v27  }
0x176: {  	v13 =	vadd.f32 v30, v13;
	v33 =	vunpack.i.u.bf16.f32 v25;
	v34 =	vunpack.i.l.bf16.f32 v25  }
0x177: {  	v19 =	vunpack.i.l.bf16.f32 v19;
	v35 =	vor.u32 $0x7, v27;
	v39 =	vunpack.i.u.bf16.f32 v20;
	v62 =	vld.idx.msk [tilespmem:v31+s2+$0x0], $0xffff  }
0x178: {  	v42 =	vunpack.i.l.bf16.f32 v20;
	v48 =	vadd.f32 v23, v7;
	v63 =	vunpack.i.l.bf16.f32 v6  }
0x179: {  	v28 =	vld.idx.msk [tilespmem:v28+s2+$0x0], $0xffff;
	v51 =	vunpack.i.l.bf16.f32 v10;
	v6 =	vunpack.i.u.bf16.f32 v6;
	v18 =	vadd.f32 v63, v18  }
0x17a: {  	v9 =	vadd.f32 v22, v9;
	v36 =	vunpack.i.l.bf16.f32 v29;
	v6 =	vadd.f32 v6, v17  }
0x17b: {  	v8 =	vadd.f32 v34, v8;
	v37 =	vunpack.i.u.bf16.f32 v29;
	v22 =	vld.idx.msk [tilespmem:v61+s2+$0x0], $0xffff;
	v16 =	vadd.f32 v36, v16;
	(xrf2) =	vadd.scan.msk.f32 $0xffff, v18  }
0x17c: {  	v5 =	vadd.f32 v33, v5;
	v15 =	vadd.f32 v37, v15;
	(xrf2) =	vadd.scan.msk.f32 $0xffff, v6;
	v38 =	vunpack.i.l.bf16.f32 v62  }
0x17d: {  	v40 =	vld.idx.msk [tilespmem:v26+s2+$0x0], $0xffff;
	v53 =	vunpack.i.u.bf16.f32 v10;
	v41 =	vunpack.i.u.bf16.f32 v62;
	(xrf2) =	vadd.scan.msk.f32 $0xffff, v16;
	v8 =	vadd.f32 v38, v8  }
0x17e: {  	v44 =	vld.idx.msk [tilespmem:v21+s2+$0x0], $0xffff;
	v14 =	vadd.f32 v24, v14;
	v43 =	vunpack.i.l.bf16.f32 v28;
	v5 =	vadd.f32 v41, v5;
	(xrf2) =	vadd.scan.msk.f32 $0xffff, v15  }
0x17f: {  	v3 =	vadd.f32 v42, v3;
	v45 =	vunpack.i.u.bf16.f32 v28;
	v9 =	vadd.f32 v43, v9;
	(xrf2) =	vadd.scan.msk.f32 $0xffff, v8  }
0x180: {  	v2 =	vadd.f32 v39, v2;
	v46 =	vadd.f32 v45, v11;
	v47 =	vunpack.i.l.bf16.f32 v22;
	(xrf2) =	vadd.scan.msk.f32 $0xffff, v5  }
0x181: {  	v12 =	vadd.f32 v19, v12;
	v49 =	vld.idx.msk [tilespmem:v35+s2+$0x0], $0xffff;
	v50 =	vunpack.i.u.bf16.f32 v22;
	v3 =	vadd.f32 v47, v3;
	(xrf2) =	vadd.scan.msk.f32 $0xffff, v9  }
0x182: {  	v1 =	vadd.f32 v53, v1;
	v52 =	vunpack.i.l.bf16.f32 v40;
	v2 =	vadd.f32 v50, v2;
	(xrf2) =	vadd.scan.msk.f32 $0xffff, v46  }
0x183: {  	v54 =	vunpack.i.u.bf16.f32 v40;
	v56 =	vunpack.i.l.bf16.f32 v44;
	v9 =	vadd.f32 v52, v13;
	(xrf2) =	vadd.scan.msk.f32 $0xffff, v3  }
0x184: {  	v55 =	vadd.f32 v54, v14;
	v57 =	vadd.f32 v56, v12;
	(xrf2) =	vadd.scan.msk.f32 $0xffff, v2;
	v2 =	vunpack.i.u.bf16.f32 v44  }
0x185: {  	v3 =	vadd.f32 v51, v4;
	v58, _, _ =	vpop (xrf2);
	(xrf2) =	vadd.scan.msk.f32 $0xffff, v9;
	v2 =	vadd.f32 v2, v48  }
0x186: {  	v59 =	vunpack.i.l.bf16.f32 v49;
	v61 =	vunpack.i.u.bf16.f32 v49;
	[tilespmem:$0x16EB0] =	vst v58;
	v60, _, _ =	vpop (xrf2);
	(xrf2) =	vadd.scan.msk.f32 $0xffff, v55  }
0x187: {  	v1 =	vadd.f32 v61, v1;
	v3 =	vadd.f32 v59, v3;
	[tilespmem:$0x16EC0] =	vst v60;
	v62, _, _ =	vpop (xrf2);
	(xrf2) =	vadd.scan.msk.f32 $0xffff, v57  }
0x188: {  	[tilespmem:$0x16ED0] =	vst v62;
	v63, _, _ =	vpop (xrf2);
	(xrf2) =	vadd.scan.msk.f32 $0xffff, v2  }
0x189: {  	[tilespmem:$0x16EE0] =	vst v63;
	v2, _, _ =	vpop (xrf2);
	(xrf2) =	vadd.scan.msk.f32 $0xffff, v3  }
0x18a: {  	[tilespmem:$0x16EF0] =	vst v2;
	v2, _, _ =	vpop (xrf2);
	(xrf2) =	vadd.scan.msk.f32 $0xffff, v1  }
0x18b: {  	v1, _, _ =	vpop (xrf2);
	[tilespmem:$0x16F00] =	vst v2  }
0x18c: {  	v2, _, _ =	vpop (xrf2);
	[tilespmem:$0x16F10] =	vst v1  }
0x18d: {  	v1, _, _ =	vpop (xrf2);
	[tilespmem:$0x16F20] =	vst v2  }
0x18e: {  	v2, _, _ =	vpop (xrf2);
	[tilespmem:$0x16F30] =	vst v1  }
0x18f: {  	v1, _, _ =	vpop (xrf2);
	[tilespmem:$0x16F40] =	vst v2  }
0x190: {  	v2, _, _ =	vpop (xrf2);
	[tilespmem:$0x16F50] =	vst v1  }
0x191: {  	v1, _, _ =	vpop (xrf2);
	[tilespmem:$0x16F60] =	vst v2  }
0x192: {  	v2, _, _ =	vpop (xrf2);
	[tilespmem:$0x16F70] =	vst v1  }
0x193: {  	v1, _, _ =	vpop (xrf2);
	[tilespmem:$0x16F80] =	vst v2  }
0x194: {  	[tilespmem:$0x16F90] =	vst v1;
	v1, _, _ =	vpop (xrf2)  }
0x195: {  	[tilespmem:$0x16FA0] =	vst v1  }
0x196: {  	v1 =	vld.idx.msk [tilespmem:v0+s29+$0x0], $0xffff  }
0x197: {  	s4 =	sadd.s32 $0x1, s4  }
0x198: {  	p1 =	sne.s32 s4, $0x20  }
.Ltmp2:
0x199: {  	_ = 	snop;
	(pc) =	sbr.rel @p1 .LBB2_3-.Ltmp2, $3  }
0x19a: {  	_ = 	snop  }
0x19b: {  	v1 =	vmul.f32 $4.999999890e-03, v1;
	_ =	sdelay $0x1  }
0x19c: {  	s5 =	sadd.s32 $0x190, s5;
	s6 =	sadd.s32 $0x190, s6;
	[tilespmem:s7+$0x16AC0] =	vst v1  }
0x19d: {  	s0 =	smul.u32 $0x180, s0;
	s4 =	smov.u32 s28  }
0x19e: {  	s4 =	simm.s32 @!p0 $0x170  }
0x19f: {  	s1 =	sadd.s32 $0x1, s1;
	s0 =	sor.u32 s4, s0  }
0x1a0: {  	p0 =	sne.s32 s1, $0x12;
	s0 =	sshrl.u32 s0, $0x3  }
.Ltmp3:
0x1a1: {  	s0 =	sadd.s32 s3, s0;
	(pc) =	sbr.rel @p0 .LBB2_2-.Ltmp3, $4  }
0x1a2: {  	[hbm4b:s0+s20] =	stream.strided.scatter [tilespmem:s30], [sflag:$0x2], $0x400, s23, s20, $0x38;
	[tilespmem:$0x17830] =	vst v63  }
0x1a3: {  	_ =	swait.ge [sflag:s16], $0x400  }
0x1a4: {  	[sflag:s16] =	ssyncset.done $0x0  }
0x1a5: {  	[sflag:s16] =	ssyncadd.s32 $0xFFFFFC00  }
0x1a6: {  	s31 =	sadd.s32 $0x1, s31;
	s0 =	rddreg [dreg:$0x13]  }
0x1a7: {  	p0 =	sne.s32 s31, s0  }
.Ltmp4:
0x1a8: {  	_ = 	snop;
	(pc) =	sbr.rel @p0 .LBB2_1-.Ltmp4, $1  }
0x1a9: {  	_ =	sdelay $0x3  }
0x1aa: {  	_ =	sfence.sel $0x180000  }
0x1ab: {  	[bflag:$0x0] =	sbarrier.arrive $0xFFFF  }
0x1ac: {  	_ =	strace $0x90000047  }
0x1ad: {  	s0 =	stileid.u32;
	[bflag:$0x2] =	sbarrier.arrive $0xFFFF  }
0x1ae: {  	p0 =	sne.s32 s0, $0x0;
	s0 =	rddreg [dreg:$0x1]  }
0x1af: {  	s0 =	sadd.s32 @!p0 $0x100000, s0  }
0x1b0: {  	[sflag:s0] =	ssyncadd.tile.s32 @!p0 $0x1;
	_ =	shalt  }
.Lfunc_end2:
_tile_overlayer_lowered:
.L_overlay_start_2:
0x1b1: {  	(tag) =	ssettag $0x2  }
0x1b2: {  	s0 =	rddreg [dreg:$0x0];
	s2 =	stileid.u32  }
0x1b3: {  	s1 =	rddreg [dreg:$0x1];
	p0 =	sne.s32 s2, $0x0  }
0x1b4: {  	s3 =	rddreg [dreg:$0x2];
	[bflag:$0x3] =	sbarrier.arrive $0xFFFF;
	s2 =	simm.s32 @!p0 $0x1C02  }
0x1b5: {  	[timem:s3], [sflag:s2] =	dma.local @!p0 [hbm:s0], s1  }
0x1b6: {  	s0 =	simm.s32 @!p0 $0x2  }
0x1b7: {  	_ =	swait.ge @!p0 [sflag:s0], s1  }
0x1b8: {  	s1 =	ssub.s32 @!p0 $0x0, s1;
	[sflag:s0] =	ssyncset.done @!p0 $0x0  }
0x1b9: {  	[sflag:s0] =	ssyncadd.s32 @!p0 s1  }
0x1ba: {  	[bflag:$0x3] =	sbarrier.arrive $0xFFFF  }
0x1bb: {  	_ =	shalt  }

</sc_bundles>
